<compile_context>
chip_gen: v7x
topology: tpu7x:2x2x1
jax: 0.10.2.dev20260603
libtpu: 0.0.44.dev20260713+nightly
codegen_flags: <defaults>
</compile_context>

<pallas_src>
import functools

import jax
import jax.numpy as jnp
from jax import lax
from jax.experimental import pallas as pl
from jax.experimental.pallas import tpu as pltpu
from jax.experimental.pallas import tpu_sc as plsc

N = 10000
E = 160000
D_IN = 256
D1 = 100
D1P = 112
D2 = 64
D3 = 32

NC = 2
NS = 16
NT = NC * NS
NPAD = 10240
SL = NPAD // NS
CHE = 100
NCHC = 50
EPT = NCHC * CHE

BR = 1024
GRID = NPAD // BR

_mesh = plsc.VectorSubcoreMesh(
    core_axis_name="c", subcore_axis_name="s", num_cores=NC, num_subcores=NS)
_sc_params = pltpu.CompilerParams(
    needs_layout_passes=False, use_tc_tiling_on_sc=False)


def _wid():
    return lax.axis_index("c") * NS + lax.axis_index("s")


def _zero_vmem_1d(ref, n):
    z = jnp.zeros((16,), jnp.float32)

    def body(i, _):
        ref[pl.ds(i * 16, 16)] = z
        return _

    lax.fori_loop(0, n // 16, body, None)


def _combine_and_store(hist, shared, red, outb, out_hbm):
    sid = lax.axis_index("s")
    cid = lax.axis_index("c")
    pltpu.sync_copy(hist, shared.at[sid])
    plsc.subcore_barrier()
    pltpu.sync_copy(shared.at[:, pl.ds(sid * SL, SL)], red)

    def body(j, _):
        sl = pl.ds(j * 16, 16)
        acc = red[0, sl]
        for k in range(1, NS):
            acc = acc + red[k, sl]
        outb[sl] = acc
        return _

    lax.fori_loop(0, SL // 16, body, None)
    pltpu.sync_copy(outb, out_hbm.at[cid, pl.ds(sid * SL, SL)])


@functools.partial(
    pl.kernel,
    out_type=jax.ShapeDtypeStruct((NC, NPAD), jnp.float32),
    mesh=_mesh,
    compiler_params=_sc_params,
    scratch_types=[
        pltpu.VMEM((NPAD,), jnp.float32),
        pltpu.VMEM((NCHC, CHE), jnp.int32),
        pltpu.VMEM_SHARED((NS, NPAD), jnp.float32),
        pltpu.VMEM((NS, SL), jnp.float32),
        pltpu.VMEM((SL,), jnp.float32),
    ],
)
def _deg_call(eixc_hbm, out_hbm, hist, dif, shared, red, outb):
    wid = _wid()
    pltpu.sync_copy(eixc_hbm.at[1, wid], dif)
    _zero_vmem_1d(hist, NPAD)
    ones = jnp.ones((16,), jnp.float32)
    tmask = lax.iota(jnp.int32, 16) >= (16 - CHE % 16)

    def body(c, _):
        for j in range(CHE // 16):
            idx = dif[c, pl.ds(j * 16, 16)]
            plsc.addupdate_scatter(hist, [idx], ones)
        idx = dif[c, pl.ds(CHE - 16, 16)]
        plsc.addupdate_scatter(hist, [idx], ones, mask=tmask)
        return _

    lax.fori_loop(0, NCHC, body, None)
    _combine_and_store(hist, shared, red, outb, out_hbm)


@functools.partial(
    pl.kernel,
    out_type=jax.ShapeDtypeStruct((NC, NPAD), jnp.float32),
    mesh=_mesh,
    compiler_params=_sc_params,
    scratch_types=[
        pltpu.VMEM((NPAD,), jnp.float32),
        pltpu.VMEM((NPAD,), jnp.float32),
        pltpu.VMEM((NCHC, CHE), jnp.int32),
        pltpu.VMEM((NCHC, CHE), jnp.int32),
        pltpu.VMEM_SHARED((NS, NPAD), jnp.float32),
        pltpu.VMEM((NS, SL), jnp.float32),
        pltpu.VMEM((SL,), jnp.float32),
    ],
)
def _g_call(dinv_hbm, eixc_hbm, out_hbm, dtab, hist, sif, dif,
            shared, red, outb):
    wid = _wid()
    pltpu.sync_copy(eixc_hbm.at[0, wid], sif)
    pltpu.sync_copy(eixc_hbm.at[1, wid], dif)
    pltpu.sync_copy(dinv_hbm, dtab)
    _zero_vmem_1d(hist, NPAD)
    tmask = lax.iota(jnp.int32, 16) >= (16 - CHE % 16)

    def body(c, _):
        for j in range(CHE // 16):
            sl = pl.ds(j * 16, 16)
            vals = plsc.load_gather(dtab, [dif[c, sl]])
            plsc.addupdate_scatter(hist, [sif[c, sl]], vals)
        sl = pl.ds(CHE - 16, 16)
        vals = plsc.load_gather(dtab, [dif[c, sl]], mask=tmask)
        plsc.addupdate_scatter(hist, [sif[c, sl]], vals, mask=tmask)
        return _

    lax.fori_loop(0, NCHC, body, None)
    _combine_and_store(hist, shared, red, outb, out_hbm)


def _ring_body(hp_hbm, sidx, didx, rows0, rows1, gs0, gs1, acc):
    pltpu.async_copy(hp_hbm.at[sidx.at[0]], rows0, gs0)

    def body(i, _):
        c0 = 2 * i
        c1 = c0 + 1
        pltpu.async_copy(hp_hbm.at[sidx.at[c1]], rows1, gs1)
        pltpu.make_async_copy(hp_hbm.at[sidx.at[c0]], rows0, gs0).wait()
        pltpu.sync_copy(rows0, acc.at[didx.at[c0]], add=True)

        @pl.when(i < NCHC // 2 - 1)
        def _nx():
            pltpu.async_copy(hp_hbm.at[sidx.at[c0 + 2]], rows0, gs0)

        pltpu.make_async_copy(hp_hbm.at[sidx.at[c1]], rows1, gs1).wait()
        pltpu.sync_copy(rows1, acc.at[didx.at[c1]], add=True)
        return _

    lax.fori_loop(0, NCHC // 2, body, None)


def _make_agg(d):
    @functools.partial(
        pl.kernel,
        out_type=jax.ShapeDtypeStruct((NC, NPAD, d), jnp.float32),
        mesh=_mesh,
        compiler_params=_sc_params,
        scratch_types=[
            pltpu.VMEM((NCHC, CHE), jnp.int32),
            pltpu.VMEM((NCHC, CHE), jnp.int32),
            pltpu.VMEM((CHE, d), jnp.float32),
            pltpu.VMEM((CHE, d), jnp.float32),
            pltpu.SemaphoreType.DMA,
            pltpu.SemaphoreType.DMA,
            pltpu.VMEM_SHARED((NPAD, d), jnp.float32),
        ],
    )
    def agg(hp_hbm, eixc_hbm, s_hbm, sidx, didx,
            rows0, rows1, gs0, gs1, acc):
        cid = lax.axis_index("c")
        sid = lax.axis_index("s")
        wid = cid * NS + sid
        pltpu.sync_copy(eixc_hbm.at[0, wid], sidx)
        pltpu.sync_copy(eixc_hbm.at[1, wid], didx)
        z = jnp.zeros((16,), jnp.float32)

        def zbody(r, _):
            for j in range(d // 16):
                rows0[r, pl.ds(j * 16, 16)] = z
            return _

        lax.fori_loop(0, 80, zbody, None)
        for q in range(SL // 80):
            pltpu.sync_copy(rows0.at[pl.ds(0, 80)],
                            acc.at[pl.ds(sid * SL + q * 80, 80)])
        plsc.subcore_barrier()
        _ring_body(hp_hbm, sidx, didx, rows0, rows1, gs0, gs1, acc)
        plsc.subcore_barrier()
        pltpu.sync_copy(acc.at[pl.ds(sid * SL, SL)],
                        s_hbm.at[cid, pl.ds(sid * SL, SL)])

    return agg


_agg1_call = _make_agg(D1P)
_agg2_call = _make_agg(D2)


def _mm1_body(cnt_ref, x_ref, w_ref, p_ref, dvc_ref, dv1_ref):
    i = pl.program_id(0)
    cb = cnt_ref[...]
    deg = cb[0:1, :] + cb[1:2, :] + 1.0
    col = lax.broadcasted_iota(jnp.int32, (1, BR), 1) + i * BR
    dvr = jnp.where(col < N, lax.rsqrt(deg), 0.0)
    dv1_ref[...] = dvr[0]
    dvc = jnp.transpose(dvr)
    dvc_ref[...] = dvc
    p_ref[...] = jnp.dot(x_ref[...], w_ref[...],
                         preferred_element_type=jnp.float32) * dvc


def _mm2_body(s_ref, p1_ref, dv_ref, b1_ref, w2_ref, out_ref):
    dv = dv_ref[...]
    h = dv * (s_ref[0] + s_ref[1] + p1_ref[...]) + b1_ref[...]
    h = jnp.maximum(h, 0.0)
    out_ref[...] = jnp.dot(h, w2_ref[...],
                           preferred_element_type=jnp.float32) * dv


def _fin_body(s_ref, p2_ref, dvc_ref, dv1_ref, g_ref, b2_ref,
              w3_ref, b3_ref, out_ref, acc_ref):
    i = pl.program_id(0)

    @pl.when(i == 0)
    def _z():
        acc_ref[...] = jnp.zeros_like(acc_ref)

    dvc = dvc_ref[...]
    h = jnp.maximum(
        dvc * (s_ref[0] + s_ref[1] + p2_ref[...]) + b2_ref[...], 0.0)
    gb = g_ref[...]
    dvr = dv1_ref[...][None, :]
    c = dvr * (gb[0:1, :] + gb[1:2, :] + dvr)
    acc_ref[...] += jnp.dot(c, h, preferred_element_type=jnp.float32)

    @pl.when(i == GRID - 1)
    def _f():
        out_ref[...] = jnp.dot(acc_ref[...] * (1.0 / N), w3_ref[...],
                               preferred_element_type=jnp.float32) + b3_ref[...]


def _col_spec(d):
    return pl.BlockSpec((BR, d), lambda i: (i, 0))


def _row_spec():
    return pl.BlockSpec((2, BR), lambda i: (0, i))


def _s_spec(d):
    return pl.BlockSpec((2, BR, d), lambda i: (0, i, 0))


def _const_spec(shape):
    return pl.BlockSpec(shape, lambda i: tuple(0 for _ in shape))


def kernel(x, edge_index, W1, b1, W2, b2, W3, b3):
    f32 = jnp.float32
    ei32 = edge_index.astype(jnp.int32)
    eixc = ei32.reshape(2, NT, NCHC, CHE)
    xpad = jnp.zeros((NPAD, D_IN), f32).at[:N].set(x)
    W1p = jnp.zeros((D_IN, D1P), f32).at[:, :D1].set(W1)
    b1p = jnp.zeros((1, D1P), f32).at[0, :D1].set(b1)
    W2p = jnp.zeros((D1P, D2), f32).at[:D1].set(W2)

    cnt2 = _deg_call(eixc)

    P1p, dinvc, dinv1 = pl.pallas_call(
        _mm1_body,
        grid=(GRID,),
        in_specs=[_row_spec(), _col_spec(D_IN), _const_spec((D_IN, D1P))],
        out_specs=[_col_spec(D1P), _col_spec(1),
                   pl.BlockSpec((BR,), lambda i: (i,))],
        out_shape=[jax.ShapeDtypeStruct((NPAD, D1P), f32),
                   jax.ShapeDtypeStruct((NPAD, 1), f32),
                   jax.ShapeDtypeStruct((NPAD,), f32)],
    )(cnt2, xpad, W1p)

    g2 = _g_call(dinv1, eixc)

    S1 = _agg1_call(P1p, eixc)

    P2p = pl.pallas_call(
        _mm2_body,
        grid=(GRID,),
        in_specs=[_s_spec(D1P), _col_spec(D1P), _col_spec(1),
                  _const_spec((1, D1P)), _const_spec((D1P, D2))],
        out_specs=_col_spec(D2),
        out_shape=jax.ShapeDtypeStruct((NPAD, D2), f32),
    )(S1, P1p, dinvc, b1p, W2p)

    S2 = _agg2_call(P2p, eixc)

    out = pl.pallas_call(
        _fin_body,
        grid=(GRID,),
        in_specs=[_s_spec(D2), _col_spec(D2), _col_spec(1),
                  pl.BlockSpec((BR,), lambda i: (i,)), _row_spec(),
                  _const_spec((1, D2)), _const_spec((D2, D3)),
                  _const_spec((1, D3))],
        out_specs=_const_spec((1, D3)),
        out_shape=jax.ShapeDtypeStruct((1, D3), f32),
        scratch_shapes=[pltpu.VMEM((1, D2), f32)],
    )(S2, P2p, dinvc, dinv1, g2, b2[None, :], W3, b3[None, :])

    return out

# --- scband reference (transcript-rebuilt; emitter-appended) ---
"""Pipeline reference for scband-custom-gcn-54863912239767 (READ-ONLY COPY).

The authoritative reference and input builder live on the scoring server;
editing this copy changes nothing except your own understanding.
"""

import jax, jax.numpy as jnp
import numpy as np

N = 10000
E = 160000
D_IN = 256


def gcn_conv(x, W, b, src, dst, n):
    # PyG GCNConv: h = D^{-1/2} (A + I) D^{-1/2} X W + b (self-loops already in src/dst)
    h = x @ W
    ones = jnp.ones(src.shape[0], dtype=h.dtype)
    deg = jnp.zeros((n,), dtype=h.dtype).at[dst].add(ones)
    dinv = jnp.where(deg > 0, deg ** -0.5, 0.0)
    norm = dinv[src] * dinv[dst]
    msg = h[src] * norm[:, None]
    out = jnp.zeros((n, h.shape[1]), dtype=h.dtype).at[dst].add(msg)
    return out + b


def setup_inputs(seed: int = 0) -> dict:
    key = jax.random.key(seed)
    ks = jax.random.split(key, 8)
    x = jax.random.normal(ks[0], (N, D_IN), dtype=jnp.float32)
    edge_index = jax.random.randint(ks[1], (2, E), 0, N, dtype=jnp.int64)
    W1 = jax.random.normal(ks[2], (D_IN, 100), dtype=jnp.float32) * (1.0 / np.sqrt(D_IN))
    b1 = jnp.zeros((100,), dtype=jnp.float32)
    W2 = jax.random.normal(ks[3], (100, 64), dtype=jnp.float32) * (1.0 / np.sqrt(100.0))
    b2 = jnp.zeros((64,), dtype=jnp.float32)
    W3 = jax.random.normal(ks[4], (64, 32), dtype=jnp.float32) * (1.0 / np.sqrt(64.0))
    b3 = jnp.zeros((32,), dtype=jnp.float32)
    return {"x": x, "edge_index": edge_index, "W1": W1, "b1": b1, "W2": W2, "b2": b2, "W3": W3, "b3": b3}


def reference(x, edge_index, W1, b1, W2, b2, W3, b3):
    n = x.shape[0]
    loops = jnp.arange(n, dtype=edge_index.dtype)
    src = jnp.concatenate([edge_index[0], loops])
    dst = jnp.concatenate([edge_index[1], loops])
    h = jax.nn.relu(gcn_conv(x, W1, b1, src, dst, n))
    h = jax.nn.relu(gcn_conv(h, W2, b2, src, dst, n))
    h = gcn_conv(h, W3, b3, src, dst, n)
    # global_mean_pool with batch = zeros -> mean over all nodes, shape [1, 32]
    return jnp.mean(h, axis=0, keepdims=True)

if __name__ == "__main__":
    import jax
    _d = setup_inputs()
    print(jax.jit(kernel)(*tuple(_d.values())))

</pallas_src>

<mosaic_0001>
#map = affine_map<(d0, d1) -> (0, 0, 0, 0)>
#map1 = affine_map<(d0, d1) -> (0, 0)>
module attributes {stable_mosaic.version = 14 : i64} {
  func.func @_deg_call(%arg0: i32, %arg1: i32, %arg2: memref<2x32x50x100xi32, #tpu.memory_space<hbm>>, %arg3: memref<2x10240xf32, #tpu.memory_space<hbm>>, %arg4: memref<10240xf32, #tpu.memory_space<vmem>>, %arg5: memref<50x100xi32, #tpu.memory_space<vmem>>, %arg6: memref<16x10240xf32, #tpu.memory_space<vmem_shared>>, %arg7: memref<16x640xf32, #tpu.memory_space<vmem>>, %arg8: memref<640xf32, #tpu.memory_space<vmem>>) attributes {dimension_semantics = [#tpu.dimension_semantics<core_parallel>, #tpu.dimension_semantics<subcore_parallel>], iteration_bounds = array<i64: 2, 16>, scalar_prefetch = 0 : i64, scratch_operands = 5 : i64, tpu.core_type = #tpu.core_type<sc_vector_subcore>, window_params = [{transform_indices = #map}, {transform_indices = #map1}]} {
    %mul3A = arith.constant 16 : i32
    %mul3A_0 = arith.muli %arg0, %mul3A : i32
    %add3A = arith.addi %mul3A_0, %arg1 : i32
    %run_scoped3A = arith.constant 1 : i32
    "tpu.region"() ({
      %run_scoped3A_24 = tpu.sem_alloc : memref<!tpu.dma_semaphore, #tpu.memory_space<semaphore_mem>>
      %dma_start3A = arith.constant 0 : i32
      %dma_start3A_25 = arith.constant 0 : i32
      %dma_start3A_26 = tpu.memref_slice %arg2[%run_scoped3A, %add3A, %dma_start3A, %dma_start3A_25] : memref<2x32x50x100xi32, #tpu.memory_space<hbm>> -> memref<1x1x50x100xi32, #tpu.memory_space<hbm>>
      %dma_start3A_27 = tpu.memref_squeeze %dma_start3A_26 : memref<1x1x50x100xi32, #tpu.memory_space<hbm>> -> memref<50x100xi32, #tpu.memory_space<hbm>>
      %dma_start3A_28 = arith.constant 0 : i32
      %dma_start3A_29 = arith.constant 0 : i32
      %dma_start3A_30 = tpu.memref_slice %arg2[%run_scoped3A, %add3A, %dma_start3A_28, %dma_start3A_29] : memref<2x32x50x100xi32, #tpu.memory_space<hbm>> -> memref<1x1x50x100xi32, #tpu.memory_space<hbm>>
      %dma_start3A_31 = tpu.memref_squeeze %dma_start3A_30 : memref<1x1x50x100xi32, #tpu.memory_space<hbm>> -> memref<50x100xi32, #tpu.memory_space<hbm>>
      tpu.enqueue_dma source(%dma_start3A_31 : memref<50x100xi32, #tpu.memory_space<hbm>>) target(%arg5 : memref<50x100xi32, #tpu.memory_space<vmem>>) target_semaphore(%run_scoped3A_24 : memref<!tpu.dma_semaphore, #tpu.memory_space<semaphore_mem>>)
      %dma_wait3A = arith.constant 0 : i32
      %dma_wait3A_32 = arith.constant 0 : i32
      %dma_wait3A_33 = tpu.memref_slice %arg2[%run_scoped3A, %add3A, %dma_wait3A, %dma_wait3A_32] : memref<2x32x50x100xi32, #tpu.memory_space<hbm>> -> memref<1x1x50x100xi32, #tpu.memory_space<hbm>>
      %dma_wait3A_34 = tpu.memref_squeeze %dma_wait3A_33 : memref<1x1x50x100xi32, #tpu.memory_space<hbm>> -> memref<50x100xi32, #tpu.memory_space<hbm>>
      %dma_wait3A_35 = arith.constant 0 : i32
      %dma_wait3A_36 = arith.constant 0 : i32
      %dma_wait3A_37 = tpu.memref_slice %arg2[%run_scoped3A, %add3A, %dma_wait3A_35, %dma_wait3A_36] : memref<2x32x50x100xi32, #tpu.memory_space<hbm>> -> memref<1x1x50x100xi32, #tpu.memory_space<hbm>>
      %dma_wait3A_38 = tpu.memref_squeeze %dma_wait3A_37 : memref<1x1x50x100xi32, #tpu.memory_space<hbm>> -> memref<50x100xi32, #tpu.memory_space<hbm>>
      tpu.wait_dma2 semaphore(%run_scoped3A_24 : memref<!tpu.dma_semaphore, #tpu.memory_space<semaphore_mem>>) src(%dma_wait3A_38 : memref<50x100xi32, #tpu.memory_space<hbm>>) dst(%arg5 : memref<50x100xi32, #tpu.memory_space<vmem>>)
      tpu.yield
    }) : () -> ()
    %broadcast_in_dim3A = arith.constant 0.000000e+00 : f32
    %broadcast_in_dim3A_1 = vector.broadcast %broadcast_in_dim3A : f32 to vector<16xf32>
    %scan3A = arith.constant 0 : i32
    %scan3A_2 = arith.constant 640 : i32
    %scan3A_3 = arith.addi %scan3A, %scan3A_2 : i32
    %scan3A_4 = arith.constant 1 : i32
    scf.for %scan3A_24 = %scan3A to %scan3A_3 step %scan3A_4  : i32 {
      %mul3A_25 = arith.constant 16 : i32
      %mul3A_26 = arith.muli %scan3A_24, %mul3A_25 : i32
      %swap3A = arith.index_cast %mul3A_26 : i32 to index
      %swap3A_27 = tpu.vector_load %arg4[%swap3A] {strides = array<i32>} : memref<10240xf32, #tpu.memory_space<vmem>>, vector<16xf32>,
      tpu.vector_store %arg4[%swap3A], %broadcast_in_dim3A_1 {strides = array<i32>} : memref<10240xf32, #tpu.memory_space<vmem>>, vector<16xf32>,
    }
    %scan3A_5 = arith.constant 640 : i32
    %broadcast_in_dim3A_6 = arith.constant 1.000000e+00 : f32
    %broadcast_in_dim3A_7 = vector.broadcast %broadcast_in_dim3A_6 : f32 to vector<16xf32>
    %iota3A = tpu.iota {dimensions = array<i32: 0>} : vector<16xi32>
    %ge3A = arith.constant 12 : i32
    %ge3A_8 = vector.broadcast %ge3A : i32 to vector<16xi32>
    %ge3A_9 = arith.cmpi sge, %iota3A, %ge3A_8 : vector<16xi32>
    %scan3A_10 = arith.constant 0 : i32
    %scan3A_11 = arith.constant 50 : i32
    %scan3A_12 = arith.addi %scan3A_10, %scan3A_11 : i32
    %scan3A_13 = arith.constant 1 : i32
    scf.for %scan3A_24 = %scan3A_10 to %scan3A_12 step %scan3A_13  : i32 {
      %get3A = arith.index_cast %scan3A_24 : i32 to index
      %get3A_25 = arith.constant 0 : index
      %get3A_26 = tpu.vector_load %arg5[%get3A, %get3A_25] {strides = array<i32>} : memref<50x100xi32, #tpu.memory_space<vmem>>, vector<16xi32>,
      tpu.vector_store_idx %arg4[%get3A_26], %broadcast_in_dim3A_7 {add = true} : memref<10240xf32, #tpu.memory_space<vmem>>[vector<16xi32>], vector<16xf32>,
      %get3A_27 = arith.index_cast %scan3A_24 : i32 to index
      %get3A_28 = arith.constant 16 : index
      %get3A_29 = tpu.vector_load %arg5[%get3A_27, %get3A_28] {strides = array<i32>} : memref<50x100xi32, #tpu.memory_space<vmem>>, vector<16xi32>,
      tpu.vector_store_idx %arg4[%get3A_29], %broadcast_in_dim3A_7 {add = true} : memref<10240xf32, #tpu.memory_space<vmem>>[vector<16xi32>], vector<16xf32>,
      %get3A_30 = arith.index_cast %scan3A_24 : i32 to index
      %get3A_31 = arith.constant 32 : index
      %get3A_32 = tpu.vector_load %arg5[%get3A_30, %get3A_31] {strides = array<i32>} : memref<50x100xi32, #tpu.memory_space<vmem>>, vector<16xi32>,
      tpu.vector_store_idx %arg4[%get3A_32], %broadcast_in_dim3A_7 {add = true} : memref<10240xf32, #tpu.memory_space<vmem>>[vector<16xi32>], vector<16xf32>,
      %get3A_33 = arith.index_cast %scan3A_24 : i32 to index
      %get3A_34 = arith.constant 48 : index
      %get3A_35 = tpu.vector_load %arg5[%get3A_33, %get3A_34] {strides = array<i32>} : memref<50x100xi32, #tpu.memory_space<vmem>>, vector<16xi32>,
      tpu.vector_store_idx %arg4[%get3A_35], %broadcast_in_dim3A_7 {add = true} : memref<10240xf32, #tpu.memory_space<vmem>>[vector<16xi32>], vector<16xf32>,
      %get3A_36 = arith.index_cast %scan3A_24 : i32 to index
      %get3A_37 = arith.constant 64 : index
      %get3A_38 = tpu.vector_load %arg5[%get3A_36, %get3A_37] {strides = array<i32>} : memref<50x100xi32, #tpu.memory_space<vmem>>, vector<16xi32>,
      tpu.vector_store_idx %arg4[%get3A_38], %broadcast_in_dim3A_7 {add = true} : memref<10240xf32, #tpu.memory_space<vmem>>[vector<16xi32>], vector<16xf32>,
      %get3A_39 = arith.index_cast %scan3A_24 : i32 to index
      %get3A_40 = arith.constant 80 : index
      %get3A_41 = tpu.vector_load %arg5[%get3A_39, %get3A_40] {strides = array<i32>} : memref<50x100xi32, #tpu.memory_space<vmem>>, vector<16xi32>,
      tpu.vector_store_idx %arg4[%get3A_41], %broadcast_in_dim3A_7 {add = true} : memref<10240xf32, #tpu.memory_space<vmem>>[vector<16xi32>], vector<16xf32>,
      %get3A_42 = arith.index_cast %scan3A_24 : i32 to index
      %get3A_43 = arith.constant 84 : index
      %get3A_44 = tpu.vector_load %arg5[%get3A_42, %get3A_43] {strides = array<i32>} : memref<50x100xi32, #tpu.memory_space<vmem>>, vector<16xi32>,
      tpu.vector_store_idx %arg4[%get3A_44], %broadcast_in_dim3A_7 masked %ge3A_9 {add = true} : memref<10240xf32, #tpu.memory_space<vmem>>[vector<16xi32>], vector<16xf32>, vector<16xi1>
    }
    %scan3A_14 = arith.constant 50 : i32
    "tpu.region"() ({
      %run_scoped3A_24 = tpu.sem_alloc : memref<!tpu.dma_semaphore, #tpu.memory_space<semaphore_mem>>
      %dma_start3A = arith.constant 0 : i32
      %dma_start3A_25 = tpu.memref_slice %arg6[%arg1, %dma_start3A] : memref<16x10240xf32, #tpu.memory_space<vmem_shared>> -> memref<1x10240xf32, #tpu.memory_space<vmem_shared>>
      %dma_start3A_26 = tpu.memref_squeeze %dma_start3A_25 : memref<1x10240xf32, #tpu.memory_space<vmem_shared>> -> memref<10240xf32, #tpu.memory_space<vmem_shared>>
      %dma_start3A_27 = arith.constant 0 : i32
      %dma_start3A_28 = tpu.memref_slice %arg6[%arg1, %dma_start3A_27] : memref<16x10240xf32, #tpu.memory_space<vmem_shared>> -> memref<1x10240xf32, #tpu.memory_space<vmem_shared>>
      %dma_start3A_29 = tpu.memref_squeeze %dma_start3A_28 : memref<1x10240xf32, #tpu.memory_space<vmem_shared>> -> memref<10240xf32, #tpu.memory_space<vmem_shared>>
      tpu.enqueue_dma source(%arg4 : memref<10240xf32, #tpu.memory_space<vmem>>) target(%dma_start3A_29 : memref<10240xf32, #tpu.memory_space<vmem_shared>>) target_semaphore(%run_scoped3A_24 : memref<!tpu.dma_semaphore, #tpu.memory_space<semaphore_mem>>)
      %dma_wait3A = arith.constant 0 : i32
      %dma_wait3A_30 = tpu.memref_slice %arg6[%arg1, %dma_wait3A] : memref<16x10240xf32, #tpu.memory_space<vmem_shared>> -> memref<1x10240xf32, #tpu.memory_space<vmem_shared>>
      %dma_wait3A_31 = tpu.memref_squeeze %dma_wait3A_30 : memref<1x10240xf32, #tpu.memory_space<vmem_shared>> -> memref<10240xf32, #tpu.memory_space<vmem_shared>>
      %dma_wait3A_32 = arith.constant 0 : i32
      %dma_wait3A_33 = tpu.memref_slice %arg6[%arg1, %dma_wait3A_32] : memref<16x10240xf32, #tpu.memory_space<vmem_shared>> -> memref<1x10240xf32, #tpu.memory_space<vmem_shared>>
      %dma_wait3A_34 = tpu.memref_squeeze %dma_wait3A_33 : memref<1x10240xf32, #tpu.memory_space<vmem_shared>> -> memref<10240xf32, #tpu.memory_space<vmem_shared>>
      tpu.wait_dma2 semaphore(%run_scoped3A_24 : memref<!tpu.dma_semaphore, #tpu.memory_space<semaphore_mem>>) src(%arg4 : memref<10240xf32, #tpu.memory_space<vmem>>) dst(%dma_wait3A_34 : memref<10240xf32, #tpu.memory_space<vmem_shared>>)
      tpu.yield
    }) : () -> ()
    %barrier3A = arith.constant 0 : index
    tpu.barrier barrier_id(%barrier3A)
    %mul3A_15 = arith.constant 640 : i32
    %mul3A_16 = arith.muli %arg1, %mul3A_15 : i32
    "tpu.region"() ({
      %run_scoped3A_24 = tpu.sem_alloc : memref<!tpu.dma_semaphore, #tpu.memory_space<semaphore_mem>>
      %dma_start3A = arith.constant 0 : i32
      %dma_start3A_25 = tpu.memref_slice %arg6[%dma_start3A, %mul3A_16] : memref<16x10240xf32, #tpu.memory_space<vmem_shared>> -> memref<16x640xf32, #tpu.memory_space<vmem_shared>>
      %dma_start3A_26 = arith.constant 0 : i32
      %dma_start3A_27 = tpu.memref_slice %arg6[%dma_start3A_26, %mul3A_16] : memref<16x10240xf32, #tpu.memory_space<vmem_shared>> -> memref<16x640xf32, #tpu.memory_space<vmem_shared>>
      tpu.enqueue_dma source(%dma_start3A_27 : memref<16x640xf32, #tpu.memory_space<vmem_shared>>) target(%arg7 : memref<16x640xf32, #tpu.memory_space<vmem>>) target_semaphore(%run_scoped3A_24 : memref<!tpu.dma_semaphore, #tpu.memory_space<semaphore_mem>>)
      %dma_wait3A = arith.constant 0 : i32
      %dma_wait3A_28 = tpu.memref_slice %arg6[%dma_wait3A, %mul3A_16] : memref<16x10240xf32, #tpu.memory_space<vmem_shared>> -> memref<16x640xf32, #tpu.memory_space<vmem_shared>>
      %dma_wait3A_29 = arith.constant 0 : i32
      %dma_wait3A_30 = tpu.memref_slice %arg6[%dma_wait3A_29, %mul3A_16] : memref<16x10240xf32, #tpu.memory_space<vmem_shared>> -> memref<16x640xf32, #tpu.memory_space<vmem_shared>>
      tpu.wait_dma2 semaphore(%run_scoped3A_24 : memref<!tpu.dma_semaphore, #tpu.memory_space<semaphore_mem>>) src(%dma_wait3A_30 : memref<16x640xf32, #tpu.memory_space<vmem_shared>>) dst(%arg7 : memref<16x640xf32, #tpu.memory_space<vmem>>)
      tpu.yield
    }) : () -> ()
    %scan3A_17 = arith.constant 0 : i32
    %scan3A_18 = arith.constant 40 : i32
    %scan3A_19 = arith.addi %scan3A_17, %scan3A_18 : i32
    %scan3A_20 = arith.constant 1 : i32
    scf.for %scan3A_24 = %scan3A_17 to %scan3A_19 step %scan3A_20  : i32 {
      %mul3A_25 = arith.constant 16 : i32
      %mul3A_26 = arith.muli %scan3A_24, %mul3A_25 : i32
      %get3A = arith.constant 0 : i32
      %get3A_27 = arith.index_cast %get3A : i32 to index
      %get3A_28 = arith.index_cast %mul3A_26 : i32 to index
      %get3A_29 = tpu.vector_load %arg7[%get3A_27, %get3A_28] {strides = array<i32>} : memref<16x640xf32, #tpu.memory_space<vmem>>, vector<16xf32>,
      %get3A_30 = arith.constant 1 : i32
      %get3A_31 = arith.index_cast %get3A_30 : i32 to index
      %get3A_32 = arith.index_cast %mul3A_26 : i32 to index
      %get3A_33 = tpu.vector_load %arg7[%get3A_31, %get3A_32] {strides = array<i32>} : memref<16x640xf32, #tpu.memory_space<vmem>>, vector<16xf32>,
      %add3A_34 = arith.addf %get3A_29, %get3A_33 : vector<16xf32>
      %get3A_35 = arith.constant 2 : i32
      %get3A_36 = arith.index_cast %get3A_35 : i32 to index
      %get3A_37 = arith.index_cast %mul3A_26 : i32 to index
      %get3A_38 = tpu.vector_load %arg7[%get3A_36, %get3A_37] {strides = array<i32>} : memref<16x640xf32, #tpu.memory_space<vmem>>, vector<16xf32>,
      %add3A_39 = arith.addf %add3A_34, %get3A_38 : vector<16xf32>
      %get3A_40 = arith.constant 3 : i32
      %get3A_41 = arith.index_cast %get3A_40 : i32 to index
      %get3A_42 = arith.index_cast %mul3A_26 : i32 to index
      %get3A_43 = tpu.vector_load %arg7[%get3A_41, %get3A_42] {strides = array<i32>} : memref<16x640xf32, #tpu.memory_space<vmem>>, vector<16xf32>,
      %add3A_44 = arith.addf %add3A_39, %get3A_43 : vector<16xf32>
      %get3A_45 = arith.constant 4 : i32
      %get3A_46 = arith.index_cast %get3A_45 : i32 to index
      %get3A_47 = arith.index_cast %mul3A_26 : i32 to index
      %get3A_48 = tpu.vector_load %arg7[%get3A_46, %get3A_47] {strides = array<i32>} : memref<16x640xf32, #tpu.memory_space<vmem>>, vector<16xf32>,
      %add3A_49 = arith.addf %add3A_44, %get3A_48 : vector<16xf32>
      %get3A_50 = arith.constant 5 : i32
      %get3A_51 = arith.index_cast %get3A_50 : i32 to index
      %get3A_52 = arith.index_cast %mul3A_26 : i32 to index
      %get3A_53 = tpu.vector_load %arg7[%get3A_51, %get3A_52] {strides = array<i32>} : memref<16x640xf32, #tpu.memory_space<vmem>>, vector<16xf32>,
      %add3A_54 = arith.addf %add3A_49, %get3A_53 : vector<16xf32>
      %get3A_55 = arith.constant 6 : i32
      %get3A_56 = arith.index_cast %get3A_55 : i32 to index
      %get3A_57 = arith.index_cast %mul3A_26 : i32 to index
      %get3A_58 = tpu.vector_load %arg7[%get3A_56, %get3A_57] {strides = array<i32>} : memref<16x640xf32, #tpu.memory_space<vmem>>, vector<16xf32>,
      %add3A_59 = arith.addf %add3A_54, %get3A_58 : vector<16xf32>
      %get3A_60 = arith.constant 7 : i32
      %get3A_61 = arith.index_cast %get3A_60 : i32 to index
      %get3A_62 = arith.index_cast %mul3A_26 : i32 to index
      %get3A_63 = tpu.vector_load %arg7[%get3A_61, %get3A_62] {strides = array<i32>} : memref<16x640xf32, #tpu.memory_space<vmem>>, vector<16xf32>,
      %add3A_64 = arith.addf %add3A_59, %get3A_63 : vector<16xf32>
      %get3A_65 = arith.constant 8 : i32
      %get3A_66 = arith.index_cast %get3A_65 : i32 to index
      %get3A_67 = arith.index_cast %mul3A_26 : i32 to index
      %get3A_68 = tpu.vector_load %arg7[%get3A_66, %get3A_67] {strides = array<i32>} : memref<16x640xf32, #tpu.memory_space<vmem>>, vector<16xf32>,
      %add3A_69 = arith.addf %add3A_64, %get3A_68 : vector<16xf32>
      %get3A_70 = arith.constant 9 : i32
      %get3A_71 = arith.index_cast %get3A_70 : i32 to index
      %get3A_72 = arith.index_cast %mul3A_26 : i32 to index
      %get3A_73 = tpu.vector_load %arg7[%get3A_71, %get3A_72] {strides = array<i32>} : memref<16x640xf32, #tpu.memory_space<vmem>>, vector<16xf32>,
      %add3A_74 = arith.addf %add3A_69, %get3A_73 : vector<16xf32>
      %get3A_75 = arith.constant 10 : i32
      %get3A_76 = arith.index_cast %get3A_75 : i32 to index
      %get3A_77 = arith.index_cast %mul3A_26 : i32 to index
      %get3A_78 = tpu.vector_load %arg7[%get3A_76, %get3A_77] {strides = array<i32>} : memref<16x640xf32, #tpu.memory_space<vmem>>, vector<16xf32>,
      %add3A_79 = arith.addf %add3A_74, %get3A_78 : vector<16xf32>
      %get3A_80 = arith.constant 11 : i32
      %get3A_81 = arith.index_cast %get3A_80 : i32 to index
      %get3A_82 = arith.index_cast %mul3A_26 : i32 to index
      %get3A_83 = tpu.vector_load %arg7[%get3A_81, %get3A_82] {strides = array<i32>} : memref<16x640xf32, #tpu.memory_space<vmem>>, vector<16xf32>,
      %add3A_84 = arith.addf %add3A_79, %get3A_83 : vector<16xf32>
      %get3A_85 = arith.constant 12 : i32
      %get3A_86 = arith.index_cast %get3A_85 : i32 to index
      %get3A_87 = arith.index_cast %mul3A_26 : i32 to index
      %get3A_88 = tpu.vector_load %arg7[%get3A_86, %get3A_87] {strides = array<i32>} : memref<16x640xf32, #tpu.memory_space<vmem>>, vector<16xf32>,
      %add3A_89 = arith.addf %add3A_84, %get3A_88 : vector<16xf32>
      %get3A_90 = arith.constant 13 : i32
      %get3A_91 = arith.index_cast %get3A_90 : i32 to index
      %get3A_92 = arith.index_cast %mul3A_26 : i32 to index
      %get3A_93 = tpu.vector_load %arg7[%get3A_91, %get3A_92] {strides = array<i32>} : memref<16x640xf32, #tpu.memory_space<vmem>>, vector<16xf32>,
      %add3A_94 = arith.addf %add3A_89, %get3A_93 : vector<16xf32>
      %get3A_95 = arith.constant 14 : i32
      %get3A_96 = arith.index_cast %get3A_95 : i32 to index
      %get3A_97 = arith.index_cast %mul3A_26 : i32 to index
      %get3A_98 = tpu.vector_load %arg7[%get3A_96, %get3A_97] {strides = array<i32>} : memref<16x640xf32, #tpu.memory_space<vmem>>, vector<16xf32>,
      %add3A_99 = arith.addf %add3A_94, %get3A_98 : vector<16xf32>
      %get3A_100 = arith.constant 15 : i32
      %get3A_101 = arith.index_cast %get3A_100 : i32 to index
      %get3A_102 = arith.index_cast %mul3A_26 : i32 to index
      %get3A_103 = tpu.vector_load %arg7[%get3A_101, %get3A_102] {strides = array<i32>} : memref<16x640xf32, #tpu.memory_space<vmem>>, vector<16xf32>,
      %add3A_104 = arith.addf %add3A_99, %get3A_103 : vector<16xf32>
      %swap3A = arith.index_cast %mul3A_26 : i32 to index
      %swap3A_105 = tpu.vector_load %arg8[%swap3A] {strides = array<i32>} : memref<640xf32, #tpu.memory_space<vmem>>, vector<16xf32>,
      tpu.vector_store %arg8[%swap3A], %add3A_104 {strides = array<i32>} : memref<640xf32, #tpu.memory_space<vmem>>, vector<16xf32>,
    }
    %scan3A_21 = arith.constant 40 : i32
    %mul3A_22 = arith.constant 640 : i32
    %mul3A_23 = arith.muli %arg1, %mul3A_22 : i32
    "tpu.region"() ({
      %run_scoped3A_24 = tpu.sem_alloc : memref<!tpu.dma_semaphore, #tpu.memory_space<semaphore_mem>>
      %dma_start3A = tpu.memref_slice %arg3[%arg0, %mul3A_23] : memref<2x10240xf32, #tpu.memory_space<hbm>> -> memref<1x640xf32, #tpu.memory_space<hbm>>
      %dma_start3A_25 = tpu.memref_squeeze %dma_start3A : memref<1x640xf32, #tpu.memory_space<hbm>> -> memref<640xf32, #tpu.memory_space<hbm>>
      %dma_start3A_26 = tpu.memref_slice %arg3[%arg0, %mul3A_23] : memref<2x10240xf32, #tpu.memory_space<hbm>> -> memref<1x640xf32, #tpu.memory_space<hbm>>
      %dma_start3A_27 = tpu.memref_squeeze %dma_start3A_26 : memref<1x640xf32, #tpu.memory_space<hbm>> -> memref<640xf32, #tpu.memory_space<hbm>>
      tpu.enqueue_dma source(%arg8 : memref<640xf32, #tpu.memory_space<vmem>>) target(%dma_start3A_27 : memref<640xf32, #tpu.memory_space<hbm>>) target_semaphore(%run_scoped3A_24 : memref<!tpu.dma_semaphore, #tpu.memory_space<semaphore_mem>>)
      %dma_wait3A = tpu.memref_slice %arg3[%arg0, %mul3A_23] : memref<2x10240xf32, #tpu.memory_space<hbm>> -> memref<1x640xf32, #tpu.memory_space<hbm>>
      %dma_wait3A_28 = tpu.memref_squeeze %dma_wait3A : memref<1x640xf32, #tpu.memory_space<hbm>> -> memref<640xf32, #tpu.memory_space<hbm>>
      %dma_wait3A_29 = tpu.memref_slice %arg3[%arg0, %mul3A_23] : memref<2x10240xf32, #tpu.memory_space<hbm>> -> memref<1x640xf32, #tpu.memory_space<hbm>>
      %dma_wait3A_30 = tpu.memref_squeeze %dma_wait3A_29 : memref<1x640xf32, #tpu.memory_space<hbm>> -> memref<640xf32, #tpu.memory_space<hbm>>
      tpu.wait_dma2 semaphore(%run_scoped3A_24 : memref<!tpu.dma_semaphore, #tpu.memory_space<semaphore_mem>>) src(%arg8 : memref<640xf32, #tpu.memory_space<vmem>>) dst(%dma_wait3A_30 : memref<640xf32, #tpu.memory_space<hbm>>)
      tpu.yield
    }) : () -> ()
    return
  }
}

#map = affine_map<(d0, d1) -> (0, 0)>
#map1 = affine_map<(d0, d1) -> (0, 0, 0, 0)>
#map2 = affine_map<(d0, d1) -> (0, 0, 0)>
module attributes {stable_mosaic.version = 14 : i64} {
  func.func @agg(%arg0: i32, %arg1: i32, %arg2: memref<10240x112xf32, #tpu.memory_space<hbm>>, %arg3: memref<2x32x50x100xi32, #tpu.memory_space<hbm>>, %arg4: memref<2x10240x112xf32, #tpu.memory_space<hbm>>, %arg5: memref<50x100xi32, #tpu.memory_space<vmem>>, %arg6: memref<50x100xi32, #tpu.memory_space<vmem>>, %arg7: memref<100x112xf32, #tpu.memory_space<vmem>>, %arg8: memref<100x112xf32, #tpu.memory_space<vmem>>, %arg9: memref<!tpu.dma_semaphore, #tpu.memory_space<semaphore_mem>>, %arg10: memref<!tpu.dma_semaphore, #tpu.memory_space<semaphore_mem>>, %arg11: memref<10240x112xf32, #tpu.memory_space<vmem_shared>>) attributes {dimension_semantics = [#tpu.dimension_semantics<core_parallel>, #tpu.dimension_semantics<subcore_parallel>], iteration_bounds = array<i64: 2, 16>, scalar_prefetch = 0 : i64, scratch_operands = 7 : i64, tpu.core_type = #tpu.core_type<sc_vector_subcore>, window_params = [{transform_indices = #map}, {transform_indices = #map1}, {transform_indices = #map2}]} {
    %mul3A = arith.constant 16 : i32
    %mul3A_0 = arith.muli %arg0, %mul3A : i32
    %add3A = arith.addi %mul3A_0, %arg1 : i32
    %run_scoped3A = arith.constant 0 : i32
    "tpu.region"() ({
      %run_scoped3A_55 = tpu.sem_alloc : memref<!tpu.dma_semaphore, #tpu.memory_space<semaphore_mem>>
      %dma_start3A_56 = arith.constant 0 : i32
      %dma_start3A_57 = arith.constant 0 : i32
      %dma_start3A_58 = tpu.memref_slice %arg3[%run_scoped3A, %add3A, %dma_start3A_56, %dma_start3A_57] : memref<2x32x50x100xi32, #tpu.memory_space<hbm>> -> memref<1x1x50x100xi32, #tpu.memory_space<hbm>>
      %dma_start3A_59 = tpu.memref_squeeze %dma_start3A_58 : memref<1x1x50x100xi32, #tpu.memory_space<hbm>> -> memref<50x100xi32, #tpu.memory_space<hbm>>
      %dma_start3A_60 = arith.constant 0 : i32
      %dma_start3A_61 = arith.constant 0 : i32
      %dma_start3A_62 = tpu.memref_slice %arg3[%run_scoped3A, %add3A, %dma_start3A_60, %dma_start3A_61] : memref<2x32x50x100xi32, #tpu.memory_space<hbm>> -> memref<1x1x50x100xi32, #tpu.memory_space<hbm>>
      %dma_start3A_63 = tpu.memref_squeeze %dma_start3A_62 : memref<1x1x50x100xi32, #tpu.memory_space<hbm>> -> memref<50x100xi32, #tpu.memory_space<hbm>>
      tpu.enqueue_dma source(%dma_start3A_63 : memref<50x100xi32, #tpu.memory_space<hbm>>) target(%arg5 : memref<50x100xi32, #tpu.memory_space<vmem>>) target_semaphore(%run_scoped3A_55 : memref<!tpu.dma_semaphore, #tpu.memory_space<semaphore_mem>>)
      %dma_wait3A = arith.constant 0 : i32
      %dma_wait3A_64 = arith.constant 0 : i32
      %dma_wait3A_65 = tpu.memref_slice %arg3[%run_scoped3A, %add3A, %dma_wait3A, %dma_wait3A_64] : memref<2x32x50x100xi32, #tpu.memory_space<hbm>> -> memref<1x1x50x100xi32, #tpu.memory_space<hbm>>
      %dma_wait3A_66 = tpu.memref_squeeze %dma_wait3A_65 : memref<1x1x50x100xi32, #tpu.memory_space<hbm>> -> memref<50x100xi32, #tpu.memory_space<hbm>>
      %dma_wait3A_67 = arith.constant 0 : i32
      %dma_wait3A_68 = arith.constant 0 : i32
      %dma_wait3A_69 = tpu.memref_slice %arg3[%run_scoped3A, %add3A, %dma_wait3A_67, %dma_wait3A_68] : memref<2x32x50x100xi32, #tpu.memory_space<hbm>> -> memref<1x1x50x100xi32, #tpu.memory_space<hbm>>
      %dma_wait3A_70 = tpu.memref_squeeze %dma_wait3A_69 : memref<1x1x50x100xi32, #tpu.memory_space<hbm>> -> memref<50x100xi32, #tpu.memory_space<hbm>>
      tpu.wait_dma2 semaphore(%run_scoped3A_55 : memref<!tpu.dma_semaphore, #tpu.memory_space<semaphore_mem>>) src(%dma_wait3A_70 : memref<50x100xi32, #tpu.memory_space<hbm>>) dst(%arg5 : memref<50x100xi32, #tpu.memory_space<vmem>>)
      tpu.yield
    }) : () -> ()
    %run_scoped3A_1 = arith.constant 1 : i32
    "tpu.region"() ({
      %run_scoped3A_55 = tpu.sem_alloc : memref<!tpu.dma_semaphore, #tpu.memory_space<semaphore_mem>>
      %dma_start3A_56 = arith.constant 0 : i32
      %dma_start3A_57 = arith.constant 0 : i32
      %dma_start3A_58 = tpu.memref_slice %arg3[%run_scoped3A_1, %add3A, %dma_start3A_56, %dma_start3A_57] : memref<2x32x50x100xi32, #tpu.memory_space<hbm>> -> memref<1x1x50x100xi32, #tpu.memory_space<hbm>>
      %dma_start3A_59 = tpu.memref_squeeze %dma_start3A_58 : memref<1x1x50x100xi32, #tpu.memory_space<hbm>> -> memref<50x100xi32, #tpu.memory_space<hbm>>
      %dma_start3A_60 = arith.constant 0 : i32
      %dma_start3A_61 = arith.constant 0 : i32
      %dma_start3A_62 = tpu.memref_slice %arg3[%run_scoped3A_1, %add3A, %dma_start3A_60, %dma_start3A_61] : memref<2x32x50x100xi32, #tpu.memory_space<hbm>> -> memref<1x1x50x100xi32, #tpu.memory_space<hbm>>
      %dma_start3A_63 = tpu.memref_squeeze %dma_start3A_62 : memref<1x1x50x100xi32, #tpu.memory_space<hbm>> -> memref<50x100xi32, #tpu.memory_space<hbm>>
      tpu.enqueue_dma source(%dma_start3A_63 : memref<50x100xi32, #tpu.memory_space<hbm>>) target(%arg6 : memref<50x100xi32, #tpu.memory_space<vmem>>) target_semaphore(%run_scoped3A_55 : memref<!tpu.dma_semaphore, #tpu.memory_space<semaphore_mem>>)
      %dma_wait3A = arith.constant 0 : i32
      %dma_wait3A_64 = arith.constant 0 : i32
      %dma_wait3A_65 = tpu.memref_slice %arg3[%run_scoped3A_1, %add3A, %dma_wait3A, %dma_wait3A_64] : memref<2x32x50x100xi32, #tpu.memory_space<hbm>> -> memref<1x1x50x100xi32, #tpu.memory_space<hbm>>
      %dma_wait3A_66 = tpu.memref_squeeze %dma_wait3A_65 : memref<1x1x50x100xi32, #tpu.memory_space<hbm>> -> memref<50x100xi32, #tpu.memory_space<hbm>>
      %dma_wait3A_67 = arith.constant 0 : i32
      %dma_wait3A_68 = arith.constant 0 : i32
      %dma_wait3A_69 = tpu.memref_slice %arg3[%run_scoped3A_1, %add3A, %dma_wait3A_67, %dma_wait3A_68] : memref<2x32x50x100xi32, #tpu.memory_space<hbm>> -> memref<1x1x50x100xi32, #tpu.memory_space<hbm>>
      %dma_wait3A_70 = tpu.memref_squeeze %dma_wait3A_69 : memref<1x1x50x100xi32, #tpu.memory_space<hbm>> -> memref<50x100xi32, #tpu.memory_space<hbm>>
      tpu.wait_dma2 semaphore(%run_scoped3A_55 : memref<!tpu.dma_semaphore, #tpu.memory_space<semaphore_mem>>) src(%dma_wait3A_70 : memref<50x100xi32, #tpu.memory_space<hbm>>) dst(%arg6 : memref<50x100xi32, #tpu.memory_space<vmem>>)
      tpu.yield
    }) : () -> ()
    %broadcast_in_dim3A = arith.constant 0.000000e+00 : f32
    %broadcast_in_dim3A_2 = vector.broadcast %broadcast_in_dim3A : f32 to vector<16xf32>
    %scan3A = arith.constant 0 : i32
    %scan3A_3 = arith.constant 80 : i32
    %scan3A_4 = arith.addi %scan3A, %scan3A_3 : i32
    %scan3A_5 = arith.constant 1 : i32
    scf.for %scan3A_55 = %scan3A to %scan3A_4 step %scan3A_5  : i32 {
      %swap3A = arith.index_cast %scan3A_55 : i32 to index
      %swap3A_56 = arith.constant 0 : index
      %swap3A_57 = tpu.vector_load %arg7[%swap3A, %swap3A_56] {strides = array<i32>} : memref<100x112xf32, #tpu.memory_space<vmem>>, vector<16xf32>,
      tpu.vector_store %arg7[%swap3A, %swap3A_56], %broadcast_in_dim3A_2 {strides = array<i32>} : memref<100x112xf32, #tpu.memory_space<vmem>>, vector<16xf32>,
      %swap3A_58 = arith.index_cast %scan3A_55 : i32 to index
      %swap3A_59 = arith.constant 16 : index
      %swap3A_60 = tpu.vector_load %arg7[%swap3A_58, %swap3A_59] {strides = array<i32>} : memref<100x112xf32, #tpu.memory_space<vmem>>, vector<16xf32>,
      tpu.vector_store %arg7[%swap3A_58, %swap3A_59], %broadcast_in_dim3A_2 {strides = array<i32>} : memref<100x112xf32, #tpu.memory_space<vmem>>, vector<16xf32>,
      %swap3A_61 = arith.index_cast %scan3A_55 : i32 to index
      %swap3A_62 = arith.constant 32 : index
      %swap3A_63 = tpu.vector_load %arg7[%swap3A_61, %swap3A_62] {strides = array<i32>} : memref<100x112xf32, #tpu.memory_space<vmem>>, vector<16xf32>,
      tpu.vector_store %arg7[%swap3A_61, %swap3A_62], %broadcast_in_dim3A_2 {strides = array<i32>} : memref<100x112xf32, #tpu.memory_space<vmem>>, vector<16xf32>,
      %swap3A_64 = arith.index_cast %scan3A_55 : i32 to index
      %swap3A_65 = arith.constant 48 : index
      %swap3A_66 = tpu.vector_load %arg7[%swap3A_64, %swap3A_65] {strides = array<i32>} : memref<100x112xf32, #tpu.memory_space<vmem>>, vector<16xf32>,
      tpu.vector_store %arg7[%swap3A_64, %swap3A_65], %broadcast_in_dim3A_2 {strides = array<i32>} : memref<100x112xf32, #tpu.memory_space<vmem>>, vector<16xf32>,
      %swap3A_67 = arith.index_cast %scan3A_55 : i32 to index
      %swap3A_68 = arith.constant 64 : index
      %swap3A_69 = tpu.vector_load %arg7[%swap3A_67, %swap3A_68] {strides = array<i32>} : memref<100x112xf32, #tpu.memory_space<vmem>>, vector<16xf32>,
      tpu.vector_store %arg7[%swap3A_67, %swap3A_68], %broadcast_in_dim3A_2 {strides = array<i32>} : memref<100x112xf32, #tpu.memory_space<vmem>>, vector<16xf32>,
      %swap3A_70 = arith.index_cast %scan3A_55 : i32 to index
      %swap3A_71 = arith.constant 80 : index
      %swap3A_72 = tpu.vector_load %arg7[%swap3A_70, %swap3A_71] {strides = array<i32>} : memref<100x112xf32, #tpu.memory_space<vmem>>, vector<16xf32>,
      tpu.vector_store %arg7[%swap3A_70, %swap3A_71], %broadcast_in_dim3A_2 {strides = array<i32>} : memref<100x112xf32, #tpu.memory_space<vmem>>, vector<16xf32>,
      %swap3A_73 = arith.index_cast %scan3A_55 : i32 to index
      %swap3A_74 = arith.constant 96 : index
      %swap3A_75 = tpu.vector_load %arg7[%swap3A_73, %swap3A_74] {strides = array<i32>} : memref<100x112xf32, #tpu.memory_space<vmem>>, vector<16xf32>,
      tpu.vector_store %arg7[%swap3A_73, %swap3A_74], %broadcast_in_dim3A_2 {strides = array<i32>} : memref<100x112xf32, #tpu.memory_space<vmem>>, vector<16xf32>,
    }
    %scan3A_6 = arith.constant 80 : i32
    %mul3A_7 = arith.constant 640 : i32
    %mul3A_8 = arith.muli %arg1, %mul3A_7 : i32
    %add3A_9 = arith.constant 0 : i32
    %add3A_10 = arith.addi %mul3A_8, %add3A_9 : i32
    "tpu.region"() ({
      %run_scoped3A_55 = tpu.sem_alloc : memref<!tpu.dma_semaphore, #tpu.memory_space<semaphore_mem>>
      %dma_start3A_56 = arith.constant 0 : i32
      %dma_start3A_57 = arith.constant 0 : i32
      %dma_start3A_58 = tpu.memref_slice %arg7[%dma_start3A_56, %dma_start3A_57] : memref<100x112xf32, #tpu.memory_space<vmem>> -> memref<80x112xf32, #tpu.memory_space<vmem>>
      %dma_start3A_59 = arith.constant 0 : i32
      %dma_start3A_60 = tpu.memref_slice %arg11[%add3A_10, %dma_start3A_59] : memref<10240x112xf32, #tpu.memory_space<vmem_shared>> -> memref<80x112xf32, #tpu.memory_space<vmem_shared>>
      %dma_start3A_61 = arith.constant 0 : i32
      %dma_start3A_62 = tpu.memref_slice %arg11[%add3A_10, %dma_start3A_61] : memref<10240x112xf32, #tpu.memory_space<vmem_shared>> -> memref<80x112xf32, #tpu.memory_space<vmem_shared>>
      %dma_start3A_63 = arith.constant 0 : i32
      %dma_start3A_64 = arith.constant 0 : i32
      %dma_start3A_65 = tpu.memref_slice %arg7[%dma_start3A_63, %dma_start3A_64] : memref<100x112xf32, #tpu.memory_space<vmem>> -> memref<80x112xf32, #tpu.memory_space<vmem>>
      tpu.enqueue_dma source(%dma_start3A_65 : memref<80x112xf32, #tpu.memory_space<vmem>>) target(%dma_start3A_62 : memref<80x112xf32, #tpu.memory_space<vmem_shared>>) target_semaphore(%run_scoped3A_55 : memref<!tpu.dma_semaphore, #tpu.memory_space<semaphore_mem>>)
      %dma_wait3A = arith.constant 0 : i32
      %dma_wait3A_66 = arith.constant 0 : i32
      %dma_wait3A_67 = tpu.memref_slice %arg7[%dma_wait3A, %dma_wait3A_66] : memref<100x112xf32, #tpu.memory_space<vmem>> -> memref<80x112xf32, #tpu.memory_space<vmem>>
      %dma_wait3A_68 = arith.constant 0 : i32
      %dma_wait3A_69 = tpu.memref_slice %arg11[%add3A_10, %dma_wait3A_68] : memref<10240x112xf32, #tpu.memory_space<vmem_shared>> -> memref<80x112xf32, #tpu.memory_space<vmem_shared>>
      %dma_wait3A_70 = arith.constant 0 : i32
      %dma_wait3A_71 = tpu.memref_slice %arg11[%add3A_10, %dma_wait3A_70] : memref<10240x112xf32, #tpu.memory_space<vmem_shared>> -> memref<80x112xf32, #tpu.memory_space<vmem_shared>>
      %dma_wait3A_72 = arith.constant 0 : i32
      %dma_wait3A_73 = arith.constant 0 : i32
      %dma_wait3A_74 = tpu.memref_slice %arg7[%dma_wait3A_72, %dma_wait3A_73] : memref<100x112xf32, #tpu.memory_space<vmem>> -> memref<80x112xf32, #tpu.memory_space<vmem>>
      tpu.wait_dma2 semaphore(%run_scoped3A_55 : memref<!tpu.dma_semaphore, #tpu.memory_space<semaphore_mem>>) src(%dma_wait3A_74 : memref<80x112xf32, #tpu.memory_space<vmem>>) dst(%dma_wait3A_71 : memref<80x112xf32, #tpu.memory_space<vmem_shared>>)
      tpu.yield
    }) : () -> ()
    %mul3A_11 = arith.constant 640 : i32
    %mul3A_12 = arith.muli %arg1, %mul3A_11 : i32
    %add3A_13 = arith.constant 80 : i32
    %add3A_14 = arith.addi %mul3A_12, %add3A_13 : i32
    "tpu.region"() ({
      %run_scoped3A_55 = tpu.sem_alloc : memref<!tpu.dma_semaphore, #tpu.memory_space<semaphore_mem>>
      %dma_start3A_56 = arith.constant 0 : i32
      %dma_start3A_57 = arith.constant 0 : i32
      %dma_start3A_58 = tpu.memref_slice %arg7[%dma_start3A_56, %dma_start3A_57] : memref<100x112xf32, #tpu.memory_space<vmem>> -> memref<80x112xf32, #tpu.memory_space<vmem>>
      %dma_start3A_59 = arith.constant 0 : i32
      %dma_start3A_60 = tpu.memref_slice %arg11[%add3A_14, %dma_start3A_59] : memref<10240x112xf32, #tpu.memory_space<vmem_shared>> -> memref<80x112xf32, #tpu.memory_space<vmem_shared>>
      %dma_start3A_61 = arith.constant 0 : i32
      %dma_start3A_62 = tpu.memref_slice %arg11[%add3A_14, %dma_start3A_61] : memref<10240x112xf32, #tpu.memory_space<vmem_shared>> -> memref<80x112xf32, #tpu.memory_space<vmem_shared>>
      %dma_start3A_63 = arith.constant 0 : i32
      %dma_start3A_64 = arith.constant 0 : i32
      %dma_start3A_65 = tpu.memref_slice %arg7[%dma_start3A_63, %dma_start3A_64] : memref<100x112xf32, #tpu.memory_space<vmem>> -> memref<80x112xf32, #tpu.memory_space<vmem>>
      tpu.enqueue_dma source(%dma_start3A_65 : memref<80x112xf32, #tpu.memory_space<vmem>>) target(%dma_start3A_62 : memref<80x112xf32, #tpu.memory_space<vmem_shared>>) target_semaphore(%run_scoped3A_55 : memref<!tpu.dma_semaphore, #tpu.memory_space<semaphore_mem>>)
      %dma_wait3A = arith.constant 0 : i32
      %dma_wait3A_66 = arith.constant 0 : i32
      %dma_wait3A_67 = tpu.memref_slice %arg7[%dma_wait3A, %dma_wait3A_66] : memref<100x112xf32, #tpu.memory_space<vmem>> -> memref<80x112xf32, #tpu.memory_space<vmem>>
      %dma_wait3A_68 = arith.constant 0 : i32
      %dma_wait3A_69 = tpu.memref_slice %arg11[%add3A_14, %dma_wait3A_68] : memref<10240x112xf32, #tpu.memory_space<vmem_shared>> -> memref<80x112xf32, #tpu.memory_space<vmem_shared>>
      %dma_wait3A_70 = arith.constant 0 : i32
      %dma_wait3A_71 = tpu.memref_slice %arg11[%add3A_14, %dma_wait3A_70] : memref<10240x112xf32, #tpu.memory_space<vmem_shared>> -> memref<80x112xf32, #tpu.memory_space<vmem_shared>>
      %dma_wait3A_72 = arith.constant 0 : i32
      %dma_wait3A_73 = arith.constant 0 : i32
      %dma_wait3A_74 = tpu.memref_slice %arg7[%dma_wait3A_72, %dma_wait3A_73] : memref<100x112xf32, #tpu.memory_space<vmem>> -> memref<80x112xf32, #tpu.memory_space<vmem>>
      tpu.wait_dma2 semaphore(%run_scoped3A_55 : memref<!tpu.dma_semaphore, #tpu.memory_space<semaphore_mem>>) src(%dma_wait3A_74 : memref<80x112xf32, #tpu.memory_space<vmem>>) dst(%dma_wait3A_71 : memref<80x112xf32, #tpu.memory_space<vmem_shared>>)
      tpu.yield
    }) : () -> ()
    %mul3A_15 = arith.constant 640 : i32
    %mul3A_16 = arith.muli %arg1, %mul3A_15 : i32
    %add3A_17 = arith.constant 160 : i32
    %add3A_18 = arith.addi %mul3A_16, %add3A_17 : i32
    "tpu.region"() ({
      %run_scoped3A_55 = tpu.sem_alloc : memref<!tpu.dma_semaphore, #tpu.memory_space<semaphore_mem>>
      %dma_start3A_56 = arith.constant 0 : i32
      %dma_start3A_57 = arith.constant 0 : i32
      %dma_start3A_58 = tpu.memref_slice %arg7[%dma_start3A_56, %dma_start3A_57] : memref<100x112xf32, #tpu.memory_space<vmem>> -> memref<80x112xf32, #tpu.memory_space<vmem>>
      %dma_start3A_59 = arith.constant 0 : i32
      %dma_start3A_60 = tpu.memref_slice %arg11[%add3A_18, %dma_start3A_59] : memref<10240x112xf32, #tpu.memory_space<vmem_shared>> -> memref<80x112xf32, #tpu.memory_space<vmem_shared>>
      %dma_start3A_61 = arith.constant 0 : i32
      %dma_start3A_62 = tpu.memref_slice %arg11[%add3A_18, %dma_start3A_61] : memref<10240x112xf32, #tpu.memory_space<vmem_shared>> -> memref<80x112xf32, #tpu.memory_space<vmem_shared>>
      %dma_start3A_63 = arith.constant 0 : i32
      %dma_start3A_64 = arith.constant 0 : i32
      %dma_start3A_65 = tpu.memref_slice %arg7[%dma_start3A_63, %dma_start3A_64] : memref<100x112xf32, #tpu.memory_space<vmem>> -> memref<80x112xf32, #tpu.memory_space<vmem>>
      tpu.enqueue_dma source(%dma_start3A_65 : memref<80x112xf32, #tpu.memory_space<vmem>>) target(%dma_start3A_62 : memref<80x112xf32, #tpu.memory_space<vmem_shared>>) target_semaphore(%run_scoped3A_55 : memref<!tpu.dma_semaphore, #tpu.memory_space<semaphore_mem>>)
      %dma_wait3A = arith.constant 0 : i32
      %dma_wait3A_66 = arith.constant 0 : i32
      %dma_wait3A_67 = tpu.memref_slice %arg7[%dma_wait3A, %dma_wait3A_66] : memref<100x112xf32, #tpu.memory_space<vmem>> -> memref<80x112xf32, #tpu.memory_space<vmem>>
      %dma_wait3A_68 = arith.constant 0 : i32
      %dma_wait3A_69 = tpu.memref_slice %arg11[%add3A_18, %dma_wait3A_68] : memref<10240x112xf32, #tpu.memory_space<vmem_shared>> -> memref<80x112xf32, #tpu.memory_space<vmem_shared>>
      %dma_wait3A_70 = arith.constant 0 : i32
      %dma_wait3A_71 = tpu.memref_slice %arg11[%add3A_18, %dma_wait3A_70] : memref<10240x112xf32, #tpu.memory_space<vmem_shared>> -> memref<80x112xf32, #tpu.memory_space<vmem_shared>>
      %dma_wait3A_72 = arith.constant 0 : i32
      %dma_wait3A_73 = arith.constant 0 : i32
      %dma_wait3A_74 = tpu.memref_slice %arg7[%dma_wait3A_72, %dma_wait3A_73] : memref<100x112xf32, #tpu.memory_space<vmem>> -> memref<80x112xf32, #tpu.memory_space<vmem>>
      tpu.wait_dma2 semaphore(%run_scoped3A_55 : memref<!tpu.dma_semaphore, #tpu.memory_space<semaphore_mem>>) src(%dma_wait3A_74 : memref<80x112xf32, #tpu.memory_space<vmem>>) dst(%dma_wait3A_71 : memref<80x112xf32, #tpu.memory_space<vmem_shared>>)
      tpu.yield
    }) : () -> ()
    %mul3A_19 = arith.constant 640 : i32
    %mul3A_20 = arith.muli %arg1, %mul3A_19 : i32
    %add3A_21 = arith.constant 240 : i32
    %add3A_22 = arith.addi %mul3A_20, %add3A_21 : i32
    "tpu.region"() ({
      %run_scoped3A_55 = tpu.sem_alloc : memref<!tpu.dma_semaphore, #tpu.memory_space<semaphore_mem>>
      %dma_start3A_56 = arith.constant 0 : i32
      %dma_start3A_57 = arith.constant 0 : i32
      %dma_start3A_58 = tpu.memref_slice %arg7[%dma_start3A_56, %dma_start3A_57] : memref<100x112xf32, #tpu.memory_space<vmem>> -> memref<80x112xf32, #tpu.memory_space<vmem>>
      %dma_start3A_59 = arith.constant 0 : i32
      %dma_start3A_60 = tpu.memref_slice %arg11[%add3A_22, %dma_start3A_59] : memref<10240x112xf32, #tpu.memory_space<vmem_shared>> -> memref<80x112xf32, #tpu.memory_space<vmem_shared>>
      %dma_start3A_61 = arith.constant 0 : i32
      %dma_start3A_62 = tpu.memref_slice %arg11[%add3A_22, %dma_start3A_61] : memref<10240x112xf32, #tpu.memory_space<vmem_shared>> -> memref<80x112xf32, #tpu.memory_space<vmem_shared>>
      %dma_start3A_63 = arith.constant 0 : i32
      %dma_start3A_64 = arith.constant 0 : i32
      %dma_start3A_65 = tpu.memref_slice %arg7[%dma_start3A_63, %dma_start3A_64] : memref<100x112xf32, #tpu.memory_space<vmem>> -> memref<80x112xf32, #tpu.memory_space<vmem>>
      tpu.enqueue_dma source(%dma_start3A_65 : memref<80x112xf32, #tpu.memory_space<vmem>>) target(%dma_start3A_62 : memref<80x112xf32, #tpu.memory_space<vmem_shared>>) target_semaphore(%run_scoped3A_55 : memref<!tpu.dma_semaphore, #tpu.memory_space<semaphore_mem>>)
      %dma_wait3A = arith.constant 0 : i32
      %dma_wait3A_66 = arith.constant 0 : i32
      %dma_wait3A_67 = tpu.memref_slice %arg7[%dma_wait3A, %dma_wait3A_66] : memref<100x112xf32, #tpu.memory_space<vmem>> -> memref<80x112xf32, #tpu.memory_space<vmem>>
      %dma_wait3A_68 = arith.constant 0 : i32
      %dma_wait3A_69 = tpu.memref_slice %arg11[%add3A_22, %dma_wait3A_68] : memref<10240x112xf32, #tpu.memory_space<vmem_shared>> -> memref<80x112xf32, #tpu.memory_space<vmem_shared>>
      %dma_wait3A_70 = arith.constant 0 : i32
      %dma_wait3A_71 = tpu.memref_slice %arg11[%add3A_22, %dma_wait3A_70] : memref<10240x112xf32, #tpu.memory_space<vmem_shared>> -> memref<80x112xf32, #tpu.memory_space<vmem_shared>>
      %dma_wait3A_72 = arith.constant 0 : i32
      %dma_wait3A_73 = arith.constant 0 : i32
      %dma_wait3A_74 = tpu.memref_slice %arg7[%dma_wait3A_72, %dma_wait3A_73] : memref<100x112xf32, #tpu.memory_space<vmem>> -> memref<80x112xf32, #tpu.memory_space<vmem>>
      tpu.wait_dma2 semaphore(%run_scoped3A_55 : memref<!tpu.dma_semaphore, #tpu.memory_space<semaphore_mem>>) src(%dma_wait3A_74 : memref<80x112xf32, #tpu.memory_space<vmem>>) dst(%dma_wait3A_71 : memref<80x112xf32, #tpu.memory_space<vmem_shared>>)
      tpu.yield
    }) : () -> ()
    %mul3A_23 = arith.constant 640 : i32
    %mul3A_24 = arith.muli %arg1, %mul3A_23 : i32
    %add3A_25 = arith.constant 320 : i32
    %add3A_26 = arith.addi %mul3A_24, %add3A_25 : i32
    "tpu.region"() ({
      %run_scoped3A_55 = tpu.sem_alloc : memref<!tpu.dma_semaphore, #tpu.memory_space<semaphore_mem>>
      %dma_start3A_56 = arith.constant 0 : i32
      %dma_start3A_57 = arith.constant 0 : i32
      %dma_start3A_58 = tpu.memref_slice %arg7[%dma_start3A_56, %dma_start3A_57] : memref<100x112xf32, #tpu.memory_space<vmem>> -> memref<80x112xf32, #tpu.memory_space<vmem>>
      %dma_start3A_59 = arith.constant 0 : i32
      %dma_start3A_60 = tpu.memref_slice %arg11[%add3A_26, %dma_start3A_59] : memref<10240x112xf32, #tpu.memory_space<vmem_shared>> -> memref<80x112xf32, #tpu.memory_space<vmem_shared>>
      %dma_start3A_61 = arith.constant 0 : i32
      %dma_start3A_62 = tpu.memref_slice %arg11[%add3A_26, %dma_start3A_61] : memref<10240x112xf32, #tpu.memory_space<vmem_shared>> -> memref<80x112xf32, #tpu.memory_space<vmem_shared>>
      %dma_start3A_63 = arith.constant 0 : i32
      %dma_start3A_64 = arith.constant 0 : i32
      %dma_start3A_65 = tpu.memref_slice %arg7[%dma_start3A_63, %dma_start3A_64] : memref<100x112xf32, #tpu.memory_space<vmem>> -> memref<80x112xf32, #tpu.memory_space<vmem>>
      tpu.enqueue_dma source(%dma_start3A_65 : memref<80x112xf32, #tpu.memory_space<vmem>>) target(%dma_start3A_62 : memref<80x112xf32, #tpu.memory_space<vmem_shared>>) target_semaphore(%run_scoped3A_55 : memref<!tpu.dma_semaphore, #tpu.memory_space<semaphore_mem>>)
      %dma_wait3A = arith.constant 0 : i32
      %dma_wait3A_66 = arith.constant 0 : i32
      %dma_wait3A_67 = tpu.memref_slice %arg7[%dma_wait3A, %dma_wait3A_66] : memref<100x112xf32, #tpu.memory_space<vmem>> -> memref<80x112xf32, #tpu.memory_space<vmem>>
      %dma_wait3A_68 = arith.constant 0 : i32
      %dma_wait3A_69 = tpu.memref_slice %arg11[%add3A_26, %dma_wait3A_68] : memref<10240x112xf32, #tpu.memory_space<vmem_shared>> -> memref<80x112xf32, #tpu.memory_space<vmem_shared>>
      %dma_wait3A_70 = arith.constant 0 : i32
      %dma_wait3A_71 = tpu.memref_slice %arg11[%add3A_26, %dma_wait3A_70] : memref<10240x112xf32, #tpu.memory_space<vmem_shared>> -> memref<80x112xf32, #tpu.memory_space<vmem_shared>>
      %dma_wait3A_72 = arith.constant 0 : i32
      %dma_wait3A_73 = arith.constant 0 : i32
      %dma_wait3A_74 = tpu.memref_slice %arg7[%dma_wait3A_72, %dma_wait3A_73] : memref<100x112xf32, #tpu.memory_space<vmem>> -> memref<80x112xf32, #tpu.memory_space<vmem>>
      tpu.wait_dma2 semaphore(%run_scoped3A_55 : memref<!tpu.dma_semaphore, #tpu.memory_space<semaphore_mem>>) src(%dma_wait3A_74 : memref<80x112xf32, #tpu.memory_space<vmem>>) dst(%dma_wait3A_71 : memref<80x112xf32, #tpu.memory_space<vmem_shared>>)
      tpu.yield
    }) : () -> ()
    %mul3A_27 = arith.constant 640 : i32
    %mul3A_28 = arith.muli %arg1, %mul3A_27 : i32
    %add3A_29 = arith.constant 400 : i32
    %add3A_30 = arith.addi %mul3A_28, %add3A_29 : i32
    "tpu.region"() ({
      %run_scoped3A_55 = tpu.sem_alloc : memref<!tpu.dma_semaphore, #tpu.memory_space<semaphore_mem>>
      %dma_start3A_56 = arith.constant 0 : i32
      %dma_start3A_57 = arith.constant 0 : i32
      %dma_start3A_58 = tpu.memref_slice %arg7[%dma_start3A_56, %dma_start3A_57] : memref<100x112xf32, #tpu.memory_space<vmem>> -> memref<80x112xf32, #tpu.memory_space<vmem>>
      %dma_start3A_59 = arith.constant 0 : i32
      %dma_start3A_60 = tpu.memref_slice %arg11[%add3A_30, %dma_start3A_59] : memref<10240x112xf32, #tpu.memory_space<vmem_shared>> -> memref<80x112xf32, #tpu.memory_space<vmem_shared>>
      %dma_start3A_61 = arith.constant 0 : i32
      %dma_start3A_62 = tpu.memref_slice %arg11[%add3A_30, %dma_start3A_61] : memref<10240x112xf32, #tpu.memory_space<vmem_shared>> -> memref<80x112xf32, #tpu.memory_space<vmem_shared>>
      %dma_start3A_63 = arith.constant 0 : i32
      %dma_start3A_64 = arith.constant 0 : i32
      %dma_start3A_65 = tpu.memref_slice %arg7[%dma_start3A_63, %dma_start3A_64] : memref<100x112xf32, #tpu.memory_space<vmem>> -> memref<80x112xf32, #tpu.memory_space<vmem>>
      tpu.enqueue_dma source(%dma_start3A_65 : memref<80x112xf32, #tpu.memory_space<vmem>>) target(%dma_start3A_62 : memref<80x112xf32, #tpu.memory_space<vmem_shared>>) target_semaphore(%run_scoped3A_55 : memref<!tpu.dma_semaphore, #tpu.memory_space<semaphore_mem>>)
      %dma_wait3A = arith.constant 0 : i32
      %dma_wait3A_66 = arith.constant 0 : i32
      %dma_wait3A_67 = tpu.memref_slice %arg7[%dma_wait3A, %dma_wait3A_66] : memref<100x112xf32, #tpu.memory_space<vmem>> -> memref<80x112xf32, #tpu.memory_space<vmem>>
      %dma_wait3A_68 = arith.constant 0 : i32
      %dma_wait3A_69 = tpu.memref_slice %arg11[%add3A_30, %dma_wait3A_68] : memref<10240x112xf32, #tpu.memory_space<vmem_shared>> -> memref<80x112xf32, #tpu.memory_space<vmem_shared>>
      %dma_wait3A_70 = arith.constant 0 : i32
      %dma_wait3A_71 = tpu.memref_slice %arg11[%add3A_30, %dma_wait3A_70] : memref<10240x112xf32, #tpu.memory_space<vmem_shared>> -> memref<80x112xf32, #tpu.memory_space<vmem_shared>>
      %dma_wait3A_72 = arith.constant 0 : i32
      %dma_wait3A_73 = arith.constant 0 : i32
      %dma_wait3A_74 = tpu.memref_slice %arg7[%dma_wait3A_72, %dma_wait3A_73] : memref<100x112xf32, #tpu.memory_space<vmem>> -> memref<80x112xf32, #tpu.memory_space<vmem>>
      tpu.wait_dma2 semaphore(%run_scoped3A_55 : memref<!tpu.dma_semaphore, #tpu.memory_space<semaphore_mem>>) src(%dma_wait3A_74 : memref<80x112xf32, #tpu.memory_space<vmem>>) dst(%dma_wait3A_71 : memref<80x112xf32, #tpu.memory_space<vmem_shared>>)
      tpu.yield
    }) : () -> ()
    %mul3A_31 = arith.constant 640 : i32
    %mul3A_32 = arith.muli %arg1, %mul3A_31 : i32
    %add3A_33 = arith.constant 480 : i32
    %add3A_34 = arith.addi %mul3A_32, %add3A_33 : i32
    "tpu.region"() ({
      %run_scoped3A_55 = tpu.sem_alloc : memref<!tpu.dma_semaphore, #tpu.memory_space<semaphore_mem>>
      %dma_start3A_56 = arith.constant 0 : i32
      %dma_start3A_57 = arith.constant 0 : i32
      %dma_start3A_58 = tpu.memref_slice %arg7[%dma_start3A_56, %dma_start3A_57] : memref<100x112xf32, #tpu.memory_space<vmem>> -> memref<80x112xf32, #tpu.memory_space<vmem>>
      %dma_start3A_59 = arith.constant 0 : i32
      %dma_start3A_60 = tpu.memref_slice %arg11[%add3A_34, %dma_start3A_59] : memref<10240x112xf32, #tpu.memory_space<vmem_shared>> -> memref<80x112xf32, #tpu.memory_space<vmem_shared>>
      %dma_start3A_61 = arith.constant 0 : i32
      %dma_start3A_62 = tpu.memref_slice %arg11[%add3A_34, %dma_start3A_61] : memref<10240x112xf32, #tpu.memory_space<vmem_shared>> -> memref<80x112xf32, #tpu.memory_space<vmem_shared>>
      %dma_start3A_63 = arith.constant 0 : i32
      %dma_start3A_64 = arith.constant 0 : i32
      %dma_start3A_65 = tpu.memref_slice %arg7[%dma_start3A_63, %dma_start3A_64] : memref<100x112xf32, #tpu.memory_space<vmem>> -> memref<80x112xf32, #tpu.memory_space<vmem>>
      tpu.enqueue_dma source(%dma_start3A_65 : memref<80x112xf32, #tpu.memory_space<vmem>>) target(%dma_start3A_62 : memref<80x112xf32, #tpu.memory_space<vmem_shared>>) target_semaphore(%run_scoped3A_55 : memref<!tpu.dma_semaphore, #tpu.memory_space<semaphore_mem>>)
      %dma_wait3A = arith.constant 0 : i32
      %dma_wait3A_66 = arith.constant 0 : i32
      %dma_wait3A_67 = tpu.memref_slice %arg7[%dma_wait3A, %dma_wait3A_66] : memref<100x112xf32, #tpu.memory_space<vmem>> -> memref<80x112xf32, #tpu.memory_space<vmem>>
      %dma_wait3A_68 = arith.constant 0 : i32
      %dma_wait3A_69 = tpu.memref_slice %arg11[%add3A_34, %dma_wait3A_68] : memref<10240x112xf32, #tpu.memory_space<vmem_shared>> -> memref<80x112xf32, #tpu.memory_space<vmem_shared>>
      %dma_wait3A_70 = arith.constant 0 : i32
      %dma_wait3A_71 = tpu.memref_slice %arg11[%add3A_34, %dma_wait3A_70] : memref<10240x112xf32, #tpu.memory_space<vmem_shared>> -> memref<80x112xf32, #tpu.memory_space<vmem_shared>>
      %dma_wait3A_72 = arith.constant 0 : i32
      %dma_wait3A_73 = arith.constant 0 : i32
      %dma_wait3A_74 = tpu.memref_slice %arg7[%dma_wait3A_72, %dma_wait3A_73] : memref<100x112xf32, #tpu.memory_space<vmem>> -> memref<80x112xf32, #tpu.memory_space<vmem>>
      tpu.wait_dma2 semaphore(%run_scoped3A_55 : memref<!tpu.dma_semaphore, #tpu.memory_space<semaphore_mem>>) src(%dma_wait3A_74 : memref<80x112xf32, #tpu.memory_space<vmem>>) dst(%dma_wait3A_71 : memref<80x112xf32, #tpu.memory_space<vmem_shared>>)
      tpu.yield
    }) : () -> ()
    %mul3A_35 = arith.constant 640 : i32
    %mul3A_36 = arith.muli %arg1, %mul3A_35 : i32
    %add3A_37 = arith.constant 560 : i32
    %add3A_38 = arith.addi %mul3A_36, %add3A_37 : i32
    "tpu.region"() ({
      %run_scoped3A_55 = tpu.sem_alloc : memref<!tpu.dma_semaphore, #tpu.memory_space<semaphore_mem>>
      %dma_start3A_56 = arith.constant 0 : i32
      %dma_start3A_57 = arith.constant 0 : i32
      %dma_start3A_58 = tpu.memref_slice %arg7[%dma_start3A_56, %dma_start3A_57] : memref<100x112xf32, #tpu.memory_space<vmem>> -> memref<80x112xf32, #tpu.memory_space<vmem>>
      %dma_start3A_59 = arith.constant 0 : i32
      %dma_start3A_60 = tpu.memref_slice %arg11[%add3A_38, %dma_start3A_59] : memref<10240x112xf32, #tpu.memory_space<vmem_shared>> -> memref<80x112xf32, #tpu.memory_space<vmem_shared>>
      %dma_start3A_61 = arith.constant 0 : i32
      %dma_start3A_62 = tpu.memref_slice %arg11[%add3A_38, %dma_start3A_61] : memref<10240x112xf32, #tpu.memory_space<vmem_shared>> -> memref<80x112xf32, #tpu.memory_space<vmem_shared>>
      %dma_start3A_63 = arith.constant 0 : i32
      %dma_start3A_64 = arith.constant 0 : i32
      %dma_start3A_65 = tpu.memref_slice %arg7[%dma_start3A_63, %dma_start3A_64] : memref<100x112xf32, #tpu.memory_space<vmem>> -> memref<80x112xf32, #tpu.memory_space<vmem>>
      tpu.enqueue_dma source(%dma_start3A_65 : memref<80x112xf32, #tpu.memory_space<vmem>>) target(%dma_start3A_62 : memref<80x112xf32, #tpu.memory_space<vmem_shared>>) target_semaphore(%run_scoped3A_55 : memref<!tpu.dma_semaphore, #tpu.memory_space<semaphore_mem>>)
      %dma_wait3A = arith.constant 0 : i32
      %dma_wait3A_66 = arith.constant 0 : i32
      %dma_wait3A_67 = tpu.memref_slice %arg7[%dma_wait3A, %dma_wait3A_66] : memref<100x112xf32, #tpu.memory_space<vmem>> -> memref<80x112xf32, #tpu.memory_space<vmem>>
      %dma_wait3A_68 = arith.constant 0 : i32
      %dma_wait3A_69 = tpu.memref_slice %arg11[%add3A_38, %dma_wait3A_68] : memref<10240x112xf32, #tpu.memory_space<vmem_shared>> -> memref<80x112xf32, #tpu.memory_space<vmem_shared>>
      %dma_wait3A_70 = arith.constant 0 : i32
      %dma_wait3A_71 = tpu.memref_slice %arg11[%add3A_38, %dma_wait3A_70] : memref<10240x112xf32, #tpu.memory_space<vmem_shared>> -> memref<80x112xf32, #tpu.memory_space<vmem_shared>>
      %dma_wait3A_72 = arith.constant 0 : i32
      %dma_wait3A_73 = arith.constant 0 : i32
      %dma_wait3A_74 = tpu.memref_slice %arg7[%dma_wait3A_72, %dma_wait3A_73] : memref<100x112xf32, #tpu.memory_space<vmem>> -> memref<80x112xf32, #tpu.memory_space<vmem>>
      tpu.wait_dma2 semaphore(%run_scoped3A_55 : memref<!tpu.dma_semaphore, #tpu.memory_space<semaphore_mem>>) src(%dma_wait3A_74 : memref<80x112xf32, #tpu.memory_space<vmem>>) dst(%dma_wait3A_71 : memref<80x112xf32, #tpu.memory_space<vmem_shared>>)
      tpu.yield
    }) : () -> ()
    %barrier3A = arith.constant 0 : index
    tpu.barrier barrier_id(%barrier3A)
    %dma_start3A = arith.constant 0 : i32
    %dma_start3A_39 = arith.constant 0 : i32
    %dma_start3A_40 = tpu.memref_slice %arg5[%dma_start3A, %dma_start3A_39] : memref<50x100xi32, #tpu.memory_space<vmem>> -> memref<1x100xi32, #tpu.memory_space<vmem>>
    %dma_start3A_41 = tpu.memref_squeeze %dma_start3A_40 : memref<1x100xi32, #tpu.memory_space<vmem>> -> memref<100xi32, #tpu.memory_space<vmem>>
    %dma_start3A_42 = arith.constant 0 : i32
    %dma_start3A_43 = arith.constant 0 : i32
    %dma_start3A_44 = tpu.memref_slice %arg2[%dma_start3A_42, %dma_start3A_43] : memref<10240x112xf32, #tpu.memory_space<hbm>> -> memref<10240x112xf32, #tpu.memory_space<hbm>>
    tpu.enqueue_indirect_dma source(%dma_start3A_44 : memref<10240x112xf32, #tpu.memory_space<hbm>>) target(%arg7 : memref<100x112xf32, #tpu.memory_space<vmem>>) offsets(%dma_start3A_41 : memref<100xi32, #tpu.memory_space<vmem>>) semaphore(%arg9 : memref<!tpu.dma_semaphore, #tpu.memory_space<semaphore_mem>>)
    %scan3A_45 = arith.constant 0 : i32
    %scan3A_46 = arith.constant 25 : i32
    %scan3A_47 = arith.addi %scan3A_45, %scan3A_46 : i32
    %scan3A_48 = arith.constant 1 : i32
    scf.for %scan3A_55 = %scan3A_45 to %scan3A_47 step %scan3A_48  : i32 {
      %mul3A_56 = arith.constant 2 : i32
      %mul3A_57 = arith.muli %mul3A_56, %scan3A_55 : i32
      %add3A_58 = arith.constant 1 : i32
      %add3A_59 = arith.addi %mul3A_57, %add3A_58 : i32
      %dma_start3A_60 = arith.constant 0 : i32
      %dma_start3A_61 = tpu.memref_slice %arg5[%add3A_59, %dma_start3A_60] : memref<50x100xi32, #tpu.memory_space<vmem>> -> memref<1x100xi32, #tpu.memory_space<vmem>>
      %dma_start3A_62 = tpu.memref_squeeze %dma_start3A_61 : memref<1x100xi32, #tpu.memory_space<vmem>> -> memref<100xi32, #tpu.memory_space<vmem>>
      %dma_start3A_63 = arith.constant 0 : i32
      %dma_start3A_64 = arith.constant 0 : i32
      %dma_start3A_65 = tpu.memref_slice %arg2[%dma_start3A_63, %dma_start3A_64] : memref<10240x112xf32, #tpu.memory_space<hbm>> -> memref<10240x112xf32, #tpu.memory_space<hbm>>
      tpu.enqueue_indirect_dma source(%dma_start3A_65 : memref<10240x112xf32, #tpu.memory_space<hbm>>) target(%arg8 : memref<100x112xf32, #tpu.memory_space<vmem>>) offsets(%dma_start3A_62 : memref<100xi32, #tpu.memory_space<vmem>>) semaphore(%arg10 : memref<!tpu.dma_semaphore, #tpu.memory_space<semaphore_mem>>)
      %dma_wait3A = arith.constant 0 : i32
      %dma_wait3A_66 = tpu.memref_slice %arg5[%mul3A_57, %dma_wait3A] : memref<50x100xi32, #tpu.memory_space<vmem>> -> memref<1x100xi32, #tpu.memory_space<vmem>>
      %dma_wait3A_67 = tpu.memref_squeeze %dma_wait3A_66 : memref<1x100xi32, #tpu.memory_space<vmem>> -> memref<100xi32, #tpu.memory_space<vmem>>
      %dma_wait3A_68 = arith.constant 0 : i32
      %dma_wait3A_69 = arith.constant 0 : i32
      %dma_wait3A_70 = tpu.memref_slice %arg2[%dma_wait3A_68, %dma_wait3A_69] : memref<10240x112xf32, #tpu.memory_space<hbm>> -> memref<10240x112xf32, #tpu.memory_space<hbm>>
      tpu.wait_indirect_dma semaphore(%arg9 : memref<!tpu.dma_semaphore, #tpu.memory_space<semaphore_mem>>) src(%dma_wait3A_70 : memref<10240x112xf32, #tpu.memory_space<hbm>>) dst(%arg7 : memref<100x112xf32, #tpu.memory_space<vmem>>)
      "tpu.region"() ({
        %run_scoped3A_79 = tpu.sem_alloc : memref<!tpu.dma_semaphore, #tpu.memory_space<semaphore_mem>>
        %dma_start3A_80 = arith.constant 0 : i32
        %dma_start3A_81 = tpu.memref_slice %arg6[%mul3A_57, %dma_start3A_80] : memref<50x100xi32, #tpu.memory_space<vmem>> -> memref<1x100xi32, #tpu.memory_space<vmem>>
        %dma_start3A_82 = tpu.memref_squeeze %dma_start3A_81 : memref<1x100xi32, #tpu.memory_space<vmem>> -> memref<100xi32, #tpu.memory_space<vmem>>
        %dma_start3A_83 = arith.constant 0 : i32
        %dma_start3A_84 = arith.constant 0 : i32
        %dma_start3A_85 = tpu.memref_slice %arg11[%dma_start3A_83, %dma_start3A_84] : memref<10240x112xf32, #tpu.memory_space<vmem_shared>> -> memref<10240x112xf32, #tpu.memory_space<vmem_shared>>
        tpu.enqueue_indirect_dma source(%arg7 : memref<100x112xf32, #tpu.memory_space<vmem>>) target(%dma_start3A_85 : memref<10240x112xf32, #tpu.memory_space<vmem_shared>>) offsets(%dma_start3A_82 : memref<100xi32, #tpu.memory_space<vmem>>) semaphore(%run_scoped3A_79 : memref<!tpu.dma_semaphore, #tpu.memory_space<semaphore_mem>>) {add = true}
        %dma_wait3A_86 = arith.constant 0 : i32
        %dma_wait3A_87 = tpu.memref_slice %arg6[%mul3A_57, %dma_wait3A_86] : memref<50x100xi32, #tpu.memory_space<vmem>> -> memref<1x100xi32, #tpu.memory_space<vmem>>
        %dma_wait3A_88 = tpu.memref_squeeze %dma_wait3A_87 : memref<1x100xi32, #tpu.memory_space<vmem>> -> memref<100xi32, #tpu.memory_space<vmem>>
        %dma_wait3A_89 = arith.constant 0 : i32
        %dma_wait3A_90 = arith.constant 0 : i32
        %dma_wait3A_91 = tpu.memref_slice %arg11[%dma_wait3A_89, %dma_wait3A_90] : memref<10240x112xf32, #tpu.memory_space<vmem_shared>> -> memref<10240x112xf32, #tpu.memory_space<vmem_shared>>
        tpu.wait_indirect_dma semaphore(%run_scoped3A_79 : memref<!tpu.dma_semaphore, #tpu.memory_space<semaphore_mem>>) src(%arg7 : memref<100x112xf32, #tpu.memory_space<vmem>>) dst(%dma_wait3A_91 : memref<10240x112xf32, #tpu.memory_space<vmem_shared>>)
        tpu.yield
      }) : () -> ()
      %lt3A = arith.constant 24 : i32
      %lt3A_71 = arith.cmpi slt, %scan3A_55, %lt3A : i32
      %convert_element_type3A = arith.extui %lt3A_71 : i1 to i32
      %cond3A = arith.constant 0 : i32
      %cond3A_72 = arith.cmpi ne, %convert_element_type3A, %cond3A : i32
      scf.if %cond3A_72 {
        %add3A_79 = arith.constant 2 : i32
        %add3A_80 = arith.addi %mul3A_57, %add3A_79 : i32
        %dma_start3A_81 = arith.constant 0 : i32
        %dma_start3A_82 = tpu.memref_slice %arg5[%add3A_80, %dma_start3A_81] : memref<50x100xi32, #tpu.memory_space<vmem>> -> memref<1x100xi32, #tpu.memory_space<vmem>>
        %dma_start3A_83 = tpu.memref_squeeze %dma_start3A_82 : memref<1x100xi32, #tpu.memory_space<vmem>> -> memref<100xi32, #tpu.memory_space<vmem>>
        %dma_start3A_84 = arith.constant 0 : i32
        %dma_start3A_85 = arith.constant 0 : i32
        %dma_start3A_86 = tpu.memref_slice %arg2[%dma_start3A_84, %dma_start3A_85] : memref<10240x112xf32, #tpu.memory_space<hbm>> -> memref<10240x112xf32, #tpu.memory_space<hbm>>
        tpu.enqueue_indirect_dma source(%dma_start3A_86 : memref<10240x112xf32, #tpu.memory_space<hbm>>) target(%arg7 : memref<100x112xf32, #tpu.memory_space<vmem>>) offsets(%dma_start3A_83 : memref<100xi32, #tpu.memory_space<vmem>>) semaphore(%arg9 : memref<!tpu.dma_semaphore, #tpu.memory_space<semaphore_mem>>)
      } else {
      }
      %dma_wait3A_73 = arith.constant 0 : i32
      %dma_wait3A_74 = tpu.memref_slice %arg5[%add3A_59, %dma_wait3A_73] : memref<50x100xi32, #tpu.memory_space<vmem>> -> memref<1x100xi32, #tpu.memory_space<vmem>>
      %dma_wait3A_75 = tpu.memref_squeeze %dma_wait3A_74 : memref<1x100xi32, #tpu.memory_space<vmem>> -> memref<100xi32, #tpu.memory_space<vmem>>
      %dma_wait3A_76 = arith.constant 0 : i32
      %dma_wait3A_77 = arith.constant 0 : i32
      %dma_wait3A_78 = tpu.memref_slice %arg2[%dma_wait3A_76, %dma_wait3A_77] : memref<10240x112xf32, #tpu.memory_space<hbm>> -> memref<10240x112xf32, #tpu.memory_space<hbm>>
      tpu.wait_indirect_dma semaphore(%arg10 : memref<!tpu.dma_semaphore, #tpu.memory_space<semaphore_mem>>) src(%dma_wait3A_78 : memref<10240x112xf32, #tpu.memory_space<hbm>>) dst(%arg8 : memref<100x112xf32, #tpu.memory_space<vmem>>)
      "tpu.region"() ({
        %run_scoped3A_79 = tpu.sem_alloc : memref<!tpu.dma_semaphore, #tpu.memory_space<semaphore_mem>>
        %dma_start3A_80 = arith.constant 0 : i32
        %dma_start3A_81 = tpu.memref_slice %arg6[%add3A_59, %dma_start3A_80] : memref<50x100xi32, #tpu.memory_space<vmem>> -> memref<1x100xi32, #tpu.memory_space<vmem>>
        %dma_start3A_82 = tpu.memref_squeeze %dma_start3A_81 : memref<1x100xi32, #tpu.memory_space<vmem>> -> memref<100xi32, #tpu.memory_space<vmem>>
        %dma_start3A_83 = arith.constant 0 : i32
        %dma_start3A_84 = arith.constant 0 : i32
        %dma_start3A_85 = tpu.memref_slice %arg11[%dma_start3A_83, %dma_start3A_84] : memref<10240x112xf32, #tpu.memory_space<vmem_shared>> -> memref<10240x112xf32, #tpu.memory_space<vmem_shared>>
        tpu.enqueue_indirect_dma source(%arg8 : memref<100x112xf32, #tpu.memory_space<vmem>>) target(%dma_start3A_85 : memref<10240x112xf32, #tpu.memory_space<vmem_shared>>) offsets(%dma_start3A_82 : memref<100xi32, #tpu.memory_space<vmem>>) semaphore(%run_scoped3A_79 : memref<!tpu.dma_semaphore, #tpu.memory_space<semaphore_mem>>) {add = true}
        %dma_wait3A_86 = arith.constant 0 : i32
        %dma_wait3A_87 = tpu.memref_slice %arg6[%add3A_59, %dma_wait3A_86] : memref<50x100xi32, #tpu.memory_space<vmem>> -> memref<1x100xi32, #tpu.memory_space<vmem>>
        %dma_wait3A_88 = tpu.memref_squeeze %dma_wait3A_87 : memref<1x100xi32, #tpu.memory_space<vmem>> -> memref<100xi32, #tpu.memory_space<vmem>>
        %dma_wait3A_89 = arith.constant 0 : i32
        %dma_wait3A_90 = arith.constant 0 : i32
        %dma_wait3A_91 = tpu.memref_slice %arg11[%dma_wait3A_89, %dma_wait3A_90] : memref<10240x112xf32, #tpu.memory_space<vmem_shared>> -> memref<10240x112xf32, #tpu.memory_space<vmem_shared>>
        tpu.wait_indirect_dma semaphore(%run_scoped3A_79 : memref<!tpu.dma_semaphore, #tpu.memory_space<semaphore_mem>>) src(%arg8 : memref<100x112xf32, #tpu.memory_space<vmem>>) dst(%dma_wait3A_91 : memref<10240x112xf32, #tpu.memory_space<vmem_shared>>)
        tpu.yield
      }) : () -> ()
    }
    %scan3A_49 = arith.constant 25 : i32
    %barrier3A_50 = arith.constant 0 : index
    tpu.barrier barrier_id(%barrier3A_50)
    %mul3A_51 = arith.constant 640 : i32
    %mul3A_52 = arith.muli %arg1, %mul3A_51 : i32
    %mul3A_53 = arith.constant 640 : i32
    %mul3A_54 = arith.muli %arg1, %mul3A_53 : i32
    "tpu.region"() ({
      %run_scoped3A_55 = tpu.sem_alloc : memref<!tpu.dma_semaphore, #tpu.memory_space<semaphore_mem>>
      %dma_start3A_56 = arith.constant 0 : i32
      %dma_start3A_57 = tpu.memref_slice %arg4[%arg0, %mul3A_54, %dma_start3A_56] : memref<2x10240x112xf32, #tpu.memory_space<hbm>> -> memref<1x640x112xf32, #tpu.memory_space<hbm>>
      %dma_start3A_58 = tpu.memref_squeeze %dma_start3A_57 : memref<1x640x112xf32, #tpu.memory_space<hbm>> -> memref<640x112xf32, #tpu.memory_space<hbm>>
      %dma_start3A_59 = arith.constant 0 : i32
      %dma_start3A_60 = tpu.memref_slice %arg11[%mul3A_52, %dma_start3A_59] : memref<10240x112xf32, #tpu.memory_space<vmem_shared>> -> memref<640x112xf32, #tpu.memory_space<vmem_shared>>
      tpu.enqueue_dma source(%dma_start3A_60 : memref<640x112xf32, #tpu.memory_space<vmem_shared>>) target(%dma_start3A_58 : memref<640x112xf32, #tpu.memory_space<hbm>>) target_semaphore(%run_scoped3A_55 : memref<!tpu.dma_semaphore, #tpu.memory_space<semaphore_mem>>)
      %dma_wait3A = arith.constant 0 : i32
      %dma_wait3A_61 = tpu.memref_slice %arg4[%arg0, %mul3A_54, %dma_wait3A] : memref<2x10240x112xf32, #tpu.memory_space<hbm>> -> memref<1x640x112xf32, #tpu.memory_space<hbm>>
      %dma_wait3A_62 = tpu.memref_squeeze %dma_wait3A_61 : memref<1x640x112xf32, #tpu.memory_space<hbm>> -> memref<640x112xf32, #tpu.memory_space<hbm>>
      %dma_wait3A_63 = arith.constant 0 : i32
      %dma_wait3A_64 = tpu.memref_slice %arg11[%mul3A_52, %dma_wait3A_63] : memref<10240x112xf32, #tpu.memory_space<vmem_shared>> -> memref<640x112xf32, #tpu.memory_space<vmem_shared>>
      tpu.wait_dma2 semaphore(%run_scoped3A_55 : memref<!tpu.dma_semaphore, #tpu.memory_space<semaphore_mem>>) src(%dma_wait3A_64 : memref<640x112xf32, #tpu.memory_space<vmem_shared>>) dst(%dma_wait3A_62 : memref<640x112xf32, #tpu.memory_space<hbm>>)
      tpu.yield
    }) : () -> ()
    return
  }
}

#map = affine_map<(d0, d1) -> (0)>
#map1 = affine_map<(d0, d1) -> (0, 0, 0, 0)>
#map2 = affine_map<(d0, d1) -> (0, 0)>
module attributes {stable_mosaic.version = 14 : i64} {
  func.func @_g_call(%arg0: i32, %arg1: i32, %arg2: memref<10240xf32, #tpu.memory_space<hbm>>, %arg3: memref<2x32x50x100xi32, #tpu.memory_space<hbm>>, %arg4: memref<2x10240xf32, #tpu.memory_space<hbm>>, %arg5: memref<10240xf32, #tpu.memory_space<vmem>>, %arg6: memref<10240xf32, #tpu.memory_space<vmem>>, %arg7: memref<50x100xi32, #tpu.memory_space<vmem>>, %arg8: memref<50x100xi32, #tpu.memory_space<vmem>>, %arg9: memref<16x10240xf32, #tpu.memory_space<vmem_shared>>, %arg10: memref<16x640xf32, #tpu.memory_space<vmem>>, %arg11: memref<640xf32, #tpu.memory_space<vmem>>) attributes {dimension_semantics = [#tpu.dimension_semantics<core_parallel>, #tpu.dimension_semantics<subcore_parallel>], iteration_bounds = array<i64: 2, 16>, scalar_prefetch = 0 : i64, scratch_operands = 7 : i64, tpu.core_type = #tpu.core_type<sc_vector_subcore>, window_params = [{transform_indices = #map}, {transform_indices = #map1}, {transform_indices = #map2}]} {
    %mul3A = arith.constant 16 : i32
    %mul3A_0 = arith.muli %arg0, %mul3A : i32
    %add3A = arith.addi %mul3A_0, %arg1 : i32
    %run_scoped3A = arith.constant 0 : i32
    "tpu.region"() ({
      %run_scoped3A_23 = tpu.sem_alloc : memref<!tpu.dma_semaphore, #tpu.memory_space<semaphore_mem>>
      %dma_start3A = arith.constant 0 : i32
      %dma_start3A_24 = arith.constant 0 : i32
      %dma_start3A_25 = tpu.memref_slice %arg3[%run_scoped3A, %add3A, %dma_start3A, %dma_start3A_24] : memref<2x32x50x100xi32, #tpu.memory_space<hbm>> -> memref<1x1x50x100xi32, #tpu.memory_space<hbm>>
      %dma_start3A_26 = tpu.memref_squeeze %dma_start3A_25 : memref<1x1x50x100xi32, #tpu.memory_space<hbm>> -> memref<50x100xi32, #tpu.memory_space<hbm>>
      %dma_start3A_27 = arith.constant 0 : i32
      %dma_start3A_28 = arith.constant 0 : i32
      %dma_start3A_29 = tpu.memref_slice %arg3[%run_scoped3A, %add3A, %dma_start3A_27, %dma_start3A_28] : memref<2x32x50x100xi32, #tpu.memory_space<hbm>> -> memref<1x1x50x100xi32, #tpu.memory_space<hbm>>
      %dma_start3A_30 = tpu.memref_squeeze %dma_start3A_29 : memref<1x1x50x100xi32, #tpu.memory_space<hbm>> -> memref<50x100xi32, #tpu.memory_space<hbm>>
      tpu.enqueue_dma source(%dma_start3A_30 : memref<50x100xi32, #tpu.memory_space<hbm>>) target(%arg7 : memref<50x100xi32, #tpu.memory_space<vmem>>) target_semaphore(%run_scoped3A_23 : memref<!tpu.dma_semaphore, #tpu.memory_space<semaphore_mem>>)
      %dma_wait3A = arith.constant 0 : i32
      %dma_wait3A_31 = arith.constant 0 : i32
      %dma_wait3A_32 = tpu.memref_slice %arg3[%run_scoped3A, %add3A, %dma_wait3A, %dma_wait3A_31] : memref<2x32x50x100xi32, #tpu.memory_space<hbm>> -> memref<1x1x50x100xi32, #tpu.memory_space<hbm>>
      %dma_wait3A_33 = tpu.memref_squeeze %dma_wait3A_32 : memref<1x1x50x100xi32, #tpu.memory_space<hbm>> -> memref<50x100xi32, #tpu.memory_space<hbm>>
      %dma_wait3A_34 = arith.constant 0 : i32
      %dma_wait3A_35 = arith.constant 0 : i32
      %dma_wait3A_36 = tpu.memref_slice %arg3[%run_scoped3A, %add3A, %dma_wait3A_34, %dma_wait3A_35] : memref<2x32x50x100xi32, #tpu.memory_space<hbm>> -> memref<1x1x50x100xi32, #tpu.memory_space<hbm>>
      %dma_wait3A_37 = tpu.memref_squeeze %dma_wait3A_36 : memref<1x1x50x100xi32, #tpu.memory_space<hbm>> -> memref<50x100xi32, #tpu.memory_space<hbm>>
      tpu.wait_dma2 semaphore(%run_scoped3A_23 : memref<!tpu.dma_semaphore, #tpu.memory_space<semaphore_mem>>) src(%dma_wait3A_37 : memref<50x100xi32, #tpu.memory_space<hbm>>) dst(%arg7 : memref<50x100xi32, #tpu.memory_space<vmem>>)
      tpu.yield
    }) : () -> ()
    %run_scoped3A_1 = arith.constant 1 : i32
    "tpu.region"() ({
      %run_scoped3A_23 = tpu.sem_alloc : memref<!tpu.dma_semaphore, #tpu.memory_space<semaphore_mem>>
      %dma_start3A = arith.constant 0 : i32
      %dma_start3A_24 = arith.constant 0 : i32
      %dma_start3A_25 = tpu.memref_slice %arg3[%run_scoped3A_1, %add3A, %dma_start3A, %dma_start3A_24] : memref<2x32x50x100xi32, #tpu.memory_space<hbm>> -> memref<1x1x50x100xi32, #tpu.memory_space<hbm>>
      %dma_start3A_26 = tpu.memref_squeeze %dma_start3A_25 : memref<1x1x50x100xi32, #tpu.memory_space<hbm>> -> memref<50x100xi32, #tpu.memory_space<hbm>>
      %dma_start3A_27 = arith.constant 0 : i32
      %dma_start3A_28 = arith.constant 0 : i32
      %dma_start3A_29 = tpu.memref_slice %arg3[%run_scoped3A_1, %add3A, %dma_start3A_27, %dma_start3A_28] : memref<2x32x50x100xi32, #tpu.memory_space<hbm>> -> memref<1x1x50x100xi32, #tpu.memory_space<hbm>>
      %dma_start3A_30 = tpu.memref_squeeze %dma_start3A_29 : memref<1x1x50x100xi32, #tpu.memory_space<hbm>> -> memref<50x100xi32, #tpu.memory_space<hbm>>
      tpu.enqueue_dma source(%dma_start3A_30 : memref<50x100xi32, #tpu.memory_space<hbm>>) target(%arg8 : memref<50x100xi32, #tpu.memory_space<vmem>>) target_semaphore(%run_scoped3A_23 : memref<!tpu.dma_semaphore, #tpu.memory_space<semaphore_mem>>)
      %dma_wait3A = arith.constant 0 : i32
      %dma_wait3A_31 = arith.constant 0 : i32
      %dma_wait3A_32 = tpu.memref_slice %arg3[%run_scoped3A_1, %add3A, %dma_wait3A, %dma_wait3A_31] : memref<2x32x50x100xi32, #tpu.memory_space<hbm>> -> memref<1x1x50x100xi32, #tpu.memory_space<hbm>>
      %dma_wait3A_33 = tpu.memref_squeeze %dma_wait3A_32 : memref<1x1x50x100xi32, #tpu.memory_space<hbm>> -> memref<50x100xi32, #tpu.memory_space<hbm>>
      %dma_wait3A_34 = arith.constant 0 : i32
      %dma_wait3A_35 = arith.constant 0 : i32
      %dma_wait3A_36 = tpu.memref_slice %arg3[%run_scoped3A_1, %add3A, %dma_wait3A_34, %dma_wait3A_35] : memref<2x32x50x100xi32, #tpu.memory_space<hbm>> -> memref<1x1x50x100xi32, #tpu.memory_space<hbm>>
      %dma_wait3A_37 = tpu.memref_squeeze %dma_wait3A_36 : memref<1x1x50x100xi32, #tpu.memory_space<hbm>> -> memref<50x100xi32, #tpu.memory_space<hbm>>
      tpu.wait_dma2 semaphore(%run_scoped3A_23 : memref<!tpu.dma_semaphore, #tpu.memory_space<semaphore_mem>>) src(%dma_wait3A_37 : memref<50x100xi32, #tpu.memory_space<hbm>>) dst(%arg8 : memref<50x100xi32, #tpu.memory_space<vmem>>)
      tpu.yield
    }) : () -> ()
    "tpu.region"() ({
      %run_scoped3A_23 = tpu.sem_alloc : memref<!tpu.dma_semaphore, #tpu.memory_space<semaphore_mem>>
      tpu.enqueue_dma source(%arg2 : memref<10240xf32, #tpu.memory_space<hbm>>) target(%arg5 : memref<10240xf32, #tpu.memory_space<vmem>>) target_semaphore(%run_scoped3A_23 : memref<!tpu.dma_semaphore, #tpu.memory_space<semaphore_mem>>)
      tpu.wait_dma2 semaphore(%run_scoped3A_23 : memref<!tpu.dma_semaphore, #tpu.memory_space<semaphore_mem>>) src(%arg2 : memref<10240xf32, #tpu.memory_space<hbm>>) dst(%arg5 : memref<10240xf32, #tpu.memory_space<vmem>>)
      tpu.yield
    }) : () -> ()
    %broadcast_in_dim3A = arith.constant 0.000000e+00 : f32
    %broadcast_in_dim3A_2 = vector.broadcast %broadcast_in_dim3A : f32 to vector<16xf32>
    %scan3A = arith.constant 0 : i32
    %scan3A_3 = arith.constant 640 : i32
    %scan3A_4 = arith.addi %scan3A, %scan3A_3 : i32
    %scan3A_5 = arith.constant 1 : i32
    scf.for %scan3A_23 = %scan3A to %scan3A_4 step %scan3A_5  : i32 {
      %mul3A_24 = arith.constant 16 : i32
      %mul3A_25 = arith.muli %scan3A_23, %mul3A_24 : i32
      %swap3A = arith.index_cast %mul3A_25 : i32 to index
      %swap3A_26 = tpu.vector_load %arg6[%swap3A] {strides = array<i32>} : memref<10240xf32, #tpu.memory_space<vmem>>, vector<16xf32>,
      tpu.vector_store %arg6[%swap3A], %broadcast_in_dim3A_2 {strides = array<i32>} : memref<10240xf32, #tpu.memory_space<vmem>>, vector<16xf32>,
    }
    %scan3A_6 = arith.constant 640 : i32
    %iota3A = tpu.iota {dimensions = array<i32: 0>} : vector<16xi32>
    %ge3A = arith.constant 12 : i32
    %ge3A_7 = vector.broadcast %ge3A : i32 to vector<16xi32>
    %ge3A_8 = arith.cmpi sge, %iota3A, %ge3A_7 : vector<16xi32>
    %scan3A_9 = arith.constant 0 : i32
    %scan3A_10 = arith.constant 50 : i32
    %scan3A_11 = arith.addi %scan3A_9, %scan3A_10 : i32
    %scan3A_12 = arith.constant 1 : i32
    scf.for %scan3A_23 = %scan3A_9 to %scan3A_11 step %scan3A_12  : i32 {
      %get3A = arith.index_cast %scan3A_23 : i32 to index
      %get3A_24 = arith.constant 0 : index
      %get3A_25 = tpu.vector_load %arg8[%get3A, %get3A_24] {strides = array<i32>} : memref<50x100xi32, #tpu.memory_space<vmem>>, vector<16xi32>,
      %gather3A = tpu.vector_load_idx %arg5[%get3A_25] : memref<10240xf32, #tpu.memory_space<vmem>>[vector<16xi32>], vector<16xf32>,
      %get3A_26 = arith.index_cast %scan3A_23 : i32 to index
      %get3A_27 = arith.constant 0 : index
      %get3A_28 = tpu.vector_load %arg7[%get3A_26, %get3A_27] {strides = array<i32>} : memref<50x100xi32, #tpu.memory_space<vmem>>, vector<16xi32>,
      tpu.vector_store_idx %arg6[%get3A_28], %gather3A {add = true} : memref<10240xf32, #tpu.memory_space<vmem>>[vector<16xi32>], vector<16xf32>,
      %get3A_29 = arith.index_cast %scan3A_23 : i32 to index
      %get3A_30 = arith.constant 16 : index
      %get3A_31 = tpu.vector_load %arg8[%get3A_29, %get3A_30] {strides = array<i32>} : memref<50x100xi32, #tpu.memory_space<vmem>>, vector<16xi32>,
      %gather3A_32 = tpu.vector_load_idx %arg5[%get3A_31] : memref<10240xf32, #tpu.memory_space<vmem>>[vector<16xi32>], vector<16xf32>,
      %get3A_33 = arith.index_cast %scan3A_23 : i32 to index
      %get3A_34 = arith.constant 16 : index
      %get3A_35 = tpu.vector_load %arg7[%get3A_33, %get3A_34] {strides = array<i32>} : memref<50x100xi32, #tpu.memory_space<vmem>>, vector<16xi32>,
      tpu.vector_store_idx %arg6[%get3A_35], %gather3A_32 {add = true} : memref<10240xf32, #tpu.memory_space<vmem>>[vector<16xi32>], vector<16xf32>,
      %get3A_36 = arith.index_cast %scan3A_23 : i32 to index
      %get3A_37 = arith.constant 32 : index
      %get3A_38 = tpu.vector_load %arg8[%get3A_36, %get3A_37] {strides = array<i32>} : memref<50x100xi32, #tpu.memory_space<vmem>>, vector<16xi32>,
      %gather3A_39 = tpu.vector_load_idx %arg5[%get3A_38] : memref<10240xf32, #tpu.memory_space<vmem>>[vector<16xi32>], vector<16xf32>,
      %get3A_40 = arith.index_cast %scan3A_23 : i32 to index
      %get3A_41 = arith.constant 32 : index
      %get3A_42 = tpu.vector_load %arg7[%get3A_40, %get3A_41] {strides = array<i32>} : memref<50x100xi32, #tpu.memory_space<vmem>>, vector<16xi32>,
      tpu.vector_store_idx %arg6[%get3A_42], %gather3A_39 {add = true} : memref<10240xf32, #tpu.memory_space<vmem>>[vector<16xi32>], vector<16xf32>,
      %get3A_43 = arith.index_cast %scan3A_23 : i32 to index
      %get3A_44 = arith.constant 48 : index
      %get3A_45 = tpu.vector_load %arg8[%get3A_43, %get3A_44] {strides = array<i32>} : memref<50x100xi32, #tpu.memory_space<vmem>>, vector<16xi32>,
      %gather3A_46 = tpu.vector_load_idx %arg5[%get3A_45] : memref<10240xf32, #tpu.memory_space<vmem>>[vector<16xi32>], vector<16xf32>,
      %get3A_47 = arith.index_cast %scan3A_23 : i32 to index
      %get3A_48 = arith.constant 48 : index
      %get3A_49 = tpu.vector_load %arg7[%get3A_47, %get3A_48] {strides = array<i32>} : memref<50x100xi32, #tpu.memory_space<vmem>>, vector<16xi32>,
      tpu.vector_store_idx %arg6[%get3A_49], %gather3A_46 {add = true} : memref<10240xf32, #tpu.memory_space<vmem>>[vector<16xi32>], vector<16xf32>,
      %get3A_50 = arith.index_cast %scan3A_23 : i32 to index
      %get3A_51 = arith.constant 64 : index
      %get3A_52 = tpu.vector_load %arg8[%get3A_50, %get3A_51] {strides = array<i32>} : memref<50x100xi32, #tpu.memory_space<vmem>>, vector<16xi32>,
      %gather3A_53 = tpu.vector_load_idx %arg5[%get3A_52] : memref<10240xf32, #tpu.memory_space<vmem>>[vector<16xi32>], vector<16xf32>,
      %get3A_54 = arith.index_cast %scan3A_23 : i32 to index
      %get3A_55 = arith.constant 64 : index
      %get3A_56 = tpu.vector_load %arg7[%get3A_54, %get3A_55] {strides = array<i32>} : memref<50x100xi32, #tpu.memory_space<vmem>>, vector<16xi32>,
      tpu.vector_store_idx %arg6[%get3A_56], %gather3A_53 {add = true} : memref<10240xf32, #tpu.memory_space<vmem>>[vector<16xi32>], vector<16xf32>,
      %get3A_57 = arith.index_cast %scan3A_23 : i32 to index
      %get3A_58 = arith.constant 80 : index
      %get3A_59 = tpu.vector_load %arg8[%get3A_57, %get3A_58] {strides = array<i32>} : memref<50x100xi32, #tpu.memory_space<vmem>>, vector<16xi32>,
      %gather3A_60 = tpu.vector_load_idx %arg5[%get3A_59] : memref<10240xf32, #tpu.memory_space<vmem>>[vector<16xi32>], vector<16xf32>,
      %get3A_61 = arith.index_cast %scan3A_23 : i32 to index
      %get3A_62 = arith.constant 80 : index
      %get3A_63 = tpu.vector_load %arg7[%get3A_61, %get3A_62] {strides = array<i32>} : memref<50x100xi32, #tpu.memory_space<vmem>>, vector<16xi32>,
      tpu.vector_store_idx %arg6[%get3A_63], %gather3A_60 {add = true} : memref<10240xf32, #tpu.memory_space<vmem>>[vector<16xi32>], vector<16xf32>,
      %get3A_64 = arith.index_cast %scan3A_23 : i32 to index
      %get3A_65 = arith.constant 84 : index
      %get3A_66 = tpu.vector_load %arg8[%get3A_64, %get3A_65] {strides = array<i32>} : memref<50x100xi32, #tpu.memory_space<vmem>>, vector<16xi32>,
      %gather3A_67 = tpu.vector_load_idx %arg5[%get3A_66] masked %ge3A_8 : memref<10240xf32, #tpu.memory_space<vmem>>[vector<16xi32>], vector<16xf32>, vector<16xi1>
      %get3A_68 = arith.index_cast %scan3A_23 : i32 to index
      %get3A_69 = arith.constant 84 : index
      %get3A_70 = tpu.vector_load %arg7[%get3A_68, %get3A_69] {strides = array<i32>} : memref<50x100xi32, #tpu.memory_space<vmem>>, vector<16xi32>,
      tpu.vector_store_idx %arg6[%get3A_70], %gather3A_67 masked %ge3A_8 {add = true} : memref<10240xf32, #tpu.memory_space<vmem>>[vector<16xi32>], vector<16xf32>, vector<16xi1>
    }
    %scan3A_13 = arith.constant 50 : i32
    "tpu.region"() ({
      %run_scoped3A_23 = tpu.sem_alloc : memref<!tpu.dma_semaphore, #tpu.memory_space<semaphore_mem>>
      %dma_start3A = arith.constant 0 : i32
      %dma_start3A_24 = tpu.memref_slice %arg9[%arg1, %dma_start3A] : memref<16x10240xf32, #tpu.memory_space<vmem_shared>> -> memref<1x10240xf32, #tpu.memory_space<vmem_shared>>
      %dma_start3A_25 = tpu.memref_squeeze %dma_start3A_24 : memref<1x10240xf32, #tpu.memory_space<vmem_shared>> -> memref<10240xf32, #tpu.memory_space<vmem_shared>>
      %dma_start3A_26 = arith.constant 0 : i32
      %dma_start3A_27 = tpu.memref_slice %arg9[%arg1, %dma_start3A_26] : memref<16x10240xf32, #tpu.memory_space<vmem_shared>> -> memref<1x10240xf32, #tpu.memory_space<vmem_shared>>
      %dma_start3A_28 = tpu.memref_squeeze %dma_start3A_27 : memref<1x10240xf32, #tpu.memory_space<vmem_shared>> -> memref<10240xf32, #tpu.memory_space<vmem_shared>>
      tpu.enqueue_dma source(%arg6 : memref<10240xf32, #tpu.memory_space<vmem>>) target(%dma_start3A_28 : memref<10240xf32, #tpu.memory_space<vmem_shared>>) target_semaphore(%run_scoped3A_23 : memref<!tpu.dma_semaphore, #tpu.memory_space<semaphore_mem>>)
      %dma_wait3A = arith.constant 0 : i32
      %dma_wait3A_29 = tpu.memref_slice %arg9[%arg1, %dma_wait3A] : memref<16x10240xf32, #tpu.memory_space<vmem_shared>> -> memref<1x10240xf32, #tpu.memory_space<vmem_shared>>
      %dma_wait3A_30 = tpu.memref_squeeze %dma_wait3A_29 : memref<1x10240xf32, #tpu.memory_space<vmem_shared>> -> memref<10240xf32, #tpu.memory_space<vmem_shared>>
      %dma_wait3A_31 = arith.constant 0 : i32
      %dma_wait3A_32 = tpu.memref_slice %arg9[%arg1, %dma_wait3A_31] : memref<16x10240xf32, #tpu.memory_space<vmem_shared>> -> memref<1x10240xf32, #tpu.memory_space<vmem_shared>>
      %dma_wait3A_33 = tpu.memref_squeeze %dma_wait3A_32 : memref<1x10240xf32, #tpu.memory_space<vmem_shared>> -> memref<10240xf32, #tpu.memory_space<vmem_shared>>
      tpu.wait_dma2 semaphore(%run_scoped3A_23 : memref<!tpu.dma_semaphore, #tpu.memory_space<semaphore_mem>>) src(%arg6 : memref<10240xf32, #tpu.memory_space<vmem>>) dst(%dma_wait3A_33 : memref<10240xf32, #tpu.memory_space<vmem_shared>>)
      tpu.yield
    }) : () -> ()
    %barrier3A = arith.constant 0 : index
    tpu.barrier barrier_id(%barrier3A)
    %mul3A_14 = arith.constant 640 : i32
    %mul3A_15 = arith.muli %arg1, %mul3A_14 : i32
    "tpu.region"() ({
      %run_scoped3A_23 = tpu.sem_alloc : memref<!tpu.dma_semaphore, #tpu.memory_space<semaphore_mem>>
      %dma_start3A = arith.constant 0 : i32
      %dma_start3A_24 = tpu.memref_slice %arg9[%dma_start3A, %mul3A_15] : memref<16x10240xf32, #tpu.memory_space<vmem_shared>> -> memref<16x640xf32, #tpu.memory_space<vmem_shared>>
      %dma_start3A_25 = arith.constant 0 : i32
      %dma_start3A_26 = tpu.memref_slice %arg9[%dma_start3A_25, %mul3A_15] : memref<16x10240xf32, #tpu.memory_space<vmem_shared>> -> memref<16x640xf32, #tpu.memory_space<vmem_shared>>
      tpu.enqueue_dma source(%dma_start3A_26 : memref<16x640xf32, #tpu.memory_space<vmem_shared>>) target(%arg10 : memref<16x640xf32, #tpu.memory_space<vmem>>) target_semaphore(%run_scoped3A_23 : memref<!tpu.dma_semaphore, #tpu.memory_space<semaphore_mem>>)
      %dma_wait3A = arith.constant 0 : i32
      %dma_wait3A_27 = tpu.memref_slice %arg9[%dma_wait3A, %mul3A_15] : memref<16x10240xf32, #tpu.memory_space<vmem_shared>> -> memref<16x640xf32, #tpu.memory_space<vmem_shared>>
      %dma_wait3A_28 = arith.constant 0 : i32
      %dma_wait3A_29 = tpu.memref_slice %arg9[%dma_wait3A_28, %mul3A_15] : memref<16x10240xf32, #tpu.memory_space<vmem_shared>> -> memref<16x640xf32, #tpu.memory_space<vmem_shared>>
      tpu.wait_dma2 semaphore(%run_scoped3A_23 : memref<!tpu.dma_semaphore, #tpu.memory_space<semaphore_mem>>) src(%dma_wait3A_29 : memref<16x640xf32, #tpu.memory_space<vmem_shared>>) dst(%arg10 : memref<16x640xf32, #tpu.memory_space<vmem>>)
      tpu.yield
    }) : () -> ()
    %scan3A_16 = arith.constant 0 : i32
    %scan3A_17 = arith.constant 40 : i32
    %scan3A_18 = arith.addi %scan3A_16, %scan3A_17 : i32
    %scan3A_19 = arith.constant 1 : i32
    scf.for %scan3A_23 = %scan3A_16 to %scan3A_18 step %scan3A_19  : i32 {
      %mul3A_24 = arith.constant 16 : i32
      %mul3A_25 = arith.muli %scan3A_23, %mul3A_24 : i32
      %get3A = arith.constant 0 : i32
      %get3A_26 = arith.index_cast %get3A : i32 to index
      %get3A_27 = arith.index_cast %mul3A_25 : i32 to index
      %get3A_28 = tpu.vector_load %arg10[%get3A_26, %get3A_27] {strides = array<i32>} : memref<16x640xf32, #tpu.memory_space<vmem>>, vector<16xf32>,
      %get3A_29 = arith.constant 1 : i32
      %get3A_30 = arith.index_cast %get3A_29 : i32 to index
      %get3A_31 = arith.index_cast %mul3A_25 : i32 to index
      %get3A_32 = tpu.vector_load %arg10[%get3A_30, %get3A_31] {strides = array<i32>} : memref<16x640xf32, #tpu.memory_space<vmem>>, vector<16xf32>,
      %add3A_33 = arith.addf %get3A_28, %get3A_32 : vector<16xf32>
      %get3A_34 = arith.constant 2 : i32
      %get3A_35 = arith.index_cast %get3A_34 : i32 to index
      %get3A_36 = arith.index_cast %mul3A_25 : i32 to index
      %get3A_37 = tpu.vector_load %arg10[%get3A_35, %get3A_36] {strides = array<i32>} : memref<16x640xf32, #tpu.memory_space<vmem>>, vector<16xf32>,
      %add3A_38 = arith.addf %add3A_33, %get3A_37 : vector<16xf32>
      %get3A_39 = arith.constant 3 : i32
      %get3A_40 = arith.index_cast %get3A_39 : i32 to index
      %get3A_41 = arith.index_cast %mul3A_25 : i32 to index
      %get3A_42 = tpu.vector_load %arg10[%get3A_40, %get3A_41] {strides = array<i32>} : memref<16x640xf32, #tpu.memory_space<vmem>>, vector<16xf32>,
      %add3A_43 = arith.addf %add3A_38, %get3A_42 : vector<16xf32>
      %get3A_44 = arith.constant 4 : i32
      %get3A_45 = arith.index_cast %get3A_44 : i32 to index
      %get3A_46 = arith.index_cast %mul3A_25 : i32 to index
      %get3A_47 = tpu.vector_load %arg10[%get3A_45, %get3A_46] {strides = array<i32>} : memref<16x640xf32, #tpu.memory_space<vmem>>, vector<16xf32>,
      %add3A_48 = arith.addf %add3A_43, %get3A_47 : vector<16xf32>
      %get3A_49 = arith.constant 5 : i32
      %get3A_50 = arith.index_cast %get3A_49 : i32 to index
      %get3A_51 = arith.index_cast %mul3A_25 : i32 to index
      %get3A_52 = tpu.vector_load %arg10[%get3A_50, %get3A_51] {strides = array<i32>} : memref<16x640xf32, #tpu.memory_space<vmem>>, vector<16xf32>,
      %add3A_53 = arith.addf %add3A_48, %get3A_52 : vector<16xf32>
      %get3A_54 = arith.constant 6 : i32
      %get3A_55 = arith.index_cast %get3A_54 : i32 to index
      %get3A_56 = arith.index_cast %mul3A_25 : i32 to index
      %get3A_57 = tpu.vector_load %arg10[%get3A_55, %get3A_56] {strides = array<i32>} : memref<16x640xf32, #tpu.memory_space<vmem>>, vector<16xf32>,
      %add3A_58 = arith.addf %add3A_53, %get3A_57 : vector<16xf32>
      %get3A_59 = arith.constant 7 : i32
      %get3A_60 = arith.index_cast %get3A_59 : i32 to index
      %get3A_61 = arith.index_cast %mul3A_25 : i32 to index
      %get3A_62 = tpu.vector_load %arg10[%get3A_60, %get3A_61] {strides = array<i32>} : memref<16x640xf32, #tpu.memory_space<vmem>>, vector<16xf32>,
      %add3A_63 = arith.addf %add3A_58, %get3A_62 : vector<16xf32>
      %get3A_64 = arith.constant 8 : i32
      %get3A_65 = arith.index_cast %get3A_64 : i32 to index
      %get3A_66 = arith.index_cast %mul3A_25 : i32 to index
      %get3A_67 = tpu.vector_load %arg10[%get3A_65, %get3A_66] {strides = array<i32>} : memref<16x640xf32, #tpu.memory_space<vmem>>, vector<16xf32>,
      %add3A_68 = arith.addf %add3A_63, %get3A_67 : vector<16xf32>
      %get3A_69 = arith.constant 9 : i32
      %get3A_70 = arith.index_cast %get3A_69 : i32 to index
      %get3A_71 = arith.index_cast %mul3A_25 : i32 to index
      %get3A_72 = tpu.vector_load %arg10[%get3A_70, %get3A_71] {strides = array<i32>} : memref<16x640xf32, #tpu.memory_space<vmem>>, vector<16xf32>,
      %add3A_73 = arith.addf %add3A_68, %get3A_72 : vector<16xf32>
      %get3A_74 = arith.constant 10 : i32
      %get3A_75 = arith.index_cast %get3A_74 : i32 to index
      %get3A_76 = arith.index_cast %mul3A_25 : i32 to index
      %get3A_77 = tpu.vector_load %arg10[%get3A_75, %get3A_76] {strides = array<i32>} : memref<16x640xf32, #tpu.memory_space<vmem>>, vector<16xf32>,
      %add3A_78 = arith.addf %add3A_73, %get3A_77 : vector<16xf32>
      %get3A_79 = arith.constant 11 : i32
      %get3A_80 = arith.index_cast %get3A_79 : i32 to index
      %get3A_81 = arith.index_cast %mul3A_25 : i32 to index
      %get3A_82 = tpu.vector_load %arg10[%get3A_80, %get3A_81] {strides = array<i32>} : memref<16x640xf32, #tpu.memory_space<vmem>>, vector<16xf32>,
      %add3A_83 = arith.addf %add3A_78, %get3A_82 : vector<16xf32>
      %get3A_84 = arith.constant 12 : i32
      %get3A_85 = arith.index_cast %get3A_84 : i32 to index
      %get3A_86 = arith.index_cast %mul3A_25 : i32 to index
      %get3A_87 = tpu.vector_load %arg10[%get3A_85, %get3A_86] {strides = array<i32>} : memref<16x640xf32, #tpu.memory_space<vmem>>, vector<16xf32>,
      %add3A_88 = arith.addf %add3A_83, %get3A_87 : vector<16xf32>
      %get3A_89 = arith.constant 13 : i32
      %get3A_90 = arith.index_cast %get3A_89 : i32 to index
      %get3A_91 = arith.index_cast %mul3A_25 : i32 to index
      %get3A_92 = tpu.vector_load %arg10[%get3A_90, %get3A_91] {strides = array<i32>} : memref<16x640xf32, #tpu.memory_space<vmem>>, vector<16xf32>,
      %add3A_93 = arith.addf %add3A_88, %get3A_92 : vector<16xf32>
      %get3A_94 = arith.constant 14 : i32
      %get3A_95 = arith.index_cast %get3A_94 : i32 to index
      %get3A_96 = arith.index_cast %mul3A_25 : i32 to index
      %get3A_97 = tpu.vector_load %arg10[%get3A_95, %get3A_96] {strides = array<i32>} : memref<16x640xf32, #tpu.memory_space<vmem>>, vector<16xf32>,
      %add3A_98 = arith.addf %add3A_93, %get3A_97 : vector<16xf32>
      %get3A_99 = arith.constant 15 : i32
      %get3A_100 = arith.index_cast %get3A_99 : i32 to index
      %get3A_101 = arith.index_cast %mul3A_25 : i32 to index
      %get3A_102 = tpu.vector_load %arg10[%get3A_100, %get3A_101] {strides = array<i32>} : memref<16x640xf32, #tpu.memory_space<vmem>>, vector<16xf32>,
      %add3A_103 = arith.addf %add3A_98, %get3A_102 : vector<16xf32>
      %swap3A = arith.index_cast %mul3A_25 : i32 to index
      %swap3A_104 = tpu.vector_load %arg11[%swap3A] {strides = array<i32>} : memref<640xf32, #tpu.memory_space<vmem>>, vector<16xf32>,
      tpu.vector_store %arg11[%swap3A], %add3A_103 {strides = array<i32>} : memref<640xf32, #tpu.memory_space<vmem>>, vector<16xf32>,
    }
    %scan3A_20 = arith.constant 40 : i32
    %mul3A_21 = arith.constant 640 : i32
    %mul3A_22 = arith.muli %arg1, %mul3A_21 : i32
    "tpu.region"() ({
      %run_scoped3A_23 = tpu.sem_alloc : memref<!tpu.dma_semaphore, #tpu.memory_space<semaphore_mem>>
      %dma_start3A = tpu.memref_slice %arg4[%arg0, %mul3A_22] : memref<2x10240xf32, #tpu.memory_space<hbm>> -> memref<1x640xf32, #tpu.memory_space<hbm>>
      %dma_start3A_24 = tpu.memref_squeeze %dma_start3A : memref<1x640xf32, #tpu.memory_space<hbm>> -> memref<640xf32, #tpu.memory_space<hbm>>
      %dma_start3A_25 = tpu.memref_slice %arg4[%arg0, %mul3A_22] : memref<2x10240xf32, #tpu.memory_space<hbm>> -> memref<1x640xf32, #tpu.memory_space<hbm>>
      %dma_start3A_26 = tpu.memref_squeeze %dma_start3A_25 : memref<1x640xf32, #tpu.memory_space<hbm>> -> memref<640xf32, #tpu.memory_space<hbm>>
      tpu.enqueue_dma source(%arg11 : memref<640xf32, #tpu.memory_space<vmem>>) target(%dma_start3A_26 : memref<640xf32, #tpu.memory_space<hbm>>) target_semaphore(%run_scoped3A_23 : memref<!tpu.dma_semaphore, #tpu.memory_space<semaphore_mem>>)
      %dma_wait3A = tpu.memref_slice %arg4[%arg0, %mul3A_22] : memref<2x10240xf32, #tpu.memory_space<hbm>> -> memref<1x640xf32, #tpu.memory_space<hbm>>
      %dma_wait3A_27 = tpu.memref_squeeze %dma_wait3A : memref<1x640xf32, #tpu.memory_space<hbm>> -> memref<640xf32, #tpu.memory_space<hbm>>
      %dma_wait3A_28 = tpu.memref_slice %arg4[%arg0, %mul3A_22] : memref<2x10240xf32, #tpu.memory_space<hbm>> -> memref<1x640xf32, #tpu.memory_space<hbm>>
      %dma_wait3A_29 = tpu.memref_squeeze %dma_wait3A_28 : memref<1x640xf32, #tpu.memory_space<hbm>> -> memref<640xf32, #tpu.memory_space<hbm>>
      tpu.wait_dma2 semaphore(%run_scoped3A_23 : memref<!tpu.dma_semaphore, #tpu.memory_space<semaphore_mem>>) src(%arg11 : memref<640xf32, #tpu.memory_space<vmem>>) dst(%dma_wait3A_29 : memref<640xf32, #tpu.memory_space<hbm>>)
      tpu.yield
    }) : () -> ()
    return
  }
}

#map = affine_map<(d0, d1) -> (0, 0)>
#map1 = affine_map<(d0, d1) -> (0, 0, 0, 0)>
#map2 = affine_map<(d0, d1) -> (0, 0, 0)>
module attributes {stable_mosaic.version = 14 : i64} {
  func.func @agg(%arg0: i32, %arg1: i32, %arg2: memref<10240x64xf32, #tpu.memory_space<hbm>>, %arg3: memref<2x32x50x100xi32, #tpu.memory_space<hbm>>, %arg4: memref<2x10240x64xf32, #tpu.memory_space<hbm>>, %arg5: memref<50x100xi32, #tpu.memory_space<vmem>>, %arg6: memref<50x100xi32, #tpu.memory_space<vmem>>, %arg7: memref<100x64xf32, #tpu.memory_space<vmem>>, %arg8: memref<100x64xf32, #tpu.memory_space<vmem>>, %arg9: memref<!tpu.dma_semaphore, #tpu.memory_space<semaphore_mem>>, %arg10: memref<!tpu.dma_semaphore, #tpu.memory_space<semaphore_mem>>, %arg11: memref<10240x64xf32, #tpu.memory_space<vmem_shared>>) attributes {dimension_semantics = [#tpu.dimension_semantics<core_parallel>, #tpu.dimension_semantics<subcore_parallel>], iteration_bounds = array<i64: 2, 16>, scalar_prefetch = 0 : i64, scratch_operands = 7 : i64, tpu.core_type = #tpu.core_type<sc_vector_subcore>, window_params = [{transform_indices = #map}, {transform_indices = #map1}, {transform_indices = #map2}]} {
    %mul3A = arith.constant 16 : i32
    %mul3A_0 = arith.muli %arg0, %mul3A : i32
    %add3A = arith.addi %mul3A_0, %arg1 : i32
    %run_scoped3A = arith.constant 0 : i32
    "tpu.region"() ({
      %run_scoped3A_55 = tpu.sem_alloc : memref<!tpu.dma_semaphore, #tpu.memory_space<semaphore_mem>>
      %dma_start3A_56 = arith.constant 0 : i32
      %dma_start3A_57 = arith.constant 0 : i32
      %dma_start3A_58 = tpu.memref_slice %arg3[%run_scoped3A, %add3A, %dma_start3A_56, %dma_start3A_57] : memref<2x32x50x100xi32, #tpu.memory_space<hbm>> -> memref<1x1x50x100xi32, #tpu.memory_space<hbm>>
      %dma_start3A_59 = tpu.memref_squeeze %dma_start3A_58 : memref<1x1x50x100xi32, #tpu.memory_space<hbm>> -> memref<50x100xi32, #tpu.memory_space<hbm>>
      %dma_start3A_60 = arith.constant 0 : i32
      %dma_start3A_61 = arith.constant 0 : i32
      %dma_start3A_62 = tpu.memref_slice %arg3[%run_scoped3A, %add3A, %dma_start3A_60, %dma_start3A_61] : memref<2x32x50x100xi32, #tpu.memory_space<hbm>> -> memref<1x1x50x100xi32, #tpu.memory_space<hbm>>
      %dma_start3A_63 = tpu.memref_squeeze %dma_start3A_62 : memref<1x1x50x100xi32, #tpu.memory_space<hbm>> -> memref<50x100xi32, #tpu.memory_space<hbm>>
      tpu.enqueue_dma source(%dma_start3A_63 : memref<50x100xi32, #tpu.memory_space<hbm>>) target(%arg5 : memref<50x100xi32, #tpu.memory_space<vmem>>) target_semaphore(%run_scoped3A_55 : memref<!tpu.dma_semaphore, #tpu.memory_space<semaphore_mem>>)
      %dma_wait3A = arith.constant 0 : i32
      %dma_wait3A_64 = arith.constant 0 : i32
      %dma_wait3A_65 = tpu.memref_slice %arg3[%run_scoped3A, %add3A, %dma_wait3A, %dma_wait3A_64] : memref<2x32x50x100xi32, #tpu.memory_space<hbm>> -> memref<1x1x50x100xi32, #tpu.memory_space<hbm>>
      %dma_wait3A_66 = tpu.memref_squeeze %dma_wait3A_65 : memref<1x1x50x100xi32, #tpu.memory_space<hbm>> -> memref<50x100xi32, #tpu.memory_space<hbm>>
      %dma_wait3A_67 = arith.constant 0 : i32
      %dma_wait3A_68 = arith.constant 0 : i32
      %dma_wait3A_69 = tpu.memref_slice %arg3[%run_scoped3A, %add3A, %dma_wait3A_67, %dma_wait3A_68] : memref<2x32x50x100xi32, #tpu.memory_space<hbm>> -> memref<1x1x50x100xi32, #tpu.memory_space<hbm>>
      %dma_wait3A_70 = tpu.memref_squeeze %dma_wait3A_69 : memref<1x1x50x100xi32, #tpu.memory_space<hbm>> -> memref<50x100xi32, #tpu.memory_space<hbm>>
      tpu.wait_dma2 semaphore(%run_scoped3A_55 : memref<!tpu.dma_semaphore, #tpu.memory_space<semaphore_mem>>) src(%dma_wait3A_70 : memref<50x100xi32, #tpu.memory_space<hbm>>) dst(%arg5 : memref<50x100xi32, #tpu.memory_space<vmem>>)
      tpu.yield
    }) : () -> ()
    %run_scoped3A_1 = arith.constant 1 : i32
    "tpu.region"() ({
      %run_scoped3A_55 = tpu.sem_alloc : memref<!tpu.dma_semaphore, #tpu.memory_space<semaphore_mem>>
      %dma_start3A_56 = arith.constant 0 : i32
      %dma_start3A_57 = arith.constant 0 : i32
      %dma_start3A_58 = tpu.memref_slice %arg3[%run_scoped3A_1, %add3A, %dma_start3A_56, %dma_start3A_57] : memref<2x32x50x100xi32, #tpu.memory_space<hbm>> -> memref<1x1x50x100xi32, #tpu.memory_space<hbm>>
      %dma_start3A_59 = tpu.memref_squeeze %dma_start3A_58 : memref<1x1x50x100xi32, #tpu.memory_space<hbm>> -> memref<50x100xi32, #tpu.memory_space<hbm>>
      %dma_start3A_60 = arith.constant 0 : i32
      %dma_start3A_61 = arith.constant 0 : i32
      %dma_start3A_62 = tpu.memref_slice %arg3[%run_scoped3A_1, %add3A, %dma_start3A_60, %dma_start3A_61] : memref<2x32x50x100xi32, #tpu.memory_space<hbm>> -> memref<1x1x50x100xi32, #tpu.memory_space<hbm>>
      %dma_start3A_63 = tpu.memref_squeeze %dma_start3A_62 : memref<1x1x50x100xi32, #tpu.memory_space<hbm>> -> memref<50x100xi32, #tpu.memory_space<hbm>>
      tpu.enqueue_dma source(%dma_start3A_63 : memref<50x100xi32, #tpu.memory_space<hbm>>) target(%arg6 : memref<50x100xi32, #tpu.memory_space<vmem>>) target_semaphore(%run_scoped3A_55 : memref<!tpu.dma_semaphore, #tpu.memory_space<semaphore_mem>>)
      %dma_wait3A = arith.constant 0 : i32
      %dma_wait3A_64 = arith.constant 0 : i32
      %dma_wait3A_65 = tpu.memref_slice %arg3[%run_scoped3A_1, %add3A, %dma_wait3A, %dma_wait3A_64] : memref<2x32x50x100xi32, #tpu.memory_space<hbm>> -> memref<1x1x50x100xi32, #tpu.memory_space<hbm>>
      %dma_wait3A_66 = tpu.memref_squeeze %dma_wait3A_65 : memref<1x1x50x100xi32, #tpu.memory_space<hbm>> -> memref<50x100xi32, #tpu.memory_space<hbm>>
      %dma_wait3A_67 = arith.constant 0 : i32
      %dma_wait3A_68 = arith.constant 0 : i32
      %dma_wait3A_69 = tpu.memref_slice %arg3[%run_scoped3A_1, %add3A, %dma_wait3A_67, %dma_wait3A_68] : memref<2x32x50x100xi32, #tpu.memory_space<hbm>> -> memref<1x1x50x100xi32, #tpu.memory_space<hbm>>
      %dma_wait3A_70 = tpu.memref_squeeze %dma_wait3A_69 : memref<1x1x50x100xi32, #tpu.memory_space<hbm>> -> memref<50x100xi32, #tpu.memory_space<hbm>>
      tpu.wait_dma2 semaphore(%run_scoped3A_55 : memref<!tpu.dma_semaphore, #tpu.memory_space<semaphore_mem>>) src(%dma_wait3A_70 : memref<50x100xi32, #tpu.memory_space<hbm>>) dst(%arg6 : memref<50x100xi32, #tpu.memory_space<vmem>>)
      tpu.yield
    }) : () -> ()
    %broadcast_in_dim3A = arith.constant 0.000000e+00 : f32
    %broadcast_in_dim3A_2 = vector.broadcast %broadcast_in_dim3A : f32 to vector<16xf32>
    %scan3A = arith.constant 0 : i32
    %scan3A_3 = arith.constant 80 : i32
    %scan3A_4 = arith.addi %scan3A, %scan3A_3 : i32
    %scan3A_5 = arith.constant 1 : i32
    scf.for %scan3A_55 = %scan3A to %scan3A_4 step %scan3A_5  : i32 {
      %swap3A = arith.index_cast %scan3A_55 : i32 to index
      %swap3A_56 = arith.constant 0 : index
      %swap3A_57 = tpu.vector_load %arg7[%swap3A, %swap3A_56] {strides = array<i32>} : memref<100x64xf32, #tpu.memory_space<vmem>>, vector<16xf32>,
      tpu.vector_store %arg7[%swap3A, %swap3A_56], %broadcast_in_dim3A_2 {strides = array<i32>} : memref<100x64xf32, #tpu.memory_space<vmem>>, vector<16xf32>,
      %swap3A_58 = arith.index_cast %scan3A_55 : i32 to index
      %swap3A_59 = arith.constant 16 : index
      %swap3A_60 = tpu.vector_load %arg7[%swap3A_58, %swap3A_59] {strides = array<i32>} : memref<100x64xf32, #tpu.memory_space<vmem>>, vector<16xf32>,
      tpu.vector_store %arg7[%swap3A_58, %swap3A_59], %broadcast_in_dim3A_2 {strides = array<i32>} : memref<100x64xf32, #tpu.memory_space<vmem>>, vector<16xf32>,
      %swap3A_61 = arith.index_cast %scan3A_55 : i32 to index
      %swap3A_62 = arith.constant 32 : index
      %swap3A_63 = tpu.vector_load %arg7[%swap3A_61, %swap3A_62] {strides = array<i32>} : memref<100x64xf32, #tpu.memory_space<vmem>>, vector<16xf32>,
      tpu.vector_store %arg7[%swap3A_61, %swap3A_62], %broadcast_in_dim3A_2 {strides = array<i32>} : memref<100x64xf32, #tpu.memory_space<vmem>>, vector<16xf32>,
      %swap3A_64 = arith.index_cast %scan3A_55 : i32 to index
      %swap3A_65 = arith.constant 48 : index
      %swap3A_66 = tpu.vector_load %arg7[%swap3A_64, %swap3A_65] {strides = array<i32>} : memref<100x64xf32, #tpu.memory_space<vmem>>, vector<16xf32>,
      tpu.vector_store %arg7[%swap3A_64, %swap3A_65], %broadcast_in_dim3A_2 {strides = array<i32>} : memref<100x64xf32, #tpu.memory_space<vmem>>, vector<16xf32>,
    }
    %scan3A_6 = arith.constant 80 : i32
    %mul3A_7 = arith.constant 640 : i32
    %mul3A_8 = arith.muli %arg1, %mul3A_7 : i32
    %add3A_9 = arith.constant 0 : i32
    %add3A_10 = arith.addi %mul3A_8, %add3A_9 : i32
    "tpu.region"() ({
      %run_scoped3A_55 = tpu.sem_alloc : memref<!tpu.dma_semaphore, #tpu.memory_space<semaphore_mem>>
      %dma_start3A_56 = arith.constant 0 : i32
      %dma_start3A_57 = arith.constant 0 : i32
      %dma_start3A_58 = tpu.memref_slice %arg7[%dma_start3A_56, %dma_start3A_57] : memref<100x64xf32, #tpu.memory_space<vmem>> -> memref<80x64xf32, #tpu.memory_space<vmem>>
      %dma_start3A_59 = arith.constant 0 : i32
      %dma_start3A_60 = tpu.memref_slice %arg11[%add3A_10, %dma_start3A_59] : memref<10240x64xf32, #tpu.memory_space<vmem_shared>> -> memref<80x64xf32, #tpu.memory_space<vmem_shared>>
      %dma_start3A_61 = arith.constant 0 : i32
      %dma_start3A_62 = tpu.memref_slice %arg11[%add3A_10, %dma_start3A_61] : memref<10240x64xf32, #tpu.memory_space<vmem_shared>> -> memref<80x64xf32, #tpu.memory_space<vmem_shared>>
      %dma_start3A_63 = arith.constant 0 : i32
      %dma_start3A_64 = arith.constant 0 : i32
      %dma_start3A_65 = tpu.memref_slice %arg7[%dma_start3A_63, %dma_start3A_64] : memref<100x64xf32, #tpu.memory_space<vmem>> -> memref<80x64xf32, #tpu.memory_space<vmem>>
      tpu.enqueue_dma source(%dma_start3A_65 : memref<80x64xf32, #tpu.memory_space<vmem>>) target(%dma_start3A_62 : memref<80x64xf32, #tpu.memory_space<vmem_shared>>) target_semaphore(%run_scoped3A_55 : memref<!tpu.dma_semaphore, #tpu.memory_space<semaphore_mem>>)
      %dma_wait3A = arith.constant 0 : i32
      %dma_wait3A_66 = arith.constant 0 : i32
      %dma_wait3A_67 = tpu.memref_slice %arg7[%dma_wait3A, %dma_wait3A_66] : memref<100x64xf32, #tpu.memory_space<vmem>> -> memref<80x64xf32, #tpu.memory_space<vmem>>
      %dma_wait3A_68 = arith.constant 0 : i32
      %dma_wait3A_69 = tpu.memref_slice %arg11[%add3A_10, %dma_wait3A_68] : memref<10240x64xf32, #tpu.memory_space<vmem_shared>> -> memref<80x64xf32, #tpu.memory_space<vmem_shared>>
      %dma_wait3A_70 = arith.constant 0 : i32
      %dma_wait3A_71 = tpu.memref_slice %arg11[%add3A_10, %dma_wait3A_70] : memref<10240x64xf32, #tpu.memory_space<vmem_shared>> -> memref<80x64xf32, #tpu.memory_space<vmem_shared>>
      %dma_wait3A_72 = arith.constant 0 : i32
      %dma_wait3A_73 = arith.constant 0 : i32
      %dma_wait3A_74 = tpu.memref_slice %arg7[%dma_wait3A_72, %dma_wait3A_73] : memref<100x64xf32, #tpu.memory_space<vmem>> -> memref<80x64xf32, #tpu.memory_space<vmem>>
      tpu.wait_dma2 semaphore(%run_scoped3A_55 : memref<!tpu.dma_semaphore, #tpu.memory_space<semaphore_mem>>) src(%dma_wait3A_74 : memref<80x64xf32, #tpu.memory_space<vmem>>) dst(%dma_wait3A_71 : memref<80x64xf32, #tpu.memory_space<vmem_shared>>)
      tpu.yield
    }) : () -> ()
    %mul3A_11 = arith.constant 640 : i32
    %mul3A_12 = arith.muli %arg1, %mul3A_11 : i32
    %add3A_13 = arith.constant 80 : i32
    %add3A_14 = arith.addi %mul3A_12, %add3A_13 : i32
    "tpu.region"() ({
      %run_scoped3A_55 = tpu.sem_alloc : memref<!tpu.dma_semaphore, #tpu.memory_space<semaphore_mem>>
      %dma_start3A_56 = arith.constant 0 : i32
      %dma_start3A_57 = arith.constant 0 : i32
      %dma_start3A_58 = tpu.memref_slice %arg7[%dma_start3A_56, %dma_start3A_57] : memref<100x64xf32, #tpu.memory_space<vmem>> -> memref<80x64xf32, #tpu.memory_space<vmem>>
      %dma_start3A_59 = arith.constant 0 : i32
      %dma_start3A_60 = tpu.memref_slice %arg11[%add3A_14, %dma_start3A_59] : memref<10240x64xf32, #tpu.memory_space<vmem_shared>> -> memref<80x64xf32, #tpu.memory_space<vmem_shared>>
      %dma_start3A_61 = arith.constant 0 : i32
      %dma_start3A_62 = tpu.memref_slice %arg11[%add3A_14, %dma_start3A_61] : memref<10240x64xf32, #tpu.memory_space<vmem_shared>> -> memref<80x64xf32, #tpu.memory_space<vmem_shared>>
      %dma_start3A_63 = arith.constant 0 : i32
      %dma_start3A_64 = arith.constant 0 : i32
      %dma_start3A_65 = tpu.memref_slice %arg7[%dma_start3A_63, %dma_start3A_64] : memref<100x64xf32, #tpu.memory_space<vmem>> -> memref<80x64xf32, #tpu.memory_space<vmem>>
      tpu.enqueue_dma source(%dma_start3A_65 : memref<80x64xf32, #tpu.memory_space<vmem>>) target(%dma_start3A_62 : memref<80x64xf32, #tpu.memory_space<vmem_shared>>) target_semaphore(%run_scoped3A_55 : memref<!tpu.dma_semaphore, #tpu.memory_space<semaphore_mem>>)
      %dma_wait3A = arith.constant 0 : i32
      %dma_wait3A_66 = arith.constant 0 : i32
      %dma_wait3A_67 = tpu.memref_slice %arg7[%dma_wait3A, %dma_wait3A_66] : memref<100x64xf32, #tpu.memory_space<vmem>> -> memref<80x64xf32, #tpu.memory_space<vmem>>
      %dma_wait3A_68 = arith.constant 0 : i32
      %dma_wait3A_69 = tpu.memref_slice %arg11[%add3A_14, %dma_wait3A_68] : memref<10240x64xf32, #tpu.memory_space<vmem_shared>> -> memref<80x64xf32, #tpu.memory_space<vmem_shared>>
      %dma_wait3A_70 = arith.constant 0 : i32
      %dma_wait3A_71 = tpu.memref_slice %arg11[%add3A_14, %dma_wait3A_70] : memref<10240x64xf32, #tpu.memory_space<vmem_shared>> -> memref<80x64xf32, #tpu.memory_space<vmem_shared>>
      %dma_wait3A_72 = arith.constant 0 : i32
      %dma_wait3A_73 = arith.constant 0 : i32
      %dma_wait3A_74 = tpu.memref_slice %arg7[%dma_wait3A_72, %dma_wait3A_73] : memref<100x64xf32, #tpu.memory_space<vmem>> -> memref<80x64xf32, #tpu.memory_space<vmem>>
      tpu.wait_dma2 semaphore(%run_scoped3A_55 : memref<!tpu.dma_semaphore, #tpu.memory_space<semaphore_mem>>) src(%dma_wait3A_74 : memref<80x64xf32, #tpu.memory_space<vmem>>) dst(%dma_wait3A_71 : memref<80x64xf32, #tpu.memory_space<vmem_shared>>)
      tpu.yield
    }) : () -> ()
    %mul3A_15 = arith.constant 640 : i32
    %mul3A_16 = arith.muli %arg1, %mul3A_15 : i32
    %add3A_17 = arith.constant 160 : i32
    %add3A_18 = arith.addi %mul3A_16, %add3A_17 : i32
    "tpu.region"() ({
      %run_scoped3A_55 = tpu.sem_alloc : memref<!tpu.dma_semaphore, #tpu.memory_space<semaphore_mem>>
      %dma_start3A_56 = arith.constant 0 : i32
      %dma_start3A_57 = arith.constant 0 : i32
      %dma_start3A_58 = tpu.memref_slice %arg7[%dma_start3A_56, %dma_start3A_57] : memref<100x64xf32, #tpu.memory_space<vmem>> -> memref<80x64xf32, #tpu.memory_space<vmem>>
      %dma_start3A_59 = arith.constant 0 : i32
      %dma_start3A_60 = tpu.memref_slice %arg11[%add3A_18, %dma_start3A_59] : memref<10240x64xf32, #tpu.memory_space<vmem_shared>> -> memref<80x64xf32, #tpu.memory_space<vmem_shared>>
      %dma_start3A_61 = arith.constant 0 : i32
      %dma_start3A_62 = tpu.memref_slice %arg11[%add3A_18, %dma_start3A_61] : memref<10240x64xf32, #tpu.memory_space<vmem_shared>> -> memref<80x64xf32, #tpu.memory_space<vmem_shared>>
      %dma_start3A_63 = arith.constant 0 : i32
      %dma_start3A_64 = arith.constant 0 : i32
      %dma_start3A_65 = tpu.memref_slice %arg7[%dma_start3A_63, %dma_start3A_64] : memref<100x64xf32, #tpu.memory_space<vmem>> -> memref<80x64xf32, #tpu.memory_space<vmem>>
      tpu.enqueue_dma source(%dma_start3A_65 : memref<80x64xf32, #tpu.memory_space<vmem>>) target(%dma_start3A_62 : memref<80x64xf32, #tpu.memory_space<vmem_shared>>) target_semaphore(%run_scoped3A_55 : memref<!tpu.dma_semaphore, #tpu.memory_space<semaphore_mem>>)
      %dma_wait3A = arith.constant 0 : i32
      %dma_wait3A_66 = arith.constant 0 : i32
      %dma_wait3A_67 = tpu.memref_slice %arg7[%dma_wait3A, %dma_wait3A_66] : memref<100x64xf32, #tpu.memory_space<vmem>> -> memref<80x64xf32, #tpu.memory_space<vmem>>
      %dma_wait3A_68 = arith.constant 0 : i32
      %dma_wait3A_69 = tpu.memref_slice %arg11[%add3A_18, %dma_wait3A_68] : memref<10240x64xf32, #tpu.memory_space<vmem_shared>> -> memref<80x64xf32, #tpu.memory_space<vmem_shared>>
      %dma_wait3A_70 = arith.constant 0 : i32
      %dma_wait3A_71 = tpu.memref_slice %arg11[%add3A_18, %dma_wait3A_70] : memref<10240x64xf32, #tpu.memory_space<vmem_shared>> -> memref<80x64xf32, #tpu.memory_space<vmem_shared>>
      %dma_wait3A_72 = arith.constant 0 : i32
      %dma_wait3A_73 = arith.constant 0 : i32
      %dma_wait3A_74 = tpu.memref_slice %arg7[%dma_wait3A_72, %dma_wait3A_73] : memref<100x64xf32, #tpu.memory_space<vmem>> -> memref<80x64xf32, #tpu.memory_space<vmem>>
      tpu.wait_dma2 semaphore(%run_scoped3A_55 : memref<!tpu.dma_semaphore, #tpu.memory_space<semaphore_mem>>) src(%dma_wait3A_74 : memref<80x64xf32, #tpu.memory_space<vmem>>) dst(%dma_wait3A_71 : memref<80x64xf32, #tpu.memory_space<vmem_shared>>)
      tpu.yield
    }) : () -> ()
    %mul3A_19 = arith.constant 640 : i32
    %mul3A_20 = arith.muli %arg1, %mul3A_19 : i32
    %add3A_21 = arith.constant 240 : i32
    %add3A_22 = arith.addi %mul3A_20, %add3A_21 : i32
    "tpu.region"() ({
      %run_scoped3A_55 = tpu.sem_alloc : memref<!tpu.dma_semaphore, #tpu.memory_space<semaphore_mem>>
      %dma_start3A_56 = arith.constant 0 : i32
      %dma_start3A_57 = arith.constant 0 : i32
      %dma_start3A_58 = tpu.memref_slice %arg7[%dma_start3A_56, %dma_start3A_57] : memref<100x64xf32, #tpu.memory_space<vmem>> -> memref<80x64xf32, #tpu.memory_space<vmem>>
      %dma_start3A_59 = arith.constant 0 : i32
      %dma_start3A_60 = tpu.memref_slice %arg11[%add3A_22, %dma_start3A_59] : memref<10240x64xf32, #tpu.memory_space<vmem_shared>> -> memref<80x64xf32, #tpu.memory_space<vmem_shared>>
      %dma_start3A_61 = arith.constant 0 : i32
      %dma_start3A_62 = tpu.memref_slice %arg11[%add3A_22, %dma_start3A_61] : memref<10240x64xf32, #tpu.memory_space<vmem_shared>> -> memref<80x64xf32, #tpu.memory_space<vmem_shared>>
      %dma_start3A_63 = arith.constant 0 : i32
      %dma_start3A_64 = arith.constant 0 : i32
      %dma_start3A_65 = tpu.memref_slice %arg7[%dma_start3A_63, %dma_start3A_64] : memref<100x64xf32, #tpu.memory_space<vmem>> -> memref<80x64xf32, #tpu.memory_space<vmem>>
      tpu.enqueue_dma source(%dma_start3A_65 : memref<80x64xf32, #tpu.memory_space<vmem>>) target(%dma_start3A_62 : memref<80x64xf32, #tpu.memory_space<vmem_shared>>) target_semaphore(%run_scoped3A_55 : memref<!tpu.dma_semaphore, #tpu.memory_space<semaphore_mem>>)
      %dma_wait3A = arith.constant 0 : i32
      %dma_wait3A_66 = arith.constant 0 : i32
      %dma_wait3A_67 = tpu.memref_slice %arg7[%dma_wait3A, %dma_wait3A_66] : memref<100x64xf32, #tpu.memory_space<vmem>> -> memref<80x64xf32, #tpu.memory_space<vmem>>
      %dma_wait3A_68 = arith.constant 0 : i32
      %dma_wait3A_69 = tpu.memref_slice %arg11[%add3A_22, %dma_wait3A_68] : memref<10240x64xf32, #tpu.memory_space<vmem_shared>> -> memref<80x64xf32, #tpu.memory_space<vmem_shared>>
      %dma_wait3A_70 = arith.constant 0 : i32
      %dma_wait3A_71 = tpu.memref_slice %arg11[%add3A_22, %dma_wait3A_70] : memref<10240x64xf32, #tpu.memory_space<vmem_shared>> -> memref<80x64xf32, #tpu.memory_space<vmem_shared>>
      %dma_wait3A_72 = arith.constant 0 : i32
      %dma_wait3A_73 = arith.constant 0 : i32
      %dma_wait3A_74 = tpu.memref_slice %arg7[%dma_wait3A_72, %dma_wait3A_73] : memref<100x64xf32, #tpu.memory_space<vmem>> -> memref<80x64xf32, #tpu.memory_space<vmem>>
      tpu.wait_dma2 semaphore(%run_scoped3A_55 : memref<!tpu.dma_semaphore, #tpu.memory_space<semaphore_mem>>) src(%dma_wait3A_74 : memref<80x64xf32, #tpu.memory_space<vmem>>) dst(%dma_wait3A_71 : memref<80x64xf32, #tpu.memory_space<vmem_shared>>)
      tpu.yield
    }) : () -> ()
    %mul3A_23 = arith.constant 640 : i32
    %mul3A_24 = arith.muli %arg1, %mul3A_23 : i32
    %add3A_25 = arith.constant 320 : i32
    %add3A_26 = arith.addi %mul3A_24, %add3A_25 : i32
    "tpu.region"() ({
      %run_scoped3A_55 = tpu.sem_alloc : memref<!tpu.dma_semaphore, #tpu.memory_space<semaphore_mem>>
      %dma_start3A_56 = arith.constant 0 : i32
      %dma_start3A_57 = arith.constant 0 : i32
      %dma_start3A_58 = tpu.memref_slice %arg7[%dma_start3A_56, %dma_start3A_57] : memref<100x64xf32, #tpu.memory_space<vmem>> -> memref<80x64xf32, #tpu.memory_space<vmem>>
      %dma_start3A_59 = arith.constant 0 : i32
      %dma_start3A_60 = tpu.memref_slice %arg11[%add3A_26, %dma_start3A_59] : memref<10240x64xf32, #tpu.memory_space<vmem_shared>> -> memref<80x64xf32, #tpu.memory_space<vmem_shared>>
      %dma_start3A_61 = arith.constant 0 : i32
      %dma_start3A_62 = tpu.memref_slice %arg11[%add3A_26, %dma_start3A_61] : memref<10240x64xf32, #tpu.memory_space<vmem_shared>> -> memref<80x64xf32, #tpu.memory_space<vmem_shared>>
      %dma_start3A_63 = arith.constant 0 : i32
      %dma_start3A_64 = arith.constant 0 : i32
      %dma_start3A_65 = tpu.memref_slice %arg7[%dma_start3A_63, %dma_start3A_64] : memref<100x64xf32, #tpu.memory_space<vmem>> -> memref<80x64xf32, #tpu.memory_space<vmem>>
      tpu.enqueue_dma source(%dma_start3A_65 : memref<80x64xf32, #tpu.memory_space<vmem>>) target(%dma_start3A_62 : memref<80x64xf32, #tpu.memory_space<vmem_shared>>) target_semaphore(%run_scoped3A_55 : memref<!tpu.dma_semaphore, #tpu.memory_space<semaphore_mem>>)
      %dma_wait3A = arith.constant 0 : i32
      %dma_wait3A_66 = arith.constant 0 : i32
      %dma_wait3A_67 = tpu.memref_slice %arg7[%dma_wait3A, %dma_wait3A_66] : memref<100x64xf32, #tpu.memory_space<vmem>> -> memref<80x64xf32, #tpu.memory_space<vmem>>
      %dma_wait3A_68 = arith.constant 0 : i32
      %dma_wait3A_69 = tpu.memref_slice %arg11[%add3A_26, %dma_wait3A_68] : memref<10240x64xf32, #tpu.memory_space<vmem_shared>> -> memref<80x64xf32, #tpu.memory_space<vmem_shared>>
      %dma_wait3A_70 = arith.constant 0 : i32
      %dma_wait3A_71 = tpu.memref_slice %arg11[%add3A_26, %dma_wait3A_70] : memref<10240x64xf32, #tpu.memory_space<vmem_shared>> -> memref<80x64xf32, #tpu.memory_space<vmem_shared>>
      %dma_wait3A_72 = arith.constant 0 : i32
      %dma_wait3A_73 = arith.constant 0 : i32
      %dma_wait3A_74 = tpu.memref_slice %arg7[%dma_wait3A_72, %dma_wait3A_73] : memref<100x64xf32, #tpu.memory_space<vmem>> -> memref<80x64xf32, #tpu.memory_space<vmem>>
      tpu.wait_dma2 semaphore(%run_scoped3A_55 : memref<!tpu.dma_semaphore, #tpu.memory_space<semaphore_mem>>) src(%dma_wait3A_74 : memref<80x64xf32, #tpu.memory_space<vmem>>) dst(%dma_wait3A_71 : memref<80x64xf32, #tpu.memory_space<vmem_shared>>)
      tpu.yield
    }) : () -> ()
    %mul3A_27 = arith.constant 640 : i32
    %mul3A_28 = arith.muli %arg1, %mul3A_27 : i32
    %add3A_29 = arith.constant 400 : i32
    %add3A_30 = arith.addi %mul3A_28, %add3A_29 : i32
    "tpu.region"() ({
      %run_scoped3A_55 = tpu.sem_alloc : memref<!tpu.dma_semaphore, #tpu.memory_space<semaphore_mem>>
      %dma_start3A_56 = arith.constant 0 : i32
      %dma_start3A_57 = arith.constant 0 : i32
      %dma_start3A_58 = tpu.memref_slice %arg7[%dma_start3A_56, %dma_start3A_57] : memref<100x64xf32, #tpu.memory_space<vmem>> -> memref<80x64xf32, #tpu.memory_space<vmem>>
      %dma_start3A_59 = arith.constant 0 : i32
      %dma_start3A_60 = tpu.memref_slice %arg11[%add3A_30, %dma_start3A_59] : memref<10240x64xf32, #tpu.memory_space<vmem_shared>> -> memref<80x64xf32, #tpu.memory_space<vmem_shared>>
      %dma_start3A_61 = arith.constant 0 : i32
      %dma_start3A_62 = tpu.memref_slice %arg11[%add3A_30, %dma_start3A_61] : memref<10240x64xf32, #tpu.memory_space<vmem_shared>> -> memref<80x64xf32, #tpu.memory_space<vmem_shared>>
      %dma_start3A_63 = arith.constant 0 : i32
      %dma_start3A_64 = arith.constant 0 : i32
      %dma_start3A_65 = tpu.memref_slice %arg7[%dma_start3A_63, %dma_start3A_64] : memref<100x64xf32, #tpu.memory_space<vmem>> -> memref<80x64xf32, #tpu.memory_space<vmem>>
      tpu.enqueue_dma source(%dma_start3A_65 : memref<80x64xf32, #tpu.memory_space<vmem>>) target(%dma_start3A_62 : memref<80x64xf32, #tpu.memory_space<vmem_shared>>) target_semaphore(%run_scoped3A_55 : memref<!tpu.dma_semaphore, #tpu.memory_space<semaphore_mem>>)
      %dma_wait3A = arith.constant 0 : i32
      %dma_wait3A_66 = arith.constant 0 : i32
      %dma_wait3A_67 = tpu.memref_slice %arg7[%dma_wait3A, %dma_wait3A_66] : memref<100x64xf32, #tpu.memory_space<vmem>> -> memref<80x64xf32, #tpu.memory_space<vmem>>
      %dma_wait3A_68 = arith.constant 0 : i32
      %dma_wait3A_69 = tpu.memref_slice %arg11[%add3A_30, %dma_wait3A_68] : memref<10240x64xf32, #tpu.memory_space<vmem_shared>> -> memref<80x64xf32, #tpu.memory_space<vmem_shared>>
      %dma_wait3A_70 = arith.constant 0 : i32
      %dma_wait3A_71 = tpu.memref_slice %arg11[%add3A_30, %dma_wait3A_70] : memref<10240x64xf32, #tpu.memory_space<vmem_shared>> -> memref<80x64xf32, #tpu.memory_space<vmem_shared>>
      %dma_wait3A_72 = arith.constant 0 : i32
      %dma_wait3A_73 = arith.constant 0 : i32
      %dma_wait3A_74 = tpu.memref_slice %arg7[%dma_wait3A_72, %dma_wait3A_73] : memref<100x64xf32, #tpu.memory_space<vmem>> -> memref<80x64xf32, #tpu.memory_space<vmem>>
      tpu.wait_dma2 semaphore(%run_scoped3A_55 : memref<!tpu.dma_semaphore, #tpu.memory_space<semaphore_mem>>) src(%dma_wait3A_74 : memref<80x64xf32, #tpu.memory_space<vmem>>) dst(%dma_wait3A_71 : memref<80x64xf32, #tpu.memory_space<vmem_shared>>)
      tpu.yield
    }) : () -> ()
    %mul3A_31 = arith.constant 640 : i32
    %mul3A_32 = arith.muli %arg1, %mul3A_31 : i32
    %add3A_33 = arith.constant 480 : i32
    %add3A_34 = arith.addi %mul3A_32, %add3A_33 : i32
    "tpu.region"() ({
      %run_scoped3A_55 = tpu.sem_alloc : memref<!tpu.dma_semaphore, #tpu.memory_space<semaphore_mem>>
      %dma_start3A_56 = arith.constant 0 : i32
      %dma_start3A_57 = arith.constant 0 : i32
      %dma_start3A_58 = tpu.memref_slice %arg7[%dma_start3A_56, %dma_start3A_57] : memref<100x64xf32, #tpu.memory_space<vmem>> -> memref<80x64xf32, #tpu.memory_space<vmem>>
      %dma_start3A_59 = arith.constant 0 : i32
      %dma_start3A_60 = tpu.memref_slice %arg11[%add3A_34, %dma_start3A_59] : memref<10240x64xf32, #tpu.memory_space<vmem_shared>> -> memref<80x64xf32, #tpu.memory_space<vmem_shared>>
      %dma_start3A_61 = arith.constant 0 : i32
      %dma_start3A_62 = tpu.memref_slice %arg11[%add3A_34, %dma_start3A_61] : memref<10240x64xf32, #tpu.memory_space<vmem_shared>> -> memref<80x64xf32, #tpu.memory_space<vmem_shared>>
      %dma_start3A_63 = arith.constant 0 : i32
      %dma_start3A_64 = arith.constant 0 : i32
      %dma_start3A_65 = tpu.memref_slice %arg7[%dma_start3A_63, %dma_start3A_64] : memref<100x64xf32, #tpu.memory_space<vmem>> -> memref<80x64xf32, #tpu.memory_space<vmem>>
      tpu.enqueue_dma source(%dma_start3A_65 : memref<80x64xf32, #tpu.memory_space<vmem>>) target(%dma_start3A_62 : memref<80x64xf32, #tpu.memory_space<vmem_shared>>) target_semaphore(%run_scoped3A_55 : memref<!tpu.dma_semaphore, #tpu.memory_space<semaphore_mem>>)
      %dma_wait3A = arith.constant 0 : i32
      %dma_wait3A_66 = arith.constant 0 : i32
      %dma_wait3A_67 = tpu.memref_slice %arg7[%dma_wait3A, %dma_wait3A_66] : memref<100x64xf32, #tpu.memory_space<vmem>> -> memref<80x64xf32, #tpu.memory_space<vmem>>
      %dma_wait3A_68 = arith.constant 0 : i32
      %dma_wait3A_69 = tpu.memref_slice %arg11[%add3A_34, %dma_wait3A_68] : memref<10240x64xf32, #tpu.memory_space<vmem_shared>> -> memref<80x64xf32, #tpu.memory_space<vmem_shared>>
      %dma_wait3A_70 = arith.constant 0 : i32
      %dma_wait3A_71 = tpu.memref_slice %arg11[%add3A_34, %dma_wait3A_70] : memref<10240x64xf32, #tpu.memory_space<vmem_shared>> -> memref<80x64xf32, #tpu.memory_space<vmem_shared>>
      %dma_wait3A_72 = arith.constant 0 : i32
      %dma_wait3A_73 = arith.constant 0 : i32
      %dma_wait3A_74 = tpu.memref_slice %arg7[%dma_wait3A_72, %dma_wait3A_73] : memref<100x64xf32, #tpu.memory_space<vmem>> -> memref<80x64xf32, #tpu.memory_space<vmem>>
      tpu.wait_dma2 semaphore(%run_scoped3A_55 : memref<!tpu.dma_semaphore, #tpu.memory_space<semaphore_mem>>) src(%dma_wait3A_74 : memref<80x64xf32, #tpu.memory_space<vmem>>) dst(%dma_wait3A_71 : memref<80x64xf32, #tpu.memory_space<vmem_shared>>)
      tpu.yield
    }) : () -> ()
    %mul3A_35 = arith.constant 640 : i32
    %mul3A_36 = arith.muli %arg1, %mul3A_35 : i32
    %add3A_37 = arith.constant 560 : i32
    %add3A_38 = arith.addi %mul3A_36, %add3A_37 : i32
    "tpu.region"() ({
      %run_scoped3A_55 = tpu.sem_alloc : memref<!tpu.dma_semaphore, #tpu.memory_space<semaphore_mem>>
      %dma_start3A_56 = arith.constant 0 : i32
      %dma_start3A_57 = arith.constant 0 : i32
      %dma_start3A_58 = tpu.memref_slice %arg7[%dma_start3A_56, %dma_start3A_57] : memref<100x64xf32, #tpu.memory_space<vmem>> -> memref<80x64xf32, #tpu.memory_space<vmem>>
      %dma_start3A_59 = arith.constant 0 : i32
      %dma_start3A_60 = tpu.memref_slice %arg11[%add3A_38, %dma_start3A_59] : memref<10240x64xf32, #tpu.memory_space<vmem_shared>> -> memref<80x64xf32, #tpu.memory_space<vmem_shared>>
      %dma_start3A_61 = arith.constant 0 : i32
      %dma_start3A_62 = tpu.memref_slice %arg11[%add3A_38, %dma_start3A_61] : memref<10240x64xf32, #tpu.memory_space<vmem_shared>> -> memref<80x64xf32, #tpu.memory_space<vmem_shared>>
      %dma_start3A_63 = arith.constant 0 : i32
      %dma_start3A_64 = arith.constant 0 : i32
      %dma_start3A_65 = tpu.memref_slice %arg7[%dma_start3A_63, %dma_start3A_64] : memref<100x64xf32, #tpu.memory_space<vmem>> -> memref<80x64xf32, #tpu.memory_space<vmem>>
      tpu.enqueue_dma source(%dma_start3A_65 : memref<80x64xf32, #tpu.memory_space<vmem>>) target(%dma_start3A_62 : memref<80x64xf32, #tpu.memory_space<vmem_shared>>) target_semaphore(%run_scoped3A_55 : memref<!tpu.dma_semaphore, #tpu.memory_space<semaphore_mem>>)
      %dma_wait3A = arith.constant 0 : i32
      %dma_wait3A_66 = arith.constant 0 : i32
      %dma_wait3A_67 = tpu.memref_slice %arg7[%dma_wait3A, %dma_wait3A_66] : memref<100x64xf32, #tpu.memory_space<vmem>> -> memref<80x64xf32, #tpu.memory_space<vmem>>
      %dma_wait3A_68 = arith.constant 0 : i32
      %dma_wait3A_69 = tpu.memref_slice %arg11[%add3A_38, %dma_wait3A_68] : memref<10240x64xf32, #tpu.memory_space<vmem_shared>> -> memref<80x64xf32, #tpu.memory_space<vmem_shared>>
      %dma_wait3A_70 = arith.constant 0 : i32
      %dma_wait3A_71 = tpu.memref_slice %arg11[%add3A_38, %dma_wait3A_70] : memref<10240x64xf32, #tpu.memory_space<vmem_shared>> -> memref<80x64xf32, #tpu.memory_space<vmem_shared>>
      %dma_wait3A_72 = arith.constant 0 : i32
      %dma_wait3A_73 = arith.constant 0 : i32
      %dma_wait3A_74 = tpu.memref_slice %arg7[%dma_wait3A_72, %dma_wait3A_73] : memref<100x64xf32, #tpu.memory_space<vmem>> -> memref<80x64xf32, #tpu.memory_space<vmem>>
      tpu.wait_dma2 semaphore(%run_scoped3A_55 : memref<!tpu.dma_semaphore, #tpu.memory_space<semaphore_mem>>) src(%dma_wait3A_74 : memref<80x64xf32, #tpu.memory_space<vmem>>) dst(%dma_wait3A_71 : memref<80x64xf32, #tpu.memory_space<vmem_shared>>)
      tpu.yield
    }) : () -> ()
    %barrier3A = arith.constant 0 : index
    tpu.barrier barrier_id(%barrier3A)
    %dma_start3A = arith.constant 0 : i32
    %dma_start3A_39 = arith.constant 0 : i32
    %dma_start3A_40 = tpu.memref_slice %arg5[%dma_start3A, %dma_start3A_39] : memref<50x100xi32, #tpu.memory_space<vmem>> -> memref<1x100xi32, #tpu.memory_space<vmem>>
    %dma_start3A_41 = tpu.memref_squeeze %dma_start3A_40 : memref<1x100xi32, #tpu.memory_space<vmem>> -> memref<100xi32, #tpu.memory_space<vmem>>
    %dma_start3A_42 = arith.constant 0 : i32
    %dma_start3A_43 = arith.constant 0 : i32
    %dma_start3A_44 = tpu.memref_slice %arg2[%dma_start3A_42, %dma_start3A_43] : memref<10240x64xf32, #tpu.memory_space<hbm>> -> memref<10240x64xf32, #tpu.memory_space<hbm>>
    tpu.enqueue_indirect_dma source(%dma_start3A_44 : memref<10240x64xf32, #tpu.memory_space<hbm>>) target(%arg7 : memref<100x64xf32, #tpu.memory_space<vmem>>) offsets(%dma_start3A_41 : memref<100xi32, #tpu.memory_space<vmem>>) semaphore(%arg9 : memref<!tpu.dma_semaphore, #tpu.memory_space<semaphore_mem>>)
    %scan3A_45 = arith.constant 0 : i32
    %scan3A_46 = arith.constant 25 : i32
    %scan3A_47 = arith.addi %scan3A_45, %scan3A_46 : i32
    %scan3A_48 = arith.constant 1 : i32
    scf.for %scan3A_55 = %scan3A_45 to %scan3A_47 step %scan3A_48  : i32 {
      %mul3A_56 = arith.constant 2 : i32
      %mul3A_57 = arith.muli %mul3A_56, %scan3A_55 : i32
      %add3A_58 = arith.constant 1 : i32
      %add3A_59 = arith.addi %mul3A_57, %add3A_58 : i32
      %dma_start3A_60 = arith.constant 0 : i32
      %dma_start3A_61 = tpu.memref_slice %arg5[%add3A_59, %dma_start3A_60] : memref<50x100xi32, #tpu.memory_space<vmem>> -> memref<1x100xi32, #tpu.memory_space<vmem>>
      %dma_start3A_62 = tpu.memref_squeeze %dma_start3A_61 : memref<1x100xi32, #tpu.memory_space<vmem>> -> memref<100xi32, #tpu.memory_space<vmem>>
      %dma_start3A_63 = arith.constant 0 : i32
      %dma_start3A_64 = arith.constant 0 : i32
      %dma_start3A_65 = tpu.memref_slice %arg2[%dma_start3A_63, %dma_start3A_64] : memref<10240x64xf32, #tpu.memory_space<hbm>> -> memref<10240x64xf32, #tpu.memory_space<hbm>>
      tpu.enqueue_indirect_dma source(%dma_start3A_65 : memref<10240x64xf32, #tpu.memory_space<hbm>>) target(%arg8 : memref<100x64xf32, #tpu.memory_space<vmem>>) offsets(%dma_start3A_62 : memref<100xi32, #tpu.memory_space<vmem>>) semaphore(%arg10 : memref<!tpu.dma_semaphore, #tpu.memory_space<semaphore_mem>>)
      %dma_wait3A = arith.constant 0 : i32
      %dma_wait3A_66 = tpu.memref_slice %arg5[%mul3A_57, %dma_wait3A] : memref<50x100xi32, #tpu.memory_space<vmem>> -> memref<1x100xi32, #tpu.memory_space<vmem>>
      %dma_wait3A_67 = tpu.memref_squeeze %dma_wait3A_66 : memref<1x100xi32, #tpu.memory_space<vmem>> -> memref<100xi32, #tpu.memory_space<vmem>>
      %dma_wait3A_68 = arith.constant 0 : i32
      %dma_wait3A_69 = arith.constant 0 : i32
      %dma_wait3A_70 = tpu.memref_slice %arg2[%dma_wait3A_68, %dma_wait3A_69] : memref<10240x64xf32, #tpu.memory_space<hbm>> -> memref<10240x64xf32, #tpu.memory_space<hbm>>
      tpu.wait_indirect_dma semaphore(%arg9 : memref<!tpu.dma_semaphore, #tpu.memory_space<semaphore_mem>>) src(%dma_wait3A_70 : memref<10240x64xf32, #tpu.memory_space<hbm>>) dst(%arg7 : memref<100x64xf32, #tpu.memory_space<vmem>>)
      "tpu.region"() ({
        %run_scoped3A_79 = tpu.sem_alloc : memref<!tpu.dma_semaphore, #tpu.memory_space<semaphore_mem>>
        %dma_start3A_80 = arith.constant 0 : i32
        %dma_start3A_81 = tpu.memref_slice %arg6[%mul3A_57, %dma_start3A_80] : memref<50x100xi32, #tpu.memory_space<vmem>> -> memref<1x100xi32, #tpu.memory_space<vmem>>
        %dma_start3A_82 = tpu.memref_squeeze %dma_start3A_81 : memref<1x100xi32, #tpu.memory_space<vmem>> -> memref<100xi32, #tpu.memory_space<vmem>>
        %dma_start3A_83 = arith.constant 0 : i32
        %dma_start3A_84 = arith.constant 0 : i32
        %dma_start3A_85 = tpu.memref_slice %arg11[%dma_start3A_83, %dma_start3A_84] : memref<10240x64xf32, #tpu.memory_space<vmem_shared>> -> memref<10240x64xf32, #tpu.memory_space<vmem_shared>>
        tpu.enqueue_indirect_dma source(%arg7 : memref<100x64xf32, #tpu.memory_space<vmem>>) target(%dma_start3A_85 : memref<10240x64xf32, #tpu.memory_space<vmem_shared>>) offsets(%dma_start3A_82 : memref<100xi32, #tpu.memory_space<vmem>>) semaphore(%run_scoped3A_79 : memref<!tpu.dma_semaphore, #tpu.memory_space<semaphore_mem>>) {add = true}
        %dma_wait3A_86 = arith.constant 0 : i32
        %dma_wait3A_87 = tpu.memref_slice %arg6[%mul3A_57, %dma_wait3A_86] : memref<50x100xi32, #tpu.memory_space<vmem>> -> memref<1x100xi32, #tpu.memory_space<vmem>>
        %dma_wait3A_88 = tpu.memref_squeeze %dma_wait3A_87 : memref<1x100xi32, #tpu.memory_space<vmem>> -> memref<100xi32, #tpu.memory_space<vmem>>
        %dma_wait3A_89 = arith.constant 0 : i32
        %dma_wait3A_90 = arith.constant 0 : i32
        %dma_wait3A_91 = tpu.memref_slice %arg11[%dma_wait3A_89, %dma_wait3A_90] : memref<10240x64xf32, #tpu.memory_space<vmem_shared>> -> memref<10240x64xf32, #tpu.memory_space<vmem_shared>>
        tpu.wait_indirect_dma semaphore(%run_scoped3A_79 : memref<!tpu.dma_semaphore, #tpu.memory_space<semaphore_mem>>) src(%arg7 : memref<100x64xf32, #tpu.memory_space<vmem>>) dst(%dma_wait3A_91 : memref<10240x64xf32, #tpu.memory_space<vmem_shared>>)
        tpu.yield
      }) : () -> ()
      %lt3A = arith.constant 24 : i32
      %lt3A_71 = arith.cmpi slt, %scan3A_55, %lt3A : i32
      %convert_element_type3A = arith.extui %lt3A_71 : i1 to i32
      %cond3A = arith.constant 0 : i32
      %cond3A_72 = arith.cmpi ne, %convert_element_type3A, %cond3A : i32
      scf.if %cond3A_72 {
        %add3A_79 = arith.constant 2 : i32
        %add3A_80 = arith.addi %mul3A_57, %add3A_79 : i32
        %dma_start3A_81 = arith.constant 0 : i32
        %dma_start3A_82 = tpu.memref_slice %arg5[%add3A_80, %dma_start3A_81] : memref<50x100xi32, #tpu.memory_space<vmem>> -> memref<1x100xi32, #tpu.memory_space<vmem>>
        %dma_start3A_83 = tpu.memref_squeeze %dma_start3A_82 : memref<1x100xi32, #tpu.memory_space<vmem>> -> memref<100xi32, #tpu.memory_space<vmem>>
        %dma_start3A_84 = arith.constant 0 : i32
        %dma_start3A_85 = arith.constant 0 : i32
        %dma_start3A_86 = tpu.memref_slice %arg2[%dma_start3A_84, %dma_start3A_85] : memref<10240x64xf32, #tpu.memory_space<hbm>> -> memref<10240x64xf32, #tpu.memory_space<hbm>>
        tpu.enqueue_indirect_dma source(%dma_start3A_86 : memref<10240x64xf32, #tpu.memory_space<hbm>>) target(%arg7 : memref<100x64xf32, #tpu.memory_space<vmem>>) offsets(%dma_start3A_83 : memref<100xi32, #tpu.memory_space<vmem>>) semaphore(%arg9 : memref<!tpu.dma_semaphore, #tpu.memory_space<semaphore_mem>>)
      } else {
      }
      %dma_wait3A_73 = arith.constant 0 : i32
      %dma_wait3A_74 = tpu.memref_slice %arg5[%add3A_59, %dma_wait3A_73] : memref<50x100xi32, #tpu.memory_space<vmem>> -> memref<1x100xi32, #tpu.memory_space<vmem>>
      %dma_wait3A_75 = tpu.memref_squeeze %dma_wait3A_74 : memref<1x100xi32, #tpu.memory_space<vmem>> -> memref<100xi32, #tpu.memory_space<vmem>>
      %dma_wait3A_76 = arith.constant 0 : i32
      %dma_wait3A_77 = arith.constant 0 : i32
      %dma_wait3A_78 = tpu.memref_slice %arg2[%dma_wait3A_76, %dma_wait3A_77] : memref<10240x64xf32, #tpu.memory_space<hbm>> -> memref<10240x64xf32, #tpu.memory_space<hbm>>
      tpu.wait_indirect_dma semaphore(%arg10 : memref<!tpu.dma_semaphore, #tpu.memory_space<semaphore_mem>>) src(%dma_wait3A_78 : memref<10240x64xf32, #tpu.memory_space<hbm>>) dst(%arg8 : memref<100x64xf32, #tpu.memory_space<vmem>>)
      "tpu.region"() ({
        %run_scoped3A_79 = tpu.sem_alloc : memref<!tpu.dma_semaphore, #tpu.memory_space<semaphore_mem>>
        %dma_start3A_80 = arith.constant 0 : i32
        %dma_start3A_81 = tpu.memref_slice %arg6[%add3A_59, %dma_start3A_80] : memref<50x100xi32, #tpu.memory_space<vmem>> -> memref<1x100xi32, #tpu.memory_space<vmem>>
        %dma_start3A_82 = tpu.memref_squeeze %dma_start3A_81 : memref<1x100xi32, #tpu.memory_space<vmem>> -> memref<100xi32, #tpu.memory_space<vmem>>
        %dma_start3A_83 = arith.constant 0 : i32
        %dma_start3A_84 = arith.constant 0 : i32
        %dma_start3A_85 = tpu.memref_slice %arg11[%dma_start3A_83, %dma_start3A_84] : memref<10240x64xf32, #tpu.memory_space<vmem_shared>> -> memref<10240x64xf32, #tpu.memory_space<vmem_shared>>
        tpu.enqueue_indirect_dma source(%arg8 : memref<100x64xf32, #tpu.memory_space<vmem>>) target(%dma_start3A_85 : memref<10240x64xf32, #tpu.memory_space<vmem_shared>>) offsets(%dma_start3A_82 : memref<100xi32, #tpu.memory_space<vmem>>) semaphore(%run_scoped3A_79 : memref<!tpu.dma_semaphore, #tpu.memory_space<semaphore_mem>>) {add = true}
        %dma_wait3A_86 = arith.constant 0 : i32
        %dma_wait3A_87 = tpu.memref_slice %arg6[%add3A_59, %dma_wait3A_86] : memref<50x100xi32, #tpu.memory_space<vmem>> -> memref<1x100xi32, #tpu.memory_space<vmem>>
        %dma_wait3A_88 = tpu.memref_squeeze %dma_wait3A_87 : memref<1x100xi32, #tpu.memory_space<vmem>> -> memref<100xi32, #tpu.memory_space<vmem>>
        %dma_wait3A_89 = arith.constant 0 : i32
        %dma_wait3A_90 = arith.constant 0 : i32
        %dma_wait3A_91 = tpu.memref_slice %arg11[%dma_wait3A_89, %dma_wait3A_90] : memref<10240x64xf32, #tpu.memory_space<vmem_shared>> -> memref<10240x64xf32, #tpu.memory_space<vmem_shared>>
        tpu.wait_indirect_dma semaphore(%run_scoped3A_79 : memref<!tpu.dma_semaphore, #tpu.memory_space<semaphore_mem>>) src(%arg8 : memref<100x64xf32, #tpu.memory_space<vmem>>) dst(%dma_wait3A_91 : memref<10240x64xf32, #tpu.memory_space<vmem_shared>>)
        tpu.yield
      }) : () -> ()
    }
    %scan3A_49 = arith.constant 25 : i32
    %barrier3A_50 = arith.constant 0 : index
    tpu.barrier barrier_id(%barrier3A_50)
    %mul3A_51 = arith.constant 640 : i32
    %mul3A_52 = arith.muli %arg1, %mul3A_51 : i32
    %mul3A_53 = arith.constant 640 : i32
    %mul3A_54 = arith.muli %arg1, %mul3A_53 : i32
    "tpu.region"() ({
      %run_scoped3A_55 = tpu.sem_alloc : memref<!tpu.dma_semaphore, #tpu.memory_space<semaphore_mem>>
      %dma_start3A_56 = arith.constant 0 : i32
      %dma_start3A_57 = tpu.memref_slice %arg4[%arg0, %mul3A_54, %dma_start3A_56] : memref<2x10240x64xf32, #tpu.memory_space<hbm>> -> memref<1x640x64xf32, #tpu.memory_space<hbm>>
      %dma_start3A_58 = tpu.memref_squeeze %dma_start3A_57 : memref<1x640x64xf32, #tpu.memory_space<hbm>> -> memref<640x64xf32, #tpu.memory_space<hbm>>
      %dma_start3A_59 = arith.constant 0 : i32
      %dma_start3A_60 = tpu.memref_slice %arg11[%mul3A_52, %dma_start3A_59] : memref<10240x64xf32, #tpu.memory_space<vmem_shared>> -> memref<640x64xf32, #tpu.memory_space<vmem_shared>>
      tpu.enqueue_dma source(%dma_start3A_60 : memref<640x64xf32, #tpu.memory_space<vmem_shared>>) target(%dma_start3A_58 : memref<640x64xf32, #tpu.memory_space<hbm>>) target_semaphore(%run_scoped3A_55 : memref<!tpu.dma_semaphore, #tpu.memory_space<semaphore_mem>>)
      %dma_wait3A = arith.constant 0 : i32
      %dma_wait3A_61 = tpu.memref_slice %arg4[%arg0, %mul3A_54, %dma_wait3A] : memref<2x10240x64xf32, #tpu.memory_space<hbm>> -> memref<1x640x64xf32, #tpu.memory_space<hbm>>
      %dma_wait3A_62 = tpu.memref_squeeze %dma_wait3A_61 : memref<1x640x64xf32, #tpu.memory_space<hbm>> -> memref<640x64xf32, #tpu.memory_space<hbm>>
      %dma_wait3A_63 = arith.constant 0 : i32
      %dma_wait3A_64 = tpu.memref_slice %arg11[%mul3A_52, %dma_wait3A_63] : memref<10240x64xf32, #tpu.memory_space<vmem_shared>> -> memref<640x64xf32, #tpu.memory_space<vmem_shared>>
      tpu.wait_dma2 semaphore(%run_scoped3A_55 : memref<!tpu.dma_semaphore, #tpu.memory_space<semaphore_mem>>) src(%dma_wait3A_64 : memref<640x64xf32, #tpu.memory_space<vmem_shared>>) dst(%dma_wait3A_62 : memref<640x64xf32, #tpu.memory_space<hbm>>)
      tpu.yield
    }) : () -> ()
    return
  }
}

module attributes {stable_mosaic.version = 14 : i64} {
  func.func @_mm1_body(%arg0: i32, %arg1: memref<2x1024xf32, #tpu.memory_space<vmem>>, %arg2: memref<1024x256xf32, #tpu.memory_space<vmem>>, %arg3: memref<256x112xf32, #tpu.memory_space<vmem>>, %arg4: memref<1024x112xf32, #tpu.memory_space<vmem>>, %arg5: memref<1024x1xf32, #tpu.memory_space<vmem>>, %arg6: memref<1024xf32, #tpu.memory_space<vmem>>) attributes {dimension_semantics = [#tpu.dimension_semantics<arbitrary>], iteration_bounds = array<i64: 10>, scalar_prefetch = 0 : i64, scratch_operands = 0 : i64, tpu.core_type = #tpu.core_type<tc>, window_params = [{transform_indices = @transform_0, window_bounds = array<i64: 2, 1024>}, {transform_indices = @transform_1, window_bounds = array<i64: 1024, 256>}, {pipeline_mode = #tpu.pipeline_mode<synchronous>, transform_indices = @transform_2, window_bounds = array<i64: 256, 112>}, {transform_indices = @transform_3, window_bounds = array<i64: 1024, 112>}, {transform_indices = @transform_4, window_bounds = array<i64: 1024, 1>}, {transform_indices = @transform_5, window_bounds = array<i64: 1024>}]} {
    %get3A = arith.constant 0 : index
    %get3A_0 = arith.constant 0 : index
    %get3A_1 = vector.load %arg1[%get3A, %get3A_0] : memref<2x1024xf32, #tpu.memory_space<vmem>>, vector<2x1024xf32>
    %slice3A = vector.extract_strided_slice %get3A_1 {offsets = [0, 0], sizes = [1, 1024], strides = [1, 1]} : vector<2x1024xf32> to vector<1x1024xf32>
    %slice3A_2 = vector.extract_strided_slice %get3A_1 {offsets = [1, 0], sizes = [1, 1024], strides = [1, 1]} : vector<2x1024xf32> to vector<1x1024xf32>
    %add3A = arith.addf %slice3A, %slice3A_2 : vector<1x1024xf32>
    %add3A_3 = arith.constant 1.000000e+00 : f32
    %add3A_4 = vector.broadcast %add3A_3 : f32 to vector<1x1024xf32>
    %add3A_5 = arith.addf %add3A, %add3A_4 : vector<1x1024xf32>
    %iota3A = tpu.iota {dimensions = array<i32: 1>} : vector<1x1024xi32>
    %mul3A = arith.constant 1024 : i32
    %mul3A_6 = arith.muli %arg0, %mul3A : i32
    %add3A_7 = vector.broadcast %mul3A_6 : i32 to vector<1x1024xi32>
    %add3A_8 = arith.addi %iota3A, %add3A_7 : vector<1x1024xi32>
    %lt3A = arith.constant 10000 : i32
    %lt3A_9 = vector.broadcast %lt3A : i32 to vector<1x1024xi32>
    %lt3A_10 = arith.cmpi slt, %add3A_8, %lt3A_9 : vector<1x1024xi32>
    %rsqrt3A = math.rsqrt %add3A_5 : vector<1x1024xf32>
    %jit3A = arith.constant 0.000000e+00 : f32
    %broadcast_in_dim3A = vector.broadcast %jit3A : f32 to vector<1x1024xf32>
    %select_n3A = arith.select %lt3A_10, %rsqrt3A, %broadcast_in_dim3A : vector<1x1024xi1>, vector<1x1024xf32>
    %squeeze3A = vector.shape_cast %select_n3A : vector<1x1024xf32> to vector<1024xf32>
    %swap3A = arith.constant 0 : index
    %swap3A_11 = vector.load %arg6[%swap3A] : memref<1024xf32, #tpu.memory_space<vmem>>, vector<1024xf32>
    tpu.vector_store %arg6[%swap3A], %squeeze3A {strides = array<i32>} : memref<1024xf32, #tpu.memory_space<vmem>>, vector<1024xf32>,
    %transpose3A = tpu.transpose %select_n3A, [1, 0] : vector<1x1024xf32> -> vector<1024x1xf32>
    %swap3A_12 = arith.constant 0 : index
    %swap3A_13 = arith.constant 0 : index
    %swap3A_14 = vector.load %arg5[%swap3A_12, %swap3A_13] : memref<1024x1xf32, #tpu.memory_space<vmem>>, vector<1024x1xf32>
    tpu.vector_store %arg5[%swap3A_12, %swap3A_13], %transpose3A {strides = array<i32>} : memref<1024x1xf32, #tpu.memory_space<vmem>>, vector<1024x1xf32>,
    %get3A_15 = arith.constant 0 : index
    %get3A_16 = arith.constant 0 : index
    %get3A_17 = vector.load %arg2[%get3A_15, %get3A_16] : memref<1024x256xf32, #tpu.memory_space<vmem>>, vector<1024x256xf32>
    %get3A_18 = arith.constant 0 : index
    %get3A_19 = arith.constant 0 : index
    %get3A_20 = vector.load %arg3[%get3A_18, %get3A_19] : memref<256x112xf32, #tpu.memory_space<vmem>>, vector<256x112xf32>
    %dot_general3A = arith.constant dense<0.000000e+00> : vector<1024x112xf32>
    %dot_general3A_21 = tpu.matmul %get3A_17, %get3A_20, %dot_general3A {dimension_numbers = #tpu.dot_dimension_numbers<[1], [0], [0], [1], [0, 0, 1, 1], [], []>, transpose_lhs_hint = false} : vector<1024x256xf32>, vector<256x112xf32>, vector<1024x112xf32> -> vector<1024x112xf32>
    %mul3A_22 = vector.broadcast %transpose3A : vector<1024x1xf32> to vector<1024x112xf32>
    %mul3A_23 = arith.mulf %dot_general3A_21, %mul3A_22 : vector<1024x112xf32>
    %swap3A_24 = arith.constant 0 : index
    %swap3A_25 = arith.constant 0 : index
    %swap3A_26 = vector.load %arg4[%swap3A_24, %swap3A_25] : memref<1024x112xf32, #tpu.memory_space<vmem>>, vector<1024x112xf32>
    tpu.vector_store %arg4[%swap3A_24, %swap3A_25], %mul3A_23 {strides = array<i32>} : memref<1024x112xf32, #tpu.memory_space<vmem>>, vector<1024x112xf32>,
    return
  }
  func.func @transform_0(%arg0: i32) -> (i32, i32) {
    %c0_i32 = arith.constant 0 : i32
    %c0_i32_0 = arith.constant 0 : i32
    return %c0_i32, %arg0 : i32, i32
  }
  func.func @transform_1(%arg0: i32) -> (i32, i32) {
    %c0_i32 = arith.constant 0 : i32
    %c0_i32_0 = arith.constant 0 : i32
    return %arg0, %c0_i32 : i32, i32
  }
  func.func @transform_2(%arg0: i32) -> (i32, i32) {
    %c0_i32 = arith.constant 0 : i32
    %c0_i32_0 = arith.constant 0 : i32
    %c0_i32_1 = arith.constant 0 : i32
    return %c0_i32, %c0_i32_0 : i32, i32
  }
  func.func @transform_3(%arg0: i32) -> (i32, i32) {
    %c0_i32 = arith.constant 0 : i32
    %c0_i32_0 = arith.constant 0 : i32
    return %arg0, %c0_i32 : i32, i32
  }
  func.func @transform_4(%arg0: i32) -> (i32, i32) {
    %c0_i32 = arith.constant 0 : i32
    %c0_i32_0 = arith.constant 0 : i32
    return %arg0, %c0_i32 : i32, i32
  }
  func.func @transform_5(%arg0: i32) -> i32 {
    %c0_i32 = arith.constant 0 : i32
    return %arg0 : i32
  }
}

module attributes {stable_mosaic.version = 14 : i64} {
  func.func @_mm2_body(%arg0: i32, %arg1: memref<2x1024x112xf32, #tpu.memory_space<vmem>>, %arg2: memref<1024x112xf32, #tpu.memory_space<vmem>>, %arg3: memref<1024x1xf32, #tpu.memory_space<vmem>>, %arg4: memref<1x112xf32, #tpu.memory_space<vmem>>, %arg5: memref<112x64xf32, #tpu.memory_space<vmem>>, %arg6: memref<1024x64xf32, #tpu.memory_space<vmem>>) attributes {dimension_semantics = [#tpu.dimension_semantics<arbitrary>], iteration_bounds = array<i64: 10>, scalar_prefetch = 0 : i64, scratch_operands = 0 : i64, tpu.core_type = #tpu.core_type<tc>, window_params = [{transform_indices = @transform_0, window_bounds = array<i64: 2, 1024, 112>}, {transform_indices = @transform_1, window_bounds = array<i64: 1024, 112>}, {transform_indices = @transform_2, window_bounds = array<i64: 1024, 1>}, {pipeline_mode = #tpu.pipeline_mode<synchronous>, transform_indices = @transform_3, window_bounds = array<i64: 1, 112>}, {pipeline_mode = #tpu.pipeline_mode<synchronous>, transform_indices = @transform_4, window_bounds = array<i64: 112, 64>}, {transform_indices = @transform_5, window_bounds = array<i64: 1024, 64>}]} {
    %get3A = arith.constant 0 : index
    %get3A_0 = arith.constant 0 : index
    %get3A_1 = vector.load %arg3[%get3A, %get3A_0] : memref<1024x1xf32, #tpu.memory_space<vmem>>, vector<1024x1xf32>
    %get3A_2 = arith.constant 0 : index
    %get3A_3 = arith.constant 0 : index
    %get3A_4 = arith.constant 0 : index
    %get3A_5 = vector.load %arg1[%get3A_2, %get3A_3, %get3A_4] : memref<2x1024x112xf32, #tpu.memory_space<vmem>>, vector<1x1024x112xf32>
    %get3A_6 = vector.shape_cast %get3A_5 : vector<1x1024x112xf32> to vector<1024x112xf32>
    %get3A_7 = arith.constant 1 : index
    %get3A_8 = arith.constant 0 : index
    %get3A_9 = arith.constant 0 : index
    %get3A_10 = vector.load %arg1[%get3A_7, %get3A_8, %get3A_9] : memref<2x1024x112xf32, #tpu.memory_space<vmem>>, vector<1x1024x112xf32>
    %get3A_11 = vector.shape_cast %get3A_10 : vector<1x1024x112xf32> to vector<1024x112xf32>
    %add3A = arith.addf %get3A_6, %get3A_11 : vector<1024x112xf32>
    %get3A_12 = arith.constant 0 : index
    %get3A_13 = arith.constant 0 : index
    %get3A_14 = vector.load %arg2[%get3A_12, %get3A_13] : memref<1024x112xf32, #tpu.memory_space<vmem>>, vector<1024x112xf32>
    %add3A_15 = arith.addf %add3A, %get3A_14 : vector<1024x112xf32>
    %mul3A = vector.broadcast %get3A_1 : vector<1024x1xf32> to vector<1024x112xf32>
    %mul3A_16 = arith.mulf %mul3A, %add3A_15 : vector<1024x112xf32>
    %get3A_17 = arith.constant 0 : index
    %get3A_18 = arith.constant 0 : index
    %get3A_19 = vector.load %arg4[%get3A_17, %get3A_18] : memref<1x112xf32, #tpu.memory_space<vmem>>, vector<1x112xf32>
    %add3A_20 = vector.broadcast %get3A_19 : vector<1x112xf32> to vector<1024x112xf32>
    %add3A_21 = arith.addf %mul3A_16, %add3A_20 : vector<1024x112xf32>
    %max3A = arith.constant 0.000000e+00 : f32
    %max3A_22 = vector.broadcast %max3A : f32 to vector<1024x112xf32>
    %max3A_23 = arith.maximumf %add3A_21, %max3A_22 : vector<1024x112xf32>
    %get3A_24 = arith.constant 0 : index
    %get3A_25 = arith.constant 0 : index
    %get3A_26 = vector.load %arg5[%get3A_24, %get3A_25] : memref<112x64xf32, #tpu.memory_space<vmem>>, vector<112x64xf32>
    %dot_general3A = arith.constant dense<0.000000e+00> : vector<1024x64xf32>
    %dot_general3A_27 = tpu.matmul %max3A_23, %get3A_26, %dot_general3A {dimension_numbers = #tpu.dot_dimension_numbers<[1], [0], [0], [1], [0, 0, 1, 1], [], []>, transpose_lhs_hint = false} : vector<1024x112xf32>, vector<112x64xf32>, vector<1024x64xf32> -> vector<1024x64xf32>
    %mul3A_28 = vector.broadcast %get3A_1 : vector<1024x1xf32> to vector<1024x64xf32>
    %mul3A_29 = arith.mulf %dot_general3A_27, %mul3A_28 : vector<1024x64xf32>
    %swap3A = arith.constant 0 : index
    %swap3A_30 = arith.constant 0 : index
    %swap3A_31 = vector.load %arg6[%swap3A, %swap3A_30] : memref<1024x64xf32, #tpu.memory_space<vmem>>, vector<1024x64xf32>
    tpu.vector_store %arg6[%swap3A, %swap3A_30], %mul3A_29 {strides = array<i32>} : memref<1024x64xf32, #tpu.memory_space<vmem>>, vector<1024x64xf32>,
    return
  }
  func.func @transform_0(%arg0: i32) -> (i32, i32, i32) {
    %c0_i32 = arith.constant 0 : i32
    %c0_i32_0 = arith.constant 0 : i32
    %c0_i32_1 = arith.constant 0 : i32
    return %c0_i32, %arg0, %c0_i32_0 : i32, i32, i32
  }
  func.func @transform_1(%arg0: i32) -> (i32, i32) {
    %c0_i32 = arith.constant 0 : i32
    %c0_i32_0 = arith.constant 0 : i32
    return %arg0, %c0_i32 : i32, i32
  }
  func.func @transform_2(%arg0: i32) -> (i32, i32) {
    %c0_i32 = arith.constant 0 : i32
    %c0_i32_0 = arith.constant 0 : i32
    return %arg0, %c0_i32 : i32, i32
  }
  func.func @transform_3(%arg0: i32) -> (i32, i32) {
    %c0_i32 = arith.constant 0 : i32
    %c0_i32_0 = arith.constant 0 : i32
    %c0_i32_1 = arith.constant 0 : i32
    return %c0_i32, %c0_i32_0 : i32, i32
  }
  func.func @transform_4(%arg0: i32) -> (i32, i32) {
    %c0_i32 = arith.constant 0 : i32
    %c0_i32_0 = arith.constant 0 : i32
    %c0_i32_1 = arith.constant 0 : i32
    return %c0_i32, %c0_i32_0 : i32, i32
  }
  func.func @transform_5(%arg0: i32) -> (i32, i32) {
    %c0_i32 = arith.constant 0 : i32
    %c0_i32_0 = arith.constant 0 : i32
    return %arg0, %c0_i32 : i32, i32
  }
}

module attributes {stable_mosaic.version = 14 : i64} {
  func.func @_fin_body(%arg0: i32, %arg1: memref<2x1024x64xf32, #tpu.memory_space<vmem>>, %arg2: memref<1024x64xf32, #tpu.memory_space<vmem>>, %arg3: memref<1024x1xf32, #tpu.memory_space<vmem>>, %arg4: memref<1024xf32, #tpu.memory_space<vmem>>, %arg5: memref<2x1024xf32, #tpu.memory_space<vmem>>, %arg6: memref<1x64xf32, #tpu.memory_space<vmem>>, %arg7: memref<64x32xf32, #tpu.memory_space<vmem>>, %arg8: memref<1x32xf32, #tpu.memory_space<vmem>>, %arg9: memref<1x32xf32, #tpu.memory_space<vmem>>, %arg10: memref<1x64xf32, #tpu.memory_space<vmem>>) attributes {dimension_semantics = [#tpu.dimension_semantics<arbitrary>], iteration_bounds = array<i64: 10>, scalar_prefetch = 0 : i64, scratch_operands = 1 : i64, tpu.core_type = #tpu.core_type<tc>, window_params = [{transform_indices = @transform_0, window_bounds = array<i64: 2, 1024, 64>}, {transform_indices = @transform_1, window_bounds = array<i64: 1024, 64>}, {transform_indices = @transform_2, window_bounds = array<i64: 1024, 1>}, {transform_indices = @transform_3, window_bounds = array<i64: 1024>}, {transform_indices = @transform_4, window_bounds = array<i64: 2, 1024>}, {pipeline_mode = #tpu.pipeline_mode<synchronous>, transform_indices = @transform_5, window_bounds = array<i64: 1, 64>}, {pipeline_mode = #tpu.pipeline_mode<synchronous>, transform_indices = @transform_6, window_bounds = array<i64: 64, 32>}, {pipeline_mode = #tpu.pipeline_mode<synchronous>, transform_indices = @transform_7, window_bounds = array<i64: 1, 32>}, {pipeline_mode = #tpu.pipeline_mode<synchronous>, transform_indices = @transform_8, window_bounds = array<i64: 1, 32>}]} {
    %eq3A = arith.constant 0 : i32
    %eq3A_0 = arith.cmpi eq, %arg0, %eq3A : i32
    %convert_element_type3A = arith.extui %eq3A_0 : i1 to i32
    %cond3A = arith.constant 0 : i32
    %cond3A_1 = arith.cmpi ne, %convert_element_type3A, %cond3A : i32
    scf.if %cond3A_1 {
      %broadcast_in_dim3A_47 = arith.constant 0.000000e+00 : f32
      %broadcast_in_dim3A_48 = vector.broadcast %broadcast_in_dim3A_47 : f32 to vector<1x64xf32>
      %swap3A_49 = arith.constant 0 : index
      %swap3A_50 = arith.constant 0 : index
      %swap3A_51 = vector.load %arg10[%swap3A_49, %swap3A_50] : memref<1x64xf32, #tpu.memory_space<vmem>>, vector<1x64xf32>
      tpu.vector_store %arg10[%swap3A_49, %swap3A_50], %broadcast_in_dim3A_48 {strides = array<i32>} : memref<1x64xf32, #tpu.memory_space<vmem>>, vector<1x64xf32>,
    } else {
    }
    %get3A = arith.constant 0 : index
    %get3A_2 = arith.constant 0 : index
    %get3A_3 = vector.load %arg3[%get3A, %get3A_2] : memref<1024x1xf32, #tpu.memory_space<vmem>>, vector<1024x1xf32>
    %get3A_4 = arith.constant 0 : index
    %get3A_5 = arith.constant 0 : index
    %get3A_6 = arith.constant 0 : index
    %get3A_7 = vector.load %arg1[%get3A_4, %get3A_5, %get3A_6] : memref<2x1024x64xf32, #tpu.memory_space<vmem>>, vector<1x1024x64xf32>
    %get3A_8 = vector.shape_cast %get3A_7 : vector<1x1024x64xf32> to vector<1024x64xf32>
    %get3A_9 = arith.constant 1 : index
    %get3A_10 = arith.constant 0 : index
    %get3A_11 = arith.constant 0 : index
    %get3A_12 = vector.load %arg1[%get3A_9, %get3A_10, %get3A_11] : memref<2x1024x64xf32, #tpu.memory_space<vmem>>, vector<1x1024x64xf32>
    %get3A_13 = vector.shape_cast %get3A_12 : vector<1x1024x64xf32> to vector<1024x64xf32>
    %add3A = arith.addf %get3A_8, %get3A_13 : vector<1024x64xf32>
    %get3A_14 = arith.constant 0 : index
    %get3A_15 = arith.constant 0 : index
    %get3A_16 = vector.load %arg2[%get3A_14, %get3A_15] : memref<1024x64xf32, #tpu.memory_space<vmem>>, vector<1024x64xf32>
    %add3A_17 = arith.addf %add3A, %get3A_16 : vector<1024x64xf32>
    %mul3A = vector.broadcast %get3A_3 : vector<1024x1xf32> to vector<1024x64xf32>
    %mul3A_18 = arith.mulf %mul3A, %add3A_17 : vector<1024x64xf32>
    %get3A_19 = arith.constant 0 : index
    %get3A_20 = arith.constant 0 : index
    %get3A_21 = vector.load %arg6[%get3A_19, %get3A_20] : memref<1x64xf32, #tpu.memory_space<vmem>>, vector<1x64xf32>
    %add3A_22 = vector.broadcast %get3A_21 : vector<1x64xf32> to vector<1024x64xf32>
    %add3A_23 = arith.addf %mul3A_18, %add3A_22 : vector<1024x64xf32>
    %max3A = arith.constant 0.000000e+00 : f32
    %max3A_24 = vector.broadcast %max3A : f32 to vector<1024x64xf32>
    %max3A_25 = arith.maximumf %add3A_23, %max3A_24 : vector<1024x64xf32>
    %get3A_26 = arith.constant 0 : index
    %get3A_27 = arith.constant 0 : index
    %get3A_28 = vector.load %arg5[%get3A_26, %get3A_27] : memref<2x1024xf32, #tpu.memory_space<vmem>>, vector<2x1024xf32>
    %get3A_29 = arith.constant 0 : index
    %get3A_30 = vector.load %arg4[%get3A_29] : memref<1024xf32, #tpu.memory_space<vmem>>, vector<1024xf32>
    %broadcast_in_dim3A = vector.shape_cast %get3A_30 : vector<1024xf32> to vector<1x1024xf32>
    %slice3A = vector.extract_strided_slice %get3A_28 {offsets = [0, 0], sizes = [1, 1024], strides = [1, 1]} : vector<2x1024xf32> to vector<1x1024xf32>
    %slice3A_31 = vector.extract_strided_slice %get3A_28 {offsets = [1, 0], sizes = [1, 1024], strides = [1, 1]} : vector<2x1024xf32> to vector<1x1024xf32>
    %add3A_32 = arith.addf %slice3A, %slice3A_31 : vector<1x1024xf32>
    %add3A_33 = arith.addf %add3A_32, %broadcast_in_dim3A : vector<1x1024xf32>
    %mul3A_34 = arith.mulf %broadcast_in_dim3A, %add3A_33 : vector<1x1024xf32>
    %get3A_35 = arith.constant 0 : index
    %get3A_36 = arith.constant 0 : index
    %get3A_37 = vector.load %arg10[%get3A_35, %get3A_36] : memref<1x64xf32, #tpu.memory_space<vmem>>, vector<1x64xf32>
    %dot_general3A = arith.constant dense<0.000000e+00> : vector<1x64xf32>
    %dot_general3A_38 = tpu.matmul %mul3A_34, %max3A_25, %dot_general3A {dimension_numbers = #tpu.dot_dimension_numbers<[1], [0], [0], [1], [0, 0, 1, 1], [], []>, transpose_lhs_hint = false} : vector<1x1024xf32>, vector<1024x64xf32>, vector<1x64xf32> -> vector<1x64xf32>
    %add3A_39 = arith.addf %get3A_37, %dot_general3A_38 : vector<1x64xf32>
    %swap3A = arith.constant 0 : index
    %swap3A_40 = arith.constant 0 : index
    %swap3A_41 = vector.load %arg10[%swap3A, %swap3A_40] : memref<1x64xf32, #tpu.memory_space<vmem>>, vector<1x64xf32>
    tpu.vector_store %arg10[%swap3A, %swap3A_40], %add3A_39 {strides = array<i32>} : memref<1x64xf32, #tpu.memory_space<vmem>>, vector<1x64xf32>,
    %eq3A_42 = arith.constant 9 : i32
    %eq3A_43 = arith.cmpi eq, %arg0, %eq3A_42 : i32
    %convert_element_type3A_44 = arith.extui %eq3A_43 : i1 to i32
    %cond3A_45 = arith.constant 0 : i32
    %cond3A_46 = arith.cmpi ne, %convert_element_type3A_44, %cond3A_45 : i32
    scf.if %cond3A_46 {
      %get3A_47 = arith.constant 0 : index
      %get3A_48 = arith.constant 0 : index
      %get3A_49 = vector.load %arg10[%get3A_47, %get3A_48] : memref<1x64xf32, #tpu.memory_space<vmem>>, vector<1x64xf32>
      %mul3A_50 = arith.constant 9.99999974E-5 : f32
      %mul3A_51 = vector.broadcast %mul3A_50 : f32 to vector<1x64xf32>
      %mul3A_52 = arith.mulf %get3A_49, %mul3A_51 : vector<1x64xf32>
      %get3A_53 = arith.constant 0 : index
      %get3A_54 = arith.constant 0 : index
      %get3A_55 = vector.load %arg7[%get3A_53, %get3A_54] : memref<64x32xf32, #tpu.memory_space<vmem>>, vector<64x32xf32>
      %dot_general3A_56 = arith.constant dense<0.000000e+00> : vector<1x32xf32>
      %dot_general3A_57 = tpu.matmul %mul3A_52, %get3A_55, %dot_general3A_56 {dimension_numbers = #tpu.dot_dimension_numbers<[1], [0], [0], [1], [0, 0, 1, 1], [], []>, transpose_lhs_hint = false} : vector<1x64xf32>, vector<64x32xf32>, vector<1x32xf32> -> vector<1x32xf32>
      %get3A_58 = arith.constant 0 : index
      %get3A_59 = arith.constant 0 : index
      %get3A_60 = vector.load %arg8[%get3A_58, %get3A_59] : memref<1x32xf32, #tpu.memory_space<vmem>>, vector<1x32xf32>
      %add3A_61 = arith.addf %dot_general3A_57, %get3A_60 : vector<1x32xf32>
      %swap3A_62 = arith.constant 0 : index
      %swap3A_63 = arith.constant 0 : index
      %swap3A_64 = vector.load %arg9[%swap3A_62, %swap3A_63] : memref<1x32xf32, #tpu.memory_space<vmem>>, vector<1x32xf32>
      tpu.vector_store %arg9[%swap3A_62, %swap3A_63], %add3A_61 {strides = array<i32>} : memref<1x32xf32, #tpu.memory_space<vmem>>, vector<1x32xf32>,
    } else {
    }
    return
  }
  func.func @transform_0(%arg0: i32) -> (i32, i32, i32) {
    %c0_i32 = arith.constant 0 : i32
    %c0_i32_0 = arith.constant 0 : i32
    %c0_i32_1 = arith.constant 0 : i32
    return %c0_i32, %arg0, %c0_i32_0 : i32, i32, i32
  }
  func.func @transform_1(%arg0: i32) -> (i32, i32) {
    %c0_i32 = arith.constant 0 : i32
    %c0_i32_0 = arith.constant 0 : i32
    return %arg0, %c0_i32 : i32, i32
  }
  func.func @transform_2(%arg0: i32) -> (i32, i32) {
    %c0_i32 = arith.constant 0 : i32
    %c0_i32_0 = arith.constant 0 : i32
    return %arg0, %c0_i32 : i32, i32
  }
  func.func @transform_3(%arg0: i32) -> i32 {
    %c0_i32 = arith.constant 0 : i32
    return %arg0 : i32
  }
  func.func @transform_4(%arg0: i32) -> (i32, i32) {
    %c0_i32 = arith.constant 0 : i32
    %c0_i32_0 = arith.constant 0 : i32
    return %c0_i32, %arg0 : i32, i32
  }
  func.func @transform_5(%arg0: i32) -> (i32, i32) {
    %c0_i32 = arith.constant 0 : i32
    %c0_i32_0 = arith.constant 0 : i32
    %c0_i32_1 = arith.constant 0 : i32
    return %c0_i32, %c0_i32_0 : i32, i32
  }
  func.func @transform_6(%arg0: i32) -> (i32, i32) {
    %c0_i32 = arith.constant 0 : i32
    %c0_i32_0 = arith.constant 0 : i32
    %c0_i32_1 = arith.constant 0 : i32
    return %c0_i32, %c0_i32_0 : i32, i32
  }
  func.func @transform_7(%arg0: i32) -> (i32, i32) {
    %c0_i32 = arith.constant 0 : i32
    %c0_i32_0 = arith.constant 0 : i32
    %c0_i32_1 = arith.constant 0 : i32
    return %c0_i32, %c0_i32_0 : i32, i32
  }
  func.func @transform_8(%arg0: i32) -> (i32, i32) {
    %c0_i32 = arith.constant 0 : i32
    %c0_i32_0 = arith.constant 0 : i32
    %c0_i32_1 = arith.constant 0 : i32
    return %c0_i32, %c0_i32_0 : i32, i32
  }
}

</mosaic_0001>

<sc_bundles>
// kernel: kernel.12.cloned.1.call-start
scs
__scs_entry_jumppad:
0x0: {  	(pc) =	sbr.rel $0x88, $3  }
0x1: {  	(tag) =	ssettag $0x0;
	lr =	simm.s32 $0x1  }
0x2: {  	[smem:$0x3F99] =	sst lr;
	_ =	strace $0xD0000000  }
0x3: {  	_ = 	snop  }
0x4: {  	_ = 	snop  }
0x5: {  	_ = 	snop  }
0x6: {  	_ = 	snop  }
0x7: {  	_ = 	snop  }
__scs_overlays_trampoline_lowered:
0x8: {  	[smem:$0x3FA8] =	sst s0  }
0x9: {  	[smem:$0x3FA9] =	sst s1  }
0xa: {  	[smem:$0x3FAA] =	sst s2  }
0xb: {  	[smem:$0x3FAB] =	sst s3  }
0xc: {  	[smem:$0x3FAC] =	sst s4  }
0xd: {  	[smem:$0x3FAD] =	sst s5  }
0xe: {  	[smem:$0x3FAE] =	sst s6  }
0xf: {  	[smem:$0x3FAF] =	sst s7  }
0x10: {  	[smem:$0x3FB0] =	sst s8  }
0x11: {  	[smem:$0x3FB1] =	sst s9;
	s0 =	simm.s32 @!p0 $0x0  }
0x12: {  	s1 =	sld [smem:$0x3F97];
	s0 =	simm.s32 @p0 $0x1  }
0x13: {  	[smem:$0x3FB2] =	sst s0;
	s0 =	simm.s32 @!p1 $0x0  }
0x14: {  	s2 =	sld [smem:$0x3F96];
	s0 =	simm.s32 @p1 $0x1  }
0x15: {  	[smem:$0x3FB3] =	sst s0;
	s0 =	simm.s32 @!p2 $0x0  }
0x16: {  	s3 =	sld [smem:$0x3FDB];
	s0 =	simm.s32 @p2 $0x1  }
0x17: {  	s4 =	simm.s32 $0x1BF5;
	[smem:$0x3FB5] =	sst s0  }
0x18: {  	s0 =	sld [smem:$0x3F98];
	_ =	swait.ge [sflag:s4], $0x0  }
0x19: {  	s7 =	sld [smem:$0x3F99]  }
0x1a: {  	s8 =	sadd.s32 $0xFFFFE003, lr  }
0x1b: {  	s9 =	sadd.s32 $0xFFFFFEF7, lr;
	s5 =	simm.s32 $0xFFFFFFFF;
	p2 =	slt.u32 s8, $0xFFFFF086  }
0x1c: {  	p1 =	slt.u32 s9, $0xF7A;
	s5 =	simm.s32 @!p2 $0x0  }
0x1d: {  	s5 =	simm.s32 @p1 $0x1;
	p0 =	seq.s32 s7, s2  }
0x1e: {  	s7 =	smul.u32 @!p0 $0xF7A, s2;
	p2 =	seq.s32 @!p0 s5, $0x0  }
0x1f: {  	s9 =	smul.u32 $0xF7A, s1;
	s8 =	simm.s32 @!p0 $0x1BF5;
	p2 =	por !p2, p0  }
0x20: {  	[sflag:s8] =	ssyncset.s32 @!p0 $0xFFFFF086;
	s6 =	sadd.s32 @!p0 s3, s7;
	s7 =	simm.s32 @!p0 $0x108  }
0x21: {  	s3 =	sadd.s32 s3, s9;
	s6 =	sadd.s32 @!p0 $0x88, s6;
	s7 =	simm.s32 @p2 $0x1082  }
0x22: {  	[simem:s7], [sflag:s8] =	dma.local @!p0 [hbm:s6], $0xF7A  }
0x23: {  	s9 =	sor.u32 $0xD0000000, s2;
	s6 =	simm.s32 $0x108;
	_ =	swait.ge @!p0 [sflag:s8], $0x0  }
0x24: {  	s3 =	sadd.s32 $0x88, s3;
	s6 =	simm.s32 @!p1 $0x1082;
	[sflag:s4] =	ssyncset.s32 $0xFFFFF086  }
0x25: {  	[simem:s6], [sflag:s4] =	dma.local [hbm:s3], $0xF7A  }
0x26: {  	[smem:$0x3F99] =	sst s1;
	(tag) =	ssettag s2;
	_ =	strace s9  }
0x27: {  	s1 =	sld [smem:$0x3FA9]  }
0x28: {  	s2 =	sld [smem:$0x3FAA]  }
0x29: {  	s4 =	sld [smem:$0x3FAC]  }
0x2a: {  	p0 =	seq.s32 s5, $0x0;
	s5 =	sld [smem:$0x3FAD]  }
0x2b: {  	s6 =	sld [smem:$0x3FAE]  }
0x2c: {  	s7 =	sld [smem:$0x3FAF]  }
0x2d: {  	s3 =	simm.s32 $0x108;
	s8 =	sld [smem:$0x3FB0]  }
0x2e: {  	s3 =	simm.s32 @!p0 $0x1082;
	s9 =	sld [smem:$0x3FB1]  }
0x2f: {  	lr =	sadd.s32 s0, s3;
	s0 =	sld [smem:$0x3FA8]  }
0x30: {  	s3 =	sld [smem:$0x3FAB]  }
0x31: {  	[smem:$0x3FB4] =	sst s10  }
0x32: {  	s10 =	sld [smem:$0x3FB2];
	_ =	sdelay $0x3  }
0x33: {  	p0 =	seq.s32 s10, $0x1;
	s10 =	sld [smem:$0x3FB4];
	_ =	sdelay $0x3  }
0x34: {  	[smem:$0x3FB4] =	sst s10  }
0x35: {  	s10 =	sld [smem:$0x3FB3];
	_ =	sdelay $0x3  }
0x36: {  	p1 =	seq.s32 s10, $0x1;
	s10 =	sld [smem:$0x3FB4];
	_ =	sdelay $0x3  }
0x37: {  	[smem:$0x3FB4] =	sst s10  }
0x38: {  	s10 =	sld [smem:$0x3FB5]  }
0x39: {  	_ = 	snop;
	(pc) =	sbr.ind lr, $3  }
0x3a: {  	_ = 	snop  }
0x3b: {  	_ = 	snop  }
0x3c: {  	p2 =	seq.s32 s10, $0x1;
	s10 =	sld [smem:$0x3FB4]  }
0x3d: {  	_ =	shalt  }
0x3e: {  	_ =	shalt  }
0x3f: {  	_ =	shalt  }
0x40: {  	_ =	shalt  }
0x41: {  	_ =	shalt  }
0x42: {  	_ =	shalt  }
0x43: {  	_ =	shalt  }
0x44: {  	_ =	shalt  }
0x45: {  	_ =	shalt  }
0x46: {  	_ =	shalt  }
0x47: {  	_ =	shalt  }
0x48: {  	_ =	shalt  }
0x49: {  	_ =	shalt  }
0x4a: {  	_ =	shalt  }
0x4b: {  	_ =	shalt  }
0x4c: {  	_ =	shalt  }
0x4d: {  	_ =	shalt  }
0x4e: {  	_ =	shalt  }
0x4f: {  	_ =	shalt  }
0x50: {  	_ =	shalt  }
0x51: {  	_ =	shalt  }
0x52: {  	_ =	shalt  }
0x53: {  	_ =	shalt  }
0x54: {  	_ =	shalt  }
0x55: {  	_ =	shalt  }
0x56: {  	_ =	shalt  }
0x57: {  	_ =	shalt  }
0x58: {  	_ =	shalt  }
0x59: {  	_ =	shalt  }
0x5a: {  	_ =	shalt  }
0x5b: {  	_ =	shalt  }
0x5c: {  	_ =	shalt  }
0x5d: {  	_ =	shalt  }
0x5e: {  	_ =	shalt  }
0x5f: {  	_ =	shalt  }
0x60: {  	_ =	shalt  }
0x61: {  	_ =	shalt  }
0x62: {  	_ =	shalt  }
0x63: {  	_ =	shalt  }
0x64: {  	_ =	shalt  }
0x65: {  	_ =	shalt  }
0x66: {  	_ =	shalt  }
0x67: {  	_ =	shalt  }
0x68: {  	_ =	shalt  }
0x69: {  	_ =	shalt  }
0x6a: {  	_ =	shalt  }
0x6b: {  	_ =	shalt  }
0x6c: {  	_ =	shalt  }
0x6d: {  	_ =	shalt  }
0x6e: {  	_ =	shalt  }
0x6f: {  	_ =	shalt  }
0x70: {  	_ =	shalt  }
0x71: {  	_ =	shalt  }
0x72: {  	_ =	shalt  }
0x73: {  	_ =	shalt  }
0x74: {  	_ =	shalt  }
0x75: {  	_ =	shalt  }
0x76: {  	_ =	shalt  }
0x77: {  	_ =	shalt  }
0x78: {  	_ =	shalt  }
0x79: {  	_ =	shalt  }
0x7a: {  	_ =	shalt  }
0x7b: {  	_ =	shalt  }
0x7c: {  	_ =	shalt  }
0x7d: {  	_ =	shalt  }
0x7e: {  	_ =	shalt  }
0x7f: {  	_ =	shalt  }
0x80: {  	_ =	shalt  }
0x81: {  	_ =	shalt  }
0x82: {  	_ =	shalt  }
0x83: {  	_ =	shalt  }
0x84: {  	_ =	shalt  }
0x85: {  	_ =	shalt  }
0x86: {  	_ =	shalt  }
0x87: {  	_ =	shalt  }
.Lfunc_end0:
.L_simem_size_0:
called_computation.1_lowered:
.L_overlay_start_0:
0x88: {  	s2 =	sld [smem:$0x3FD9]  }
0x89: {  	s3 =	sld [smem:$0x3FFE];
	_ =	sdelay $0x1  }
0x8a: {  	s1 =	srdreg.scid  }
0x8b: {  	s0 =	sand.u32 $0x1, s1  }
0x8c: {  	s17 =	sshll.u32 s0, $0xA;
	s2 =	sadd.s32 s3, s2  }
0x8d: {  	s2 =	sadd.s32 s2, s17  }
0x8e: {  	[smem:$0x3FC0] =	sst s2  }
0x8f: {  	_ = 	snop  }
0x90: {  	(tm) =	ssettm $0x1  }
0x91: {  	s18 =	sld [smem:$0x3FFB];
	_ =	sdelay $0x3  }
0x92: {  	_ =	strace s18  }
0x93: {  	s2 =	sld [smem:$0x3FFC];
	_ =	sdelay $0x3  }
0x94: {  	_ =	strace s2  }
0x95: {  	s2 =	sld [smem:$0x3FFD];
	_ =	sdelay $0x3  }
0x96: {  	_ =	strace s2  }
0x97: {  	_ =	strace $0x8FFFFFFF  }
0x98: {  	s19 =	sld [smem:$0x3FDB];
	_ =	sdelay $0x1  }
0x99: {  	s20 =	simm.s32 $_scs_section_size  }
0x9a: {  	s4 =	simm.s32 $_size__tile_overlayer_lowered;
	s5 =	simm.s32 $_tile_overlayer_lowered  }
0x9b: {  	s6 =	simm.s32 $0x1BFF;
	s21 =	sshll.u32 s5, $0x1;
	s3 =	sadd.s32 s20, s19  }
0x9c: {  	s22 =	simm.s32 $0x0;
	s4 =	sshll.u32 s4, $0x1;
	s5 =	sadd.s32 s21, s3  }
0x9d: {  	[timem:s22], [sflag:s6] =	dma.local [hbm:s5], s4  }
0x9e: {  	_ =	swait.ge [sflag:s6], s4  }
0x9f: {  	s4 =	ssub.s32 $0x0, s4;
	[sflag:s6] =	ssyncset.done $0x0  }
0xa0: {  	[sflag:s6] =	ssyncadd.s32 s4;
	_ =	sdelay $0x1  }
0xa1: {  	s23 =	simm.s32 $0x1B8B  }
0xa2: {  	_ =	swait.ge [sflag:s23], $0x1  }
0xa3: {  	[sflag:s23] =	ssyncset.done $0x0  }
0xa4: {  	[sflag:s23] =	ssyncadd.s32 $0xFFFFFFFF  }
0xa5: {  	s4 =	sld [smem:$0x0]  }
0xa6: {  	s5 =	sand.u32 $0xFFFFFFFE, s1  }
0xa7: {  	p0 =	sne.s32 s1, s5  }
0xa8: {  	s5 =	sshll.u32 @p0 s5, $0xE  }
0xa9: {  	s5 =	sadd.s32 @p0 $0x11B8D, s5;
	s6 =	sshll.u32 @p0 s4, $0x11  }
0xaa: {  	s5 =	sor.u32 @p0 s6, s5  }
0xab: {  	[sflag:s5] =	ssyncadd.remote.s32 @p0 $0x1;
	_ =	sdelay $0x1  }
0xac: {  	s5 =	simm.s32 @p0 $0x1B8D  }
0xad: {  	_ =	swait.eq @p0 [sflag:s5], $0x1  }
0xae: {  	[sflag:s5] =	ssyncadd.s32 @p0 $0xFFFFFFFF  }
0xaf: {  	s6 =	sshll.u32 @!p0 s1, $0xE  }
0xb0: {  	s6 =	sor.u32 @!p0 $0x4000, s6;
	s5 =	simm.s32 @!p0 $0x1B8D  }
0xb1: {  	s4 =	sshll.u32 @!p0 s4, $0x11;
	s6 =	sadd.s32 @!p0 $0x11B8D, s6;
	_ =	swait.eq @!p0 [sflag:s5], $0x1  }
0xb2: {  	s4 =	sor.u32 @!p0 s4, s6;
	[sflag:s5] =	ssyncadd.s32 @!p0 $0xFFFFFFFF  }
0xb3: {  	s25 =	simm.s32 $0x1B8E;
	s24 =	sld [smem:$0x3FFE];
	[sflag:s4] =	ssyncadd.remote.s32 @!p0 $0x1  }
0xb4: {  	s26 =	simm.s32 $execute0_lowered;
	[smem:$0x3FD2] =	sst s25  }
0xb5: {  	s5 =	sshll.u32 s26, $0x1;
	_ =	strace $0x8000004C;
	[dreg:$0x1] =	wrdreg $0xFFFFFFFF  }
0xb6: {  	s28 =	simm.s32 $_size_execute0_lowered;
	s3 =	sadd.s32 s3, s5;
	[dreg:$0x0] =	wrdreg $0x0  }
0xb7: {  	s5 =	sshll.u32 s28, $0x1;
	[dreg:$0x2] =	wrdreg s3  }
0xb8: {  	[dreg:$0x3] =	wrdreg s5  }
0xb9: {  	[dreg:$0x4] =	wrdreg $0xC0  }
0xba: {  	_ =	task [dreg:s22], $0x5FFFF  }
0xbb: {  	[dreg:$0x1] =	wrdreg $0xFFFFFFFF  }
0xbc: {  	[dreg:$0x0] =	wrdreg $0x60  }
0xbd: {  	[dreg:$0x2] =	wrdreg s24  }
0xbe: {  	[dreg:$0x3] =	wrdreg $0x78A00  }
0xbf: {  	[dreg:$0x4] =	wrdreg $0x9  }
0xc0: {  	_ =	task.clear_ibuf [dreg:s22], $0x5FFFF;
	_ =	strace $0x9000004C  }
0xc1: {  	s29 =	simm.s32 $0x9;
	_ =	strace $0x8000004E  }
0xc2: {  	_ =	swait.ge [sflag:s29], $0x1  }
0xc3: {  	[sflag:s29] =	ssyncadd.s32 $0xFFFFFFFF  }
0xc4: {  	_ =	strace $0x9000004E  }
0xc5: {  	_ =	sfence  }
0xc6: {  	s30 =	sld [smem:$0x0];
	_ =	sdelay $0x2  }
0xc7: {  	s31 =	sshll.u32 s1, $0xD;
	s1 =	sshrl.u32 s1, $0x2  }
0xc8: {  	s4 =	sand.u32 $0x4000, s31;
	s1 =	sadd.s32 s1, s30  }
0xc9: {  	s0 =	sor.u32 s4, s0;
	s1 =	sshll.u32 s1, $0x11  }
0xca: {  	s0 =	sor.u32 s1, s0  }
0xcb: {  	s0 =	sadd.s32 $0x8F2B, s0  }
0xcc: {  	[sflag:s0] =	ssyncadd.remote.s32 $0x1  }
0xcd: {  	_ =	sfence.sel $0xFFFF  }
0xce: {  	[dreg:$0x0] =	wrdreg $0xFFFFFFFF;
	(pc) =	sbr.abs _section_cstart, $3  }
0xcf: {  	[dreg:$0x1] =	wrdreg $0xFFFFFFFF  }
0xd0: {  	_ =	task.clear_ibuf [dreg:s22], $0x2FFFF;
	_ =	strace $0x9FFFFFFF  }
0xd1: {  	(tm) =	ssettm $0x7FFFFFFF  }
tec
execute0_lowered:
.L_overlay_start_1:
0x0: {  	(tag) =	ssettag $0x1  }
0x1: {  	s5 =	rddreg [dreg:$0x0]  }
0x2: {  	s0 =	srdreg.scid;
	s7 =	rddreg [dreg:$0x1]  }
0x3: {  	s2 =	simm.s32 $0x0;
	s12 =	simm.s32 $0x6450;
	s13 =	simm.s32 $0x2800  }
0x4: {  	s14 =	simm.s32 $0x280;
	s4 =	sand.u32 $0x1, s0;
	s0 =	stileid.u32  }
0x5: {  	s15 =	simm.s32 $0xA0A0;
	s16 =	simm.s32 $0xC8A0;
	s8 =	smul.u32 $0x280, s0  }
0x6: {  	s17 =	simm.s32 $0x0;
	s1 =	sshll.u32 s4, $0x4;
	s9 =	smul.u32 $0x2800, s4  }
0x7: {  	[smem:$0x7FF] =	sst s2;
	s11 =	smul.u32 $0xA000, s0;
	s1 =	sor.u32 s0, s1  }
0x8: {  	s3 =	sadd.s32 $0xC400, s5;
	s4 =	ssub.s32 $0x2, s4;
	s6 =	smul.u32 $0x1450, s1  }
0x9: {  	s10 =	sshrl.u32 s4, $0x1;
	s1 =	rddreg [dreg:$0x2];
	_ =	strace $0x8000004D  }
0xa: {  	s9 =	sadd.s32 s8, s9;
	s10 =	ssub.s32 s4, s10;
	s6 =	sshrl.u32 s6, $0x3  }
0xb: {  	s31 =	sshrl.u32 s11, $0x2;
	s9 =	sshrl.u32 s9, $0x3;
	s6 =	sadd.s32 s6, s5  }
0xc: {  	s11 =	simm.s32 $0x1;
	s9 =	sadd.s32 s9, s5;
	s4 =	sadd.s32 $0x2000, s6  }
0xd: {  	s5 =	sadd.s32 $0x7140, s6;
	s6 =	sadd.s32 s31, s7;
	s7 =	sadd.s32 s8, s7  }
0xe: {  	v0 =	vimm.f32 $0.0e+00;
	vm0 =	vcmask $0x3F30;
	s8 =	sadd.s32 $0x75A00, s9;
	s9 =	smax.u32 s10, $0x1;
	s10 =	simm.s32 $0x5000  }
.LBB2_1:
0xf: {  	[tilespmem:s10], [sflag:$0x1] =	stream.linear.gather [hbm4b:s4+s2], $0x1450, $0x38;
	[tilespmem:$0xCB20] =	vst v63  }
0x10: {  	_ =	swait.ge [sflag:s11], $0x1450  }
0x11: {  	[sflag:s11] =	ssyncset.done $0x0  }
0x12: {  	[sflag:s11] =	ssyncadd.s32 $0xFFFFEBB0  }
0x13: {  	[tilespmem:s12], [sflag:$0x1] =	stream.linear.gather [hbm4b:s5+s2], $0x1450, $0x38;
	[tilespmem:$0xCB20] =	vst v63  }
0x14: {  	_ =	swait.ge [sflag:s11], $0x1450  }
0x15: {  	[sflag:s11] =	ssyncset.done $0x0  }
0x16: {  	[sflag:s11] =	ssyncadd.s32 $0xFFFFEBB0  }
0x17: {  	[tilespmem:s2], [sflag:$0x1] =	stream.linear.gather [hbm4b:s3+s2], $0x2800, $0x38;
	[tilespmem:$0xCB20] =	vst v63  }
0x18: {  	_ =	swait.ge [sflag:s11], $0x2800  }
0x19: {  	[sflag:s11] =	ssyncset.done $0x0  }
0x1a: {  	s18 =	simm.s32 $0x0;
	[sflag:s11] =	ssyncadd.s32 $0xFFFFD800  }
.LBB2_2:
0x1b: {  	p0 =	sne.s32 s18, $0x9FC0  }
.Ltmp0:
0x1c: {  	_ = 	snop;
	(pc) =	sbr.rel @p0 .LBB2_2-.Ltmp0, $3  }
0x1d: {  	_ =	sdelay $0x1  }
0x1e: {  	s19 =	sshra.s32 s18, $0x2  }
0x1f: {  	s18 =	sadd.s32 $0x40, s18;
	[tilespmem:s19+$0x2800] =	vst v0  }
0x20: {  	s18 =	simm.s32 $0x0  }
.LBB2_4:
0x21: {  	s19 =	sshra.s32 s18, $0x2  }
0x22: {  	v1 =	vld [tilespmem:s19+$0x6450];
	_ =	sdelay $0x4  }
0x23: {  	v2 =	vld [tilespmem:s19+$0x5000];
	_ =	sdelay $0x2  }
0x24: {  	v1 =	vld.idx.msk [tilespmem:v1+s2+$0x0], $0xffff;
	_ =	sdelay $0x4  }
0x25: {  	[tilespmem:v2+s13+$0x0] =	vst.idx.add.f32.msk $0xffff, v1  }
0x26: {  	v1 =	vld [tilespmem:s19+$0x6460];
	_ =	sdelay $0x4  }
0x27: {  	v2 =	vld [tilespmem:s19+$0x5010];
	_ =	sdelay $0x2  }
0x28: {  	v1 =	vld.idx.msk [tilespmem:v1+s2+$0x0], $0xffff;
	_ =	sdelay $0x4  }
0x29: {  	[tilespmem:v2+s13+$0x0] =	vst.idx.add.f32.msk $0xffff, v1  }
0x2a: {  	v1 =	vld [tilespmem:s19+$0x6470];
	_ =	sdelay $0x4  }
0x2b: {  	v2 =	vld [tilespmem:s19+$0x5020];
	_ =	sdelay $0x2  }
0x2c: {  	v1 =	vld.idx.msk [tilespmem:v1+s2+$0x0], $0xffff;
	_ =	sdelay $0x4  }
0x2d: {  	[tilespmem:v2+s13+$0x0] =	vst.idx.add.f32.msk $0xffff, v1  }
0x2e: {  	v1 =	vld [tilespmem:s19+$0x6480];
	_ =	sdelay $0x4  }
0x2f: {  	v2 =	vld [tilespmem:s19+$0x5030];
	_ =	sdelay $0x2  }
0x30: {  	v1 =	vld.idx.msk [tilespmem:v1+s2+$0x0], $0xffff;
	_ =	sdelay $0x4  }
0x31: {  	[tilespmem:v2+s13+$0x0] =	vst.idx.add.f32.msk $0xffff, v1  }
0x32: {  	v1 =	vld [tilespmem:s19+$0x6490];
	_ =	sdelay $0x4  }
0x33: {  	v2 =	vld [tilespmem:s19+$0x5040];
	_ =	sdelay $0x2  }
0x34: {  	v1 =	vld.idx.msk [tilespmem:v1+s2+$0x0], $0xffff;
	_ =	sdelay $0x4  }
0x35: {  	[tilespmem:v2+s13+$0x0] =	vst.idx.add.f32.msk $0xffff, v1  }
0x36: {  	v1 =	vld [tilespmem:s19+$0x64A0];
	_ =	sdelay $0x4  }
0x37: {  	v2 =	vld [tilespmem:s19+$0x5050];
	_ =	sdelay $0x2  }
0x38: {  	v1 =	vld.idx.msk [tilespmem:v1+s2+$0x0], $0xffff;
	_ =	sdelay $0x4  }
0x39: {  	[tilespmem:v2+s13+$0x0] =	vst.idx.add.f32.msk $0xffff, v1  }
0x3a: {  	v1 =	vld [tilespmem:s19+$0x64A4];
	_ =	sdelay $0x4  }
0x3b: {  	v2 =	vld [tilespmem:s19+$0x5054];
	_ =	sdelay $0x2  }
0x3c: {  	p0 =	sne.s32 s18, $0x4FA0;
	v1 =	vld.idx.msk [tilespmem:v1+s2+$0x0], vm0  }
.Ltmp1:
0x3d: {  	_ = 	snop;
	(pc) =	sbr.rel @p0 .LBB2_4-.Ltmp1, $2  }
0x3e: {  	_ =	sdelay $0x2  }
0x3f: {  	s18 =	sadd.s32 $0x1A0, s18;
	[tilespmem:v2+s13+$0x0] =	vst.idx.add.f32.msk vm0, v1  }
0x40: {  	[spmem:s6] =	stream.linear.scatter [tilespmem:s13], [sflag:$0x1], $0x2800, $0x38;
	[tilespmem:$0xCB20] =	vst v63  }
0x41: {  	_ =	swait.ge [sflag:s11], $0x2800  }
0x42: {  	[sflag:s11] =	ssyncset.done $0x0  }
0x43: {  	[sflag:s11] =	ssyncadd.s32 $0xFFFFD800  }
0x44: {  	[bflag:$0x0] =	sbarrier.arrive $0xFFFF  }
0x45: {  	[tilespmem:s15], [sflag:$0x1] =	stream.strided.gather [spmem:s7], $0x2800, s13, s14, $0x38;
	[tilespmem:$0xCB20] =	vst v63  }
0x46: {  	_ =	swait.ge [sflag:s11], $0x2800  }
0x47: {  	[sflag:s11] =	ssyncset.done $0x0  }
0x48: {  	s19 =	simm.s32 $0x0;
	[sflag:s11] =	ssyncadd.s32 $0xFFFFD800  }
0x49: {  	v1 =	vld [tilespmem:s19+$0xA0A0]  }
0x4a: {  	v2 =	vld [tilespmem:s19+$0xA320];
	_ =	sdelay $0x1  }
0x4b: {  	v3 =	vld [tilespmem:s19+$0xA5A0];
	_ =	sdelay $0x1  }
0x4c: {  	v4 =	vld [tilespmem:s19+$0xA820]  }
0x4d: {  	v1 =	vadd.f32 v2, v1  }
0x4e: {  	v2 =	vld [tilespmem:s19+$0xAAA0]  }
0x4f: {  	v1 =	vadd.f32 v3, v1  }
0x50: {  	v3 =	vld [tilespmem:s19+$0xAD20]  }
0x51: {  	v1 =	vadd.f32 v4, v1  }
0x52: {  	v4 =	vld [tilespmem:s19+$0xAFA0]  }
0x53: {  	v1 =	vadd.f32 v2, v1  }
0x54: {  	v2 =	vld [tilespmem:s19+$0xB220]  }
0x55: {  	s18 =	simm.s32 $0x10;
	v5 =	vld [tilespmem:s19+$0xB4A0];
	v1 =	vadd.f32 v3, v1  }
0x56: {  	v6 =	vld [tilespmem:s18+$0xA0A0]  }
0x57: {  	v3 =	vld [tilespmem:s19+$0xB720];
	v1 =	vadd.f32 v4, v1  }
0x58: {  	v4 =	vld [tilespmem:s18+$0xA320]  }
0x59: {  	v7 =	vld [tilespmem:s18+$0xA5A0];
	v1 =	vadd.f32 v2, v1  }
0x5a: {  	v2 =	vld [tilespmem:s19+$0xB9A0]  }
0x5b: {  	v8 =	vld [tilespmem:s18+$0xA820];
	v1 =	vadd.f32 v5, v1  }
0x5c: {  	v5 =	vld [tilespmem:s19+$0xBC20]  }
0x5d: {  	v4 =	vadd.f32 v4, v6;
	v6 =	vld [tilespmem:s18+$0xAAA0];
	v1 =	vadd.f32 v3, v1  }
0x5e: {  	v3 =	vld [tilespmem:s19+$0xBEA0]  }
0x5f: {  	v4 =	vadd.f32 v7, v4;
	v7 =	vld [tilespmem:s18+$0xAD20];
	v1 =	vadd.f32 v2, v1  }
0x60: {  	v2 =	vld [tilespmem:s19+$0xC120]  }
0x61: {  	v9 =	vld [tilespmem:s18+$0xAFA0];
	v4 =	vadd.f32 v8, v4;
	v1 =	vadd.f32 v5, v1  }
0x62: {  	v8 =	vld [tilespmem:s19+$0xC3A0]  }
0x63: {  	v5 =	vadd.f32 v6, v4;
	v4 =	vld [tilespmem:s18+$0xB220];
	v6 =	vadd.f32 v3, v1  }
0x64: {  	v3 =	vld [tilespmem:s19+$0xC620]  }
0x65: {  	v1 =	vld [tilespmem:s18+$0xB720];
	v7 =	vadd.f32 v7, v5;
	v10 =	vadd.f32 v2, v6  }
0x66: {  	s20 =	simm.s32 $0x20;
	v5 =	vld [tilespmem:s18+$0xB4A0]  }
0x67: {  	s21 =	simm.s32 $0xC0;
	v2 =	vld [tilespmem:s20+$0xA0A0];
	v6 =	vadd.f32 v9, v7;
	v7 =	vadd.f32 v8, v10  }
.LBB2_6:
0x68: {  	p0 =	sne.s32 s21, $0x9C0;
	v8 =	vld [tilespmem:s20+$0xA320]  }
0x69: {  	v4 =	vadd.f32 v4, v6;
	v6 =	vld [tilespmem:s18+$0xB9A0];
	v3 =	vadd.f32 v3, v7  }
0x6a: {  	v7 =	vld [tilespmem:s20+$0xA5A0]  }
0x6b: {  	v4 =	vadd.f32 v5, v4;
	v5 =	vld [tilespmem:s18+$0xBC20];
	[tilespmem:s19+$0xC8A0] =	vst v3;
	s19 =	smov.u32 s18;
	s18 =	smov.u32 s20  }
0x6c: {  	v3 =	vld [tilespmem:s18+$0xA820]  }
0x6d: {  	v2 =	vadd.f32 v8, v2;
	v1 =	vadd.f32 v1, v4;
	v4 =	vld [tilespmem:s19+$0xBEA0]  }
0x6e: {  	v8 =	vld [tilespmem:s18+$0xAAA0]  }
0x6f: {  	v2 =	vadd.f32 v7, v2;
	v1 =	vadd.f32 v6, v1;
	v6 =	vld [tilespmem:s19+$0xC120]  }
0x70: {  	v7 =	vld [tilespmem:s18+$0xAD20]  }
0x71: {  	v2 =	vadd.f32 v3, v2;
	v1 =	vadd.f32 v5, v1;
	v9 =	vld [tilespmem:s19+$0xC3A0]  }
0x72: {  	v10 =	vld [tilespmem:s18+$0xAFA0]  }
.Ltmp2:
0x73: {  	v2 =	vadd.f32 v8, v2;
	v5 =	vadd.f32 v4, v1;
	v3 =	vld [tilespmem:s19+$0xC620];
	(pc) =	sbr.rel @p0 .LBB2_6-.Ltmp2, $4  }
0x74: {  	v4 =	vld [tilespmem:s18+$0xB220]  }
0x75: {  	v7 =	vadd.f32 v7, v2;
	v1 =	vld [tilespmem:s18+$0xB720];
	v8 =	vadd.f32 v6, v5  }
0x76: {  	s20 =	sshra.s32 s21, $0x2;
	v5 =	vld [tilespmem:s18+$0xB4A0]  }
0x77: {  	s21 =	sadd.s32 $0x40, s21;
	v2 =	vld [tilespmem:s20+$0xA0A0];
	v6 =	vadd.f32 v10, v7;
	v7 =	vadd.f32 v9, v8  }
0x78: {  	v8 =	vld [tilespmem:s20+$0xA320]  }
0x79: {  	v9 =	vld [tilespmem:s18+$0xB9A0];
	v3 =	vadd.f32 v3, v7  }
0x7a: {  	v52 =	vld [tilespmem:s20+$0xA5A0]  }
0x7b: {  	v10 =	vld [tilespmem:s18+$0xBC20];
	v4 =	vadd.f32 v4, v6;
	[tilespmem:s19+$0xC8A0] =	vst v3  }
0x7c: {  	v3 =	vld [tilespmem:s20+$0xA820]  }
0x7d: {  	v4 =	vadd.f32 v5, v4;
	v2 =	vadd.f32 v8, v2  }
0x7e: {  	v53 =	vld [tilespmem:s20+$0xAAA0]  }
0x7f: {  	v54 =	vld [tilespmem:s18+$0xBEA0];
	v1 =	vadd.f32 v1, v4;
	v2 =	vadd.f32 v52, v2  }
0x80: {  	v55 =	vld [tilespmem:s20+$0xAD20]  }
0x81: {  	v56 =	vld [tilespmem:s18+$0xC120];
	v1 =	vadd.f32 v9, v1;
	v2 =	vadd.f32 v3, v2  }
0x82: {  	v3 =	vld [tilespmem:s20+$0xAFA0]  }
0x83: {  	v57 =	vld [tilespmem:s18+$0xC3A0];
	v1 =	vadd.f32 v10, v1;
	v2 =	vadd.f32 v53, v2  }
0x84: {  	v58 =	vld [tilespmem:s20+$0xB220]  }
0x85: {  	v59 =	vld [tilespmem:s18+$0xC620];
	v1 =	vadd.f32 v54, v1;
	v2 =	vadd.f32 v55, v2  }
0x86: {  	v60 =	vld [tilespmem:s20+$0xB4A0]  }
0x87: {  	v1 =	vadd.f32 v56, v1;
	v2 =	vadd.f32 v3, v2  }
0x88: {  	v3 =	vld [tilespmem:s20+$0xB720]  }
0x89: {  	v1 =	vadd.f32 v57, v1;
	v2 =	vadd.f32 v58, v2  }
0x8a: {  	v61 =	vld [tilespmem:s20+$0xB9A0]  }
0x8b: {  	v1 =	vadd.f32 v59, v1;
	v2 =	vadd.f32 v60, v2  }
0x8c: {  	v62 =	vld [tilespmem:s20+$0xBC20]  }
0x8d: {  	[tilespmem:s18+$0xC8A0] =	vst v1;
	v1 =	vadd.f32 v3, v2  }
0x8e: {  	v2 =	vld [tilespmem:s20+$0xBEA0]  }
0x8f: {  	v1 =	vadd.f32 v61, v1  }
0x90: {  	v3 =	vld [tilespmem:s20+$0xC120]  }
0x91: {  	v1 =	vadd.f32 v62, v1  }
0x92: {  	v63 =	vld [tilespmem:s20+$0xC3A0]  }
0x93: {  	v1 =	vadd.f32 v2, v1  }
0x94: {  	v2 =	vld [tilespmem:s20+$0xC620]  }
0x95: {  	v1 =	vadd.f32 v3, v1;
	_ =	sdelay $0x1  }
0x96: {  	v1 =	vadd.f32 v63, v1;
	_ =	sdelay $0x1  }
0x97: {  	s17 =	sadd.s32 $0x1, s17;
	v1 =	vadd.f32 v2, v1  }
0x98: {  	p0 =	sne.s32 s17, s9  }
.Ltmp3:
0x99: {  	[tilespmem:s20+$0xC8A0] =	vst v1;
	(pc) =	sbr.rel @p0 .LBB2_1-.Ltmp3, $4  }
0x9a: {  	[hbm4b:s8+s2] =	stream.linear.scatter [tilespmem:s16], [sflag:$0x1], $0x280, $0x38;
	[tilespmem:$0xCB20] =	vst v63  }
0x9b: {  	_ =	swait.ge [sflag:s11], $0x280  }
0x9c: {  	[sflag:s11] =	ssyncset.done $0x0  }
0x9d: {  	[sflag:s11] =	ssyncadd.s32 $0xFFFFFD80  }
0x9e: {  	_ =	sfence.sel $0x180000  }
0x9f: {  	[bflag:$0x0] =	sbarrier.arrive $0xFFFF  }
0xa0: {  	p0 =	sne.s32 s0, $0x0;
	_ =	strace $0x9000004D  }
0xa1: {  	s0 =	sadd.s32 @!p0 $0x100000, s1;
	[bflag:$0x2] =	sbarrier.arrive $0xFFFF  }
0xa2: {  	[sflag:s0] =	ssyncadd.tile.s32 @!p0 $0x1;
	_ =	shalt  }
.Lfunc_end2:
_tile_overlayer_lowered:
.L_overlay_start_2:
0xa3: {  	(tag) =	ssettag $0x2  }
0xa4: {  	s0 =	rddreg [dreg:$0x0];
	s2 =	stileid.u32  }
0xa5: {  	s1 =	rddreg [dreg:$0x1];
	p0 =	sne.s32 s2, $0x0  }
0xa6: {  	s3 =	rddreg [dreg:$0x2];
	[bflag:$0x3] =	sbarrier.arrive $0xFFFF;
	s2 =	simm.s32 @!p0 $0x1C01  }
0xa7: {  	[timem:s3], [sflag:s2] =	dma.local @!p0 [hbm:s0], s1  }
0xa8: {  	s0 =	simm.s32 @!p0 $0x1  }
0xa9: {  	_ =	swait.ge @!p0 [sflag:s0], s1  }
0xaa: {  	s1 =	ssub.s32 @!p0 $0x0, s1;
	[sflag:s0] =	ssyncset.done @!p0 $0x0  }
0xab: {  	[sflag:s0] =	ssyncadd.s32 @!p0 s1  }
0xac: {  	[bflag:$0x3] =	sbarrier.arrive $0xFFFF  }
0xad: {  	_ =	shalt  }

// kernel: kernel.15.cloned.1.call-start
scs
__scs_entry_jumppad:
0x0: {  	(pc) =	sbr.rel $0x88, $3  }
0x1: {  	(tag) =	ssettag $0x0;
	lr =	simm.s32 $0x1  }
0x2: {  	[smem:$0x3F99] =	sst lr;
	_ =	strace $0xD0000000  }
0x3: {  	_ = 	snop  }
0x4: {  	_ = 	snop  }
0x5: {  	_ = 	snop  }
0x6: {  	_ = 	snop  }
0x7: {  	_ = 	snop  }
__scs_overlays_trampoline_lowered:
0x8: {  	[smem:$0x3FA8] =	sst s0  }
0x9: {  	[smem:$0x3FA9] =	sst s1  }
0xa: {  	[smem:$0x3FAA] =	sst s2  }
0xb: {  	[smem:$0x3FAB] =	sst s3  }
0xc: {  	[smem:$0x3FAC] =	sst s4  }
0xd: {  	[smem:$0x3FAD] =	sst s5  }
0xe: {  	[smem:$0x3FAE] =	sst s6  }
0xf: {  	[smem:$0x3FAF] =	sst s7  }
0x10: {  	[smem:$0x3FB0] =	sst s8  }
0x11: {  	[smem:$0x3FB1] =	sst s9;
	s0 =	simm.s32 @!p0 $0x0  }
0x12: {  	s1 =	sld [smem:$0x3F97];
	s0 =	simm.s32 @p0 $0x1  }
0x13: {  	[smem:$0x3FB2] =	sst s0;
	s0 =	simm.s32 @!p1 $0x0  }
0x14: {  	s2 =	sld [smem:$0x3F96];
	s0 =	simm.s32 @p1 $0x1  }
0x15: {  	[smem:$0x3FB3] =	sst s0;
	s0 =	simm.s32 @!p2 $0x0  }
0x16: {  	s3 =	sld [smem:$0x3FDB];
	s0 =	simm.s32 @p2 $0x1  }
0x17: {  	s4 =	simm.s32 $0x1BF5;
	[smem:$0x3FB5] =	sst s0  }
0x18: {  	s0 =	sld [smem:$0x3F98];
	_ =	swait.ge [sflag:s4], $0x0  }
0x19: {  	s7 =	sld [smem:$0x3F99]  }
0x1a: {  	s8 =	sadd.s32 $0xFFFFE003, lr  }
0x1b: {  	s9 =	sadd.s32 $0xFFFFFEF7, lr;
	s5 =	simm.s32 $0xFFFFFFFF;
	p2 =	slt.u32 s8, $0xFFFFF086  }
0x1c: {  	p1 =	slt.u32 s9, $0xF7A;
	s5 =	simm.s32 @!p2 $0x0  }
0x1d: {  	s5 =	simm.s32 @p1 $0x1;
	p0 =	seq.s32 s7, s2  }
0x1e: {  	s7 =	smul.u32 @!p0 $0xF7A, s2;
	p2 =	seq.s32 @!p0 s5, $0x0  }
0x1f: {  	s9 =	smul.u32 $0xF7A, s1;
	s8 =	simm.s32 @!p0 $0x1BF5;
	p2 =	por !p2, p0  }
0x20: {  	[sflag:s8] =	ssyncset.s32 @!p0 $0xFFFFF086;
	s6 =	sadd.s32 @!p0 s3, s7;
	s7 =	simm.s32 @!p0 $0x108  }
0x21: {  	s3 =	sadd.s32 s3, s9;
	s6 =	sadd.s32 @!p0 $0x88, s6;
	s7 =	simm.s32 @p2 $0x1082  }
0x22: {  	[simem:s7], [sflag:s8] =	dma.local @!p0 [hbm:s6], $0xF7A  }
0x23: {  	s9 =	sor.u32 $0xD0000000, s2;
	s6 =	simm.s32 $0x108;
	_ =	swait.ge @!p0 [sflag:s8], $0x0  }
0x24: {  	s3 =	sadd.s32 $0x88, s3;
	s6 =	simm.s32 @!p1 $0x1082;
	[sflag:s4] =	ssyncset.s32 $0xFFFFF086  }
0x25: {  	[simem:s6], [sflag:s4] =	dma.local [hbm:s3], $0xF7A  }
0x26: {  	[smem:$0x3F99] =	sst s1;
	(tag) =	ssettag s2;
	_ =	strace s9  }
0x27: {  	s1 =	sld [smem:$0x3FA9]  }
0x28: {  	s2 =	sld [smem:$0x3FAA]  }
0x29: {  	s4 =	sld [smem:$0x3FAC]  }
0x2a: {  	p0 =	seq.s32 s5, $0x0;
	s5 =	sld [smem:$0x3FAD]  }
0x2b: {  	s6 =	sld [smem:$0x3FAE]  }
0x2c: {  	s7 =	sld [smem:$0x3FAF]  }
0x2d: {  	s3 =	simm.s32 $0x108;
	s8 =	sld [smem:$0x3FB0]  }
0x2e: {  	s3 =	simm.s32 @!p0 $0x1082;
	s9 =	sld [smem:$0x3FB1]  }
0x2f: {  	lr =	sadd.s32 s0, s3;
	s0 =	sld [smem:$0x3FA8]  }
0x30: {  	s3 =	sld [smem:$0x3FAB]  }
0x31: {  	[smem:$0x3FB4] =	sst s10  }
0x32: {  	s10 =	sld [smem:$0x3FB2];
	_ =	sdelay $0x3  }
0x33: {  	p0 =	seq.s32 s10, $0x1;
	s10 =	sld [smem:$0x3FB4];
	_ =	sdelay $0x3  }
0x34: {  	[smem:$0x3FB4] =	sst s10  }
0x35: {  	s10 =	sld [smem:$0x3FB3];
	_ =	sdelay $0x3  }
0x36: {  	p1 =	seq.s32 s10, $0x1;
	s10 =	sld [smem:$0x3FB4];
	_ =	sdelay $0x3  }
0x37: {  	[smem:$0x3FB4] =	sst s10  }
0x38: {  	s10 =	sld [smem:$0x3FB5]  }
0x39: {  	_ = 	snop;
	(pc) =	sbr.ind lr, $3  }
0x3a: {  	_ = 	snop  }
0x3b: {  	_ = 	snop  }
0x3c: {  	p2 =	seq.s32 s10, $0x1;
	s10 =	sld [smem:$0x3FB4]  }
0x3d: {  	_ =	shalt  }
0x3e: {  	_ =	shalt  }
0x3f: {  	_ =	shalt  }
0x40: {  	_ =	shalt  }
0x41: {  	_ =	shalt  }
0x42: {  	_ =	shalt  }
0x43: {  	_ =	shalt  }
0x44: {  	_ =	shalt  }
0x45: {  	_ =	shalt  }
0x46: {  	_ =	shalt  }
0x47: {  	_ =	shalt  }
0x48: {  	_ =	shalt  }
0x49: {  	_ =	shalt  }
0x4a: {  	_ =	shalt  }
0x4b: {  	_ =	shalt  }
0x4c: {  	_ =	shalt  }
0x4d: {  	_ =	shalt  }
0x4e: {  	_ =	shalt  }
0x4f: {  	_ =	shalt  }
0x50: {  	_ =	shalt  }
0x51: {  	_ =	shalt  }
0x52: {  	_ =	shalt  }
0x53: {  	_ =	shalt  }
0x54: {  	_ =	shalt  }
0x55: {  	_ =	shalt  }
0x56: {  	_ =	shalt  }
0x57: {  	_ =	shalt  }
0x58: {  	_ =	shalt  }
0x59: {  	_ =	shalt  }
0x5a: {  	_ =	shalt  }
0x5b: {  	_ =	shalt  }
0x5c: {  	_ =	shalt  }
0x5d: {  	_ =	shalt  }
0x5e: {  	_ =	shalt  }
0x5f: {  	_ =	shalt  }
0x60: {  	_ =	shalt  }
0x61: {  	_ =	shalt  }
0x62: {  	_ =	shalt  }
0x63: {  	_ =	shalt  }
0x64: {  	_ =	shalt  }
0x65: {  	_ =	shalt  }
0x66: {  	_ =	shalt  }
0x67: {  	_ =	shalt  }
0x68: {  	_ =	shalt  }
0x69: {  	_ =	shalt  }
0x6a: {  	_ =	shalt  }
0x6b: {  	_ =	shalt  }
0x6c: {  	_ =	shalt  }
0x6d: {  	_ =	shalt  }
0x6e: {  	_ =	shalt  }
0x6f: {  	_ =	shalt  }
0x70: {  	_ =	shalt  }
0x71: {  	_ =	shalt  }
0x72: {  	_ =	shalt  }
0x73: {  	_ =	shalt  }
0x74: {  	_ =	shalt  }
0x75: {  	_ =	shalt  }
0x76: {  	_ =	shalt  }
0x77: {  	_ =	shalt  }
0x78: {  	_ =	shalt  }
0x79: {  	_ =	shalt  }
0x7a: {  	_ =	shalt  }
0x7b: {  	_ =	shalt  }
0x7c: {  	_ =	shalt  }
0x7d: {  	_ =	shalt  }
0x7e: {  	_ =	shalt  }
0x7f: {  	_ =	shalt  }
0x80: {  	_ =	shalt  }
0x81: {  	_ =	shalt  }
0x82: {  	_ =	shalt  }
0x83: {  	_ =	shalt  }
0x84: {  	_ =	shalt  }
0x85: {  	_ =	shalt  }
0x86: {  	_ =	shalt  }
0x87: {  	_ =	shalt  }
.Lfunc_end0:
.L_simem_size_0:
called_computation.2_lowered:
.L_overlay_start_0:
0x88: {  	s2 =	sld [smem:$0x3FD9]  }
0x89: {  	s3 =	sld [smem:$0x3FFE];
	_ =	sdelay $0x1  }
0x8a: {  	s1 =	srdreg.scid  }
0x8b: {  	s0 =	sand.u32 $0x1, s1  }
0x8c: {  	s16 =	sshll.u32 s0, $0xA;
	s2 =	sadd.s32 s3, s2  }
0x8d: {  	s2 =	sadd.s32 s2, s16  }
0x8e: {  	[smem:$0x3FC0] =	sst s2  }
0x8f: {  	_ = 	snop  }
0x90: {  	(tm) =	ssettm $0x1  }
0x91: {  	s17 =	sld [smem:$0x3FFB];
	_ =	sdelay $0x3  }
0x92: {  	_ =	strace s17  }
0x93: {  	s2 =	sld [smem:$0x3FFC];
	_ =	sdelay $0x3  }
0x94: {  	_ =	strace s2  }
0x95: {  	s2 =	sld [smem:$0x3FFD];
	_ =	sdelay $0x3  }
0x96: {  	_ =	strace s2  }
0x97: {  	_ =	strace $0x8FFFFFFF  }
0x98: {  	s18 =	sld [smem:$0x3FDB];
	_ =	sdelay $0x1  }
0x99: {  	s19 =	simm.s32 $_scs_section_size  }
0x9a: {  	s4 =	simm.s32 $_size__tile_overlayer_lowered;
	s5 =	simm.s32 $_tile_overlayer_lowered  }
0x9b: {  	s22 =	simm.s32 $0x1BFF;
	s21 =	sshll.u32 s5, $0x1;
	s2 =	sadd.s32 s19, s18  }
0x9c: {  	s6 =	simm.s32 $0x0;
	s20 =	sshll.u32 s4, $0x1;
	s4 =	sadd.s32 s21, s2  }
0x9d: {  	[timem:s6], [sflag:s22] =	dma.local [hbm:s4], s20  }
0x9e: {  	_ =	swait.ge [sflag:s22], s20  }
0x9f: {  	s3 =	ssub.s32 $0x0, s20;
	[sflag:s22] =	ssyncset.done $0x0  }
0xa0: {  	[sflag:s22] =	ssyncadd.s32 s3;
	_ =	sdelay $0x1  }
0xa1: {  	s23 =	simm.s32 $0x1B8B  }
0xa2: {  	_ =	swait.ge [sflag:s23], $0x1  }
0xa3: {  	[sflag:s23] =	ssyncset.done $0x0  }
0xa4: {  	s25 =	simm.s32 $0x1B8E;
	s24 =	sld [smem:$0x3FFE];
	[sflag:s23] =	ssyncadd.s32 $0xFFFFFFFF  }
0xa5: {  	s26 =	simm.s32 $execute0_lowered;
	[smem:$0x3FD2] =	sst s25  }
0xa6: {  	s4 =	sshll.u32 s26, $0x1;
	_ =	strace $0x80000049;
	[dreg:$0x1] =	wrdreg $0xFFFFFFFF  }
0xa7: {  	s28 =	simm.s32 $_size_execute0_lowered;
	s2 =	sadd.s32 s2, s4;
	[dreg:$0x0] =	wrdreg $0x0  }
0xa8: {  	s4 =	sshll.u32 s28, $0x1;
	[dreg:$0x2] =	wrdreg s2  }
0xa9: {  	[dreg:$0x3] =	wrdreg s4  }
0xaa: {  	[dreg:$0x4] =	wrdreg $0xC0  }
0xab: {  	_ =	task [dreg:s6], $0x5FFFF  }
0xac: {  	[dreg:$0x1] =	wrdreg $0xFFFFFFFF  }
0xad: {  	[dreg:$0x0] =	wrdreg $0x60  }
0xae: {  	[dreg:$0x2] =	wrdreg s24  }
0xaf: {  	[dreg:$0x3] =	wrdreg $0x80200  }
0xb0: {  	[dreg:$0x4] =	wrdreg $0xA  }
0xb1: {  	_ =	task.clear_ibuf [dreg:s6], $0x5FFFF;
	_ =	strace $0x90000049  }
0xb2: {  	s29 =	simm.s32 $0xA;
	_ =	strace $0x8000004B  }
0xb3: {  	_ =	swait.ge [sflag:s29], $0x1  }
0xb4: {  	[sflag:s29] =	ssyncadd.s32 $0xFFFFFFFF  }
0xb5: {  	_ =	strace $0x9000004B  }
0xb6: {  	_ =	sfence  }
0xb7: {  	s30 =	sld [smem:$0x0];
	_ =	sdelay $0x2  }
0xb8: {  	s31 =	sshll.u32 s1, $0xD;
	s1 =	sshrl.u32 s1, $0x2  }
0xb9: {  	s3 =	sand.u32 $0x4000, s31;
	s1 =	sadd.s32 s1, s30  }
0xba: {  	s0 =	sor.u32 s3, s0;
	s1 =	sshll.u32 s1, $0x11  }
0xbb: {  	s0 =	sor.u32 s1, s0  }
0xbc: {  	s0 =	sadd.s32 $0x8F2B, s0  }
0xbd: {  	[sflag:s0] =	ssyncadd.remote.s32 $0x1  }
0xbe: {  	_ =	sfence.sel $0xFFFF  }
0xbf: {  	[dreg:$0x0] =	wrdreg $0xFFFFFFFF;
	(pc) =	sbr.abs _section_cstart, $3  }
0xc0: {  	[dreg:$0x1] =	wrdreg $0xFFFFFFFF  }
0xc1: {  	_ =	task.clear_ibuf [dreg:s6], $0x2FFFF;
	_ =	strace $0x9FFFFFFF  }
0xc2: {  	(tm) =	ssettm $0x7FFFFFFF  }
0xc3: {  	_ =	shalt  }
tec
execute0_lowered:
.L_overlay_start_1:
0x0: {  	(tag) =	ssettag $0x1  }
0x1: {  	s0 =	srdreg.scid  }
0x2: {  	s30 =	stileid.u32;
	s6 =	rddreg [dreg:$0x0]  }
0x3: {  	s2 =	rddreg [dreg:$0x1];
	s3 =	simm.s32 $0x0;
	s17 =	simm.s32 $0x3  }
0x4: {  	s18 =	simm.s32 $0x1450;
	s19 =	simm.s32 $0x28A0;
	s20 =	simm.s32 $0x64  }
0x5: {  	s21 =	simm.s32 $0x5460;
	s22 =	simm.s32 $0x1;
	s23 =	simm.s32 $0x2  }
0x6: {  	s24 =	simm.s32 $0x13E8;
	s25 =	simm.s32 $0x27D0;
	s26 =	simm.s32 $0x2838  }
0x7: {  	s28 =	simm.s32 $0x0;
	s5 =	sand.u32 $0x1, s0;
	s8 =	smul.u32 $0x11800, s30  }
0x8: {  	[smem:$0x7FF] =	sst s3;
	s4 =	sadd.s32 $0xCA00, s6;
	s10 =	smul.u32 $0x46000, s30  }
0x9: {  	s1 =	sshll.u32 s5, $0x4;
	s9 =	smul.u32 $0x118000, s5;
	s5 =	ssub.s32 $0x2, s5  }
0xa: {  	_ =	strace $0x8000004A;
	s1 =	sor.u32 s30, s1;
	s11 =	sshrl.u32 s5, $0x1  }
0xb: {  	s31 =	sshrl.u32 s10, $0x2;
	s7 =	smul.u32 $0x1450, s1;
	s9 =	sadd.s32 s8, s9  }
0xc: {  	s16 =	ssub.s32 s5, s11;
	s14 =	sadd.s32 s31, s2;
	s9 =	sshrl.u32 s9, $0x3  }
0xd: {  	s10 =	sadd.s32 $0x6900, s14;
	s11 =	sadd.s32 $0x8C00, s14;
	s12 =	sadd.s32 $0xAF00, s14  }
0xe: {  	s13 =	sadd.s32 $0xD200, s14;
	s16 =	smax.u32 s16, $0x1;
	s7 =	sshrl.u32 s7, $0x3  }
0xf: {  	s15 =	sadd.s32 s9, s6;
	s9 =	sadd.s32 $0x4600, s14;
	s7 =	sadd.s32 s7, s6  }
0x10: {  	s15 =	sadd.s32 $0x2FA00, s15;
	s5 =	sadd.s32 $0x2000, s7;
	s6 =	sadd.s32 $0x7140, s7  }
0x11: {  	v0 =	vimm.f32 $0.0e+00;
	s7 =	sadd.s32 s8, s2;
	s8 =	sadd.s32 $0x2300, s14;
	s14 =	sadd.s32 $0xF500, s14  }
.LBB2_1:
0x12: {  	[tilespmem:s3], [sflag:$0x3] =	stream.linear.gather [hbm4b:s5+s3], $0x1450, $0x38;
	[tilespmem:$0x19820] =	vst v63  }
0x13: {  	_ =	swait.ge [sflag:s17], $0x1450  }
0x14: {  	[sflag:s17] =	ssyncset.done $0x0  }
0x15: {  	[sflag:s17] =	ssyncadd.s32 $0xFFFFEBB0  }
0x16: {  	[tilespmem:s18], [sflag:$0x3] =	stream.linear.gather [hbm4b:s6+s3], $0x1450, $0x38;
	[tilespmem:$0x19820] =	vst v63  }
0x17: {  	_ =	swait.ge [sflag:s17], $0x1450  }
0x18: {  	[sflag:s17] =	ssyncset.done $0x0  }
0x19: {  	s29 =	simm.s32 $0x0;
	s30 =	simm.s32 $0x1C0;
	[sflag:s17] =	ssyncadd.s32 $0xFFFFEBB0  }
.LBB2_2:
0x1a: {  	p0 =	sne.s32 s30, $0x8A40;
	[tilespmem:s29+$0x2900] =	vst v0  }
0x1b: {  	[tilespmem:s29+$0x28A0] =	vst v0  }
.Ltmp0:
0x1c: {  	[tilespmem:s29+$0x28B0] =	vst v0;
	(pc) =	sbr.rel @p0 .LBB2_2-.Ltmp0, $4  }
0x1d: {  	[tilespmem:s29+$0x28C0] =	vst v0  }
0x1e: {  	[tilespmem:s29+$0x28D0] =	vst v0  }
0x1f: {  	[tilespmem:s29+$0x28E0] =	vst v0  }
0x20: {  	[tilespmem:s29+$0x28F0] =	vst v0;
	s29 =	sshra.s32 s30, $0x2;
	s30 =	sadd.s32 $0x1C0, s30  }
0x21: {  	[tilespmem:s29+$0x2900] =	vst v0  }
0x22: {  	[tilespmem:s29+$0x28A0] =	vst v0  }
0x23: {  	[tilespmem:s29+$0x28B0] =	vst v0  }
0x24: {  	[tilespmem:s29+$0x28C0] =	vst v0  }
0x25: {  	[tilespmem:s29+$0x28D0] =	vst v0  }
0x26: {  	[tilespmem:s29+$0x28E0] =	vst v0  }
0x27: {  	[tilespmem:s29+$0x28F0] =	vst v0  }
0x28: {  	[spmem:s7] =	stream.linear.scatter [tilespmem:s19], [sflag:$0x3], $0x2300, $0x38;
	[tilespmem:$0x19820] =	vst v63  }
0x29: {  	_ =	swait.ge [sflag:s17], $0x2300  }
0x2a: {  	[sflag:s17] =	ssyncset.done $0x0  }
0x2b: {  	[sflag:s17] =	ssyncadd.s32 $0xFFFFDD00  }
0x2c: {  	[spmem:s8] =	stream.linear.scatter [tilespmem:s19], [sflag:$0x3], $0x2300, $0x38;
	[tilespmem:$0x19820] =	vst v63  }
0x2d: {  	_ =	swait.ge [sflag:s17], $0x2300  }
0x2e: {  	[sflag:s17] =	ssyncset.done $0x0  }
0x2f: {  	[sflag:s17] =	ssyncadd.s32 $0xFFFFDD00  }
0x30: {  	[spmem:s9] =	stream.linear.scatter [tilespmem:s19], [sflag:$0x3], $0x2300, $0x38;
	[tilespmem:$0x19820] =	vst v63  }
0x31: {  	_ =	swait.ge [sflag:s17], $0x2300  }
0x32: {  	[sflag:s17] =	ssyncset.done $0x0  }
0x33: {  	[sflag:s17] =	ssyncadd.s32 $0xFFFFDD00  }
0x34: {  	[spmem:s10] =	stream.linear.scatter [tilespmem:s19], [sflag:$0x3], $0x2300, $0x38;
	[tilespmem:$0x19820] =	vst v63  }
0x35: {  	_ =	swait.ge [sflag:s17], $0x2300  }
0x36: {  	[sflag:s17] =	ssyncset.done $0x0  }
0x37: {  	[sflag:s17] =	ssyncadd.s32 $0xFFFFDD00  }
0x38: {  	[spmem:s11] =	stream.linear.scatter [tilespmem:s19], [sflag:$0x3], $0x2300, $0x38;
	[tilespmem:$0x19820] =	vst v63  }
0x39: {  	_ =	swait.ge [sflag:s17], $0x2300  }
0x3a: {  	[sflag:s17] =	ssyncset.done $0x0  }
0x3b: {  	[sflag:s17] =	ssyncadd.s32 $0xFFFFDD00  }
0x3c: {  	[spmem:s12] =	stream.linear.scatter [tilespmem:s19], [sflag:$0x3], $0x2300, $0x38;
	[tilespmem:$0x19820] =	vst v63  }
0x3d: {  	_ =	swait.ge [sflag:s17], $0x2300  }
0x3e: {  	[sflag:s17] =	ssyncset.done $0x0  }
0x3f: {  	[sflag:s17] =	ssyncadd.s32 $0xFFFFDD00  }
0x40: {  	[spmem:s13] =	stream.linear.scatter [tilespmem:s19], [sflag:$0x3], $0x2300, $0x38;
	[tilespmem:$0x19820] =	vst v63  }
0x41: {  	_ =	swait.ge [sflag:s17], $0x2300  }
0x42: {  	[sflag:s17] =	ssyncset.done $0x0  }
0x43: {  	[sflag:s17] =	ssyncadd.s32 $0xFFFFDD00  }
0x44: {  	[spmem:s14] =	stream.linear.scatter [tilespmem:s19], [sflag:$0x3], $0x2300, $0x38;
	[tilespmem:$0x19820] =	vst v63  }
0x45: {  	_ =	swait.ge [sflag:s17], $0x2300  }
0x46: {  	[sflag:s17] =	ssyncset.done $0x0  }
0x47: {  	[sflag:s17] =	ssyncadd.s32 $0xFFFFDD00  }
0x48: {  	s29 =	simm.s32 $0x0;
	[bflag:$0x0] =	sbarrier.arrive $0xFFFF  }
0x49: {  	[tilespmem:s19], [sflag:$0x1] =	stream.indirect.gather [hbm4b:s4+s20], $0x70, s29, s20, $0xb8;
	[tilespmem:$0x19820] =	vst v63  }
0x4a: {  	s29 =	simm.s32 $0x68  }
0x4b: {  	[tilespmem:s21], [sflag:$0x2] =	stream.indirect.gather [hbm4b:s4+s20], $0x70, s29, s20, $0xb8;
	[tilespmem:$0x19820] =	vst v63  }
0x4c: {  	_ =	swait.ge [sflag:s22], $0x2BC0  }
0x4d: {  	[sflag:s22] =	ssyncset.done $0x0  }
0x4e: {  	s29 =	simm.s32 $0x1450;
	[sflag:s22] =	ssyncadd.s32 $0xFFFFD440  }
0x4f: {  	[spmem:s2] =	stream.indirect.scatter.add.f32 [tilespmem:s19], [sflag:$0x3], $0x70, s29, s20, $0xb8;
	[tilespmem:$0x19820] =	vst v63  }
0x50: {  	_ =	swait.ge [sflag:s17], $0x2BC0  }
0x51: {  	[sflag:s17] =	ssyncset.done $0x0  }
0x52: {  	s29 =	simm.s32 $0xD0;
	[sflag:s17] =	ssyncadd.s32 $0xFFFFD440  }
0x53: {  	[tilespmem:s19], [sflag:$0x1] =	stream.indirect.gather [hbm4b:s4+s20], $0x70, s29, s20, $0xb8;
	[tilespmem:$0x19820] =	vst v63  }
0x54: {  	_ =	swait.ge [sflag:s23], $0x2BC0  }
0x55: {  	[sflag:s23] =	ssyncset.done $0x0  }
0x56: {  	s29 =	simm.s32 $0x14B8;
	[sflag:s23] =	ssyncadd.s32 $0xFFFFD440  }
0x57: {  	[spmem:s2] =	stream.indirect.scatter.add.f32 [tilespmem:s21], [sflag:$0x3], $0x70, s29, s20, $0xb8;
	[tilespmem:$0x19820] =	vst v63  }
0x58: {  	_ =	swait.ge [sflag:s17], $0x2BC0  }
0x59: {  	s30 =	simm.s32 $0x680;
	s29 =	simm.s32 $0xD0;
	[sflag:s17] =	ssyncset.done $0x0  }
.LBB2_4:
0x5a: {  	s31 =	sadd.s32 $0x68, s29  }
0x5b: {  	[sflag:s17] =	ssyncadd.s32 $0xFFFFD440;
	s1 =	smov.u32 s30;
	s0 =	sadd.s32 $0x340, s30  }
0x5c: {  	[tilespmem:s21], [sflag:$0x2] =	stream.indirect.gather [hbm4b:s4+s20], $0x70, s31, s20, $0xb8;
	[tilespmem:$0x19820] =	vst v63  }
0x5d: {  	p0 =	sne.s32 s30, $0x4AC0;
	_ =	swait.ge [sflag:s22], $0x2BC0  }
0x5e: {  	[sflag:s22] =	ssyncset.done $0x0  }
0x5f: {  	s30 =	sadd.s32 $0x1450, s29;
	[sflag:s22] =	ssyncadd.s32 $0xFFFFD440  }
0x60: {  	[spmem:s2] =	stream.indirect.scatter.add.f32 [tilespmem:s19], [sflag:$0x3], $0x70, s30, s20, $0xb8;
	[tilespmem:$0x19820] =	vst v63  }
0x61: {  	_ =	swait.ge [sflag:s17], $0x2BC0  }
0x62: {  	[sflag:s17] =	ssyncset.done $0x0  }
0x63: {  	s30 =	sadd.s32 $0xD0, s29;
	[sflag:s17] =	ssyncadd.s32 $0xFFFFD440  }
0x64: {  	[tilespmem:s19], [sflag:$0x1] =	stream.indirect.gather [hbm4b:s4+s20], $0x70, s30, s20, $0xb8;
	[tilespmem:$0x19820] =	vst v63  }
0x65: {  	_ =	swait.ge [sflag:s23], $0x2BC0  }
.Ltmp1:
0x66: {  	[sflag:s23] =	ssyncset.done $0x0;
	(pc) =	sbr.rel @p0 .LBB2_4-.Ltmp1, $4  }
0x67: {  	s29 =	sadd.s32 $0x14B8, s29;
	[sflag:s23] =	ssyncadd.s32 $0xFFFFD440  }
0x68: {  	[spmem:s2] =	stream.indirect.scatter.add.f32 [tilespmem:s21], [sflag:$0x3], $0x70, s29, s20, $0xb8;
	[tilespmem:$0x19820] =	vst v63  }
0x69: {  	_ =	swait.ge [sflag:s17], $0x2BC0  }
0x6a: {  	s30 =	smov.u32 s0;
	s29 =	sshra.s32 s1, $0x2;
	[sflag:s17] =	ssyncset.done $0x0  }
0x6b: {  	s0 =	sadd.s32 $0x68, s29;
	[sflag:s17] =	ssyncadd.s32 $0xFFFFD440  }
0x6c: {  	[tilespmem:s21], [sflag:$0x2] =	stream.indirect.gather [hbm4b:s4+s20], $0x70, s0, s20, $0xb8;
	[tilespmem:$0x19820] =	vst v63  }
0x6d: {  	_ =	swait.ge [sflag:s22], $0x2BC0  }
0x6e: {  	[sflag:s22] =	ssyncset.done $0x0  }
0x6f: {  	s31 =	sadd.s32 $0x1450, s29;
	[sflag:s22] =	ssyncadd.s32 $0xFFFFD440  }
0x70: {  	[spmem:s2] =	stream.indirect.scatter.add.f32 [tilespmem:s19], [sflag:$0x3], $0x70, s31, s20, $0xb8;
	[tilespmem:$0x19820] =	vst v63  }
0x71: {  	_ =	swait.ge [sflag:s17], $0x2BC0  }
0x72: {  	[sflag:s17] =	ssyncset.done $0x0  }
0x73: {  	s1 =	sadd.s32 $0xD0, s29;
	[sflag:s17] =	ssyncadd.s32 $0xFFFFD440  }
0x74: {  	[tilespmem:s19], [sflag:$0x1] =	stream.indirect.gather [hbm4b:s4+s20], $0x70, s1, s20, $0xb8;
	[tilespmem:$0x19820] =	vst v63  }
0x75: {  	_ =	swait.ge [sflag:s23], $0x2BC0  }
0x76: {  	[sflag:s23] =	ssyncset.done $0x0  }
0x77: {  	s30 =	sadd.s32 $0x14B8, s29;
	[sflag:s23] =	ssyncadd.s32 $0xFFFFD440  }
0x78: {  	[spmem:s2] =	stream.indirect.scatter.add.f32 [tilespmem:s21], [sflag:$0x3], $0x70, s30, s20, $0xb8;
	[tilespmem:$0x19820] =	vst v63  }
0x79: {  	_ =	swait.ge [sflag:s17], $0x2BC0  }
0x7a: {  	[sflag:s17] =	ssyncset.done $0x0  }
0x7b: {  	[sflag:s17] =	ssyncadd.s32 $0xFFFFD440  }
0x7c: {  	[tilespmem:s21], [sflag:$0x2] =	stream.indirect.gather [hbm4b:s4+s20], $0x70, s24, s20, $0xb8;
	[tilespmem:$0x19820] =	vst v63  }
0x7d: {  	_ =	swait.ge [sflag:s22], $0x2BC0  }
0x7e: {  	[sflag:s22] =	ssyncset.done $0x0  }
0x7f: {  	[sflag:s22] =	ssyncadd.s32 $0xFFFFD440  }
0x80: {  	[spmem:s2] =	stream.indirect.scatter.add.f32 [tilespmem:s19], [sflag:$0x3], $0x70, s25, s20, $0xb8;
	[tilespmem:$0x19820] =	vst v63  }
0x81: {  	_ =	swait.ge [sflag:s17], $0x2BC0  }
0x82: {  	[sflag:s17] =	ssyncset.done $0x0  }
0x83: {  	[sflag:s17] =	ssyncadd.s32 $0xFFFFD440  }
0x84: {  	_ =	swait.ge [sflag:s23], $0x2BC0  }
0x85: {  	[sflag:s23] =	ssyncset.done $0x0  }
0x86: {  	[sflag:s23] =	ssyncadd.s32 $0xFFFFD440  }
0x87: {  	[spmem:s2] =	stream.indirect.scatter.add.f32 [tilespmem:s21], [sflag:$0x3], $0x70, s26, s20, $0xb8;
	[tilespmem:$0x19820] =	vst v63  }
0x88: {  	s31 =	stileid.u32;
	_ =	swait.ge [sflag:s17], $0x2BC0  }
0x89: {  	s28 =	sadd.s32 $0x1, s28;
	s0 =	sshll.u32 s31, $0x6;
	[sflag:s17] =	ssyncset.done $0x0  }
0x8a: {  	p0 =	sne.s32 s28, s16;
	s0 =	sor.u32 $0x1C03, s0;
	[sflag:s17] =	ssyncadd.s32 $0xFFFFD440  }
.Ltmp2:
0x8b: {  	s1 =	sshrl.u32 s7, $0x3;
	[bflag:$0x0] =	sbarrier.arrive $0xFFFF;
	(pc) =	sbr.rel @p0 .LBB2_1-.Ltmp2, $4  }
0x8c: {  	[hbm:s15], [sflag:s0] =	dma.local [spmem:s1], $0x2300  }
0x8d: {  	_ =	swait.ge [sflag:s17], $0x2300  }
0x8e: {  	[sflag:s17] =	ssyncset.done $0x0  }
0x8f: {  	[sflag:s17] =	ssyncadd.s32 $0xFFFFDD00  }
0x90: {  	_ =	sfence.sel $0x180000  }
0x91: {  	[bflag:$0x0] =	sbarrier.arrive $0xFFFF  }
0x92: {  	_ =	strace $0x9000004A  }
0x93: {  	s0 =	stileid.u32;
	[bflag:$0x2] =	sbarrier.arrive $0xFFFF  }
0x94: {  	p0 =	sne.s32 s0, $0x0;
	s0 =	rddreg [dreg:$0x2]  }
0x95: {  	s0 =	sadd.s32 @!p0 $0x100000, s0  }
0x96: {  	[sflag:s0] =	ssyncadd.tile.s32 @!p0 $0x1;
	_ =	shalt  }
.Lfunc_end2:
_tile_overlayer_lowered:
.L_overlay_start_2:
0x97: {  	(tag) =	ssettag $0x2  }
0x98: {  	s0 =	rddreg [dreg:$0x0];
	s2 =	stileid.u32  }
0x99: {  	s1 =	rddreg [dreg:$0x1];
	p0 =	sne.s32 s2, $0x0  }
0x9a: {  	s3 =	rddreg [dreg:$0x2];
	[bflag:$0x3] =	sbarrier.arrive $0xFFFF;
	s2 =	simm.s32 @!p0 $0x1C03  }
0x9b: {  	[timem:s3], [sflag:s2] =	dma.local @!p0 [hbm:s0], s1  }
0x9c: {  	s0 =	simm.s32 @!p0 $0x3  }
0x9d: {  	_ =	swait.ge @!p0 [sflag:s0], s1  }
0x9e: {  	s1 =	ssub.s32 @!p0 $0x0, s1;
	[sflag:s0] =	ssyncset.done @!p0 $0x0  }
0x9f: {  	[sflag:s0] =	ssyncadd.s32 @!p0 s1  }
0xa0: {  	[bflag:$0x3] =	sbarrier.arrive $0xFFFF  }
0xa1: {  	_ =	shalt  }

// kernel: kernel.18.cloned.1.call-start
scs
__scs_entry_jumppad:
0x0: {  	(pc) =	sbr.rel $0x88, $3  }
0x1: {  	(tag) =	ssettag $0x0;
	lr =	simm.s32 $0x1  }
0x2: {  	[smem:$0x3F99] =	sst lr;
	_ =	strace $0xD0000000  }
0x3: {  	_ = 	snop  }
0x4: {  	_ = 	snop  }
0x5: {  	_ = 	snop  }
0x6: {  	_ = 	snop  }
0x7: {  	_ = 	snop  }
__scs_overlays_trampoline_lowered:
0x8: {  	[smem:$0x3FA8] =	sst s0  }
0x9: {  	[smem:$0x3FA9] =	sst s1  }
0xa: {  	[smem:$0x3FAA] =	sst s2  }
0xb: {  	[smem:$0x3FAB] =	sst s3  }
0xc: {  	[smem:$0x3FAC] =	sst s4  }
0xd: {  	[smem:$0x3FAD] =	sst s5  }
0xe: {  	[smem:$0x3FAE] =	sst s6  }
0xf: {  	[smem:$0x3FAF] =	sst s7  }
0x10: {  	[smem:$0x3FB0] =	sst s8  }
0x11: {  	[smem:$0x3FB1] =	sst s9;
	s0 =	simm.s32 @!p0 $0x0  }
0x12: {  	s1 =	sld [smem:$0x3F97];
	s0 =	simm.s32 @p0 $0x1  }
0x13: {  	[smem:$0x3FB2] =	sst s0;
	s0 =	simm.s32 @!p1 $0x0  }
0x14: {  	s2 =	sld [smem:$0x3F96];
	s0 =	simm.s32 @p1 $0x1  }
0x15: {  	[smem:$0x3FB3] =	sst s0;
	s0 =	simm.s32 @!p2 $0x0  }
0x16: {  	s3 =	sld [smem:$0x3FDB];
	s0 =	simm.s32 @p2 $0x1  }
0x17: {  	s4 =	simm.s32 $0x1BF5;
	[smem:$0x3FB5] =	sst s0  }
0x18: {  	s0 =	sld [smem:$0x3F98];
	_ =	swait.ge [sflag:s4], $0x0  }
0x19: {  	s7 =	sld [smem:$0x3F99]  }
0x1a: {  	s8 =	sadd.s32 $0xFFFFE003, lr  }
0x1b: {  	s9 =	sadd.s32 $0xFFFFFEF7, lr;
	s5 =	simm.s32 $0xFFFFFFFF;
	p2 =	slt.u32 s8, $0xFFFFF086  }
0x1c: {  	p1 =	slt.u32 s9, $0xF7A;
	s5 =	simm.s32 @!p2 $0x0  }
0x1d: {  	s5 =	simm.s32 @p1 $0x1;
	p0 =	seq.s32 s7, s2  }
0x1e: {  	s7 =	smul.u32 @!p0 $0xF7A, s2;
	p2 =	seq.s32 @!p0 s5, $0x0  }
0x1f: {  	s9 =	smul.u32 $0xF7A, s1;
	s8 =	simm.s32 @!p0 $0x1BF5;
	p2 =	por !p2, p0  }
0x20: {  	[sflag:s8] =	ssyncset.s32 @!p0 $0xFFFFF086;
	s6 =	sadd.s32 @!p0 s3, s7;
	s7 =	simm.s32 @!p0 $0x108  }
0x21: {  	s3 =	sadd.s32 s3, s9;
	s6 =	sadd.s32 @!p0 $0x88, s6;
	s7 =	simm.s32 @p2 $0x1082  }
0x22: {  	[simem:s7], [sflag:s8] =	dma.local @!p0 [hbm:s6], $0xF7A  }
0x23: {  	s9 =	sor.u32 $0xD0000000, s2;
	s6 =	simm.s32 $0x108;
	_ =	swait.ge @!p0 [sflag:s8], $0x0  }
0x24: {  	s3 =	sadd.s32 $0x88, s3;
	s6 =	simm.s32 @!p1 $0x1082;
	[sflag:s4] =	ssyncset.s32 $0xFFFFF086  }
0x25: {  	[simem:s6], [sflag:s4] =	dma.local [hbm:s3], $0xF7A  }
0x26: {  	[smem:$0x3F99] =	sst s1;
	(tag) =	ssettag s2;
	_ =	strace s9  }
0x27: {  	s1 =	sld [smem:$0x3FA9]  }
0x28: {  	s2 =	sld [smem:$0x3FAA]  }
0x29: {  	s4 =	sld [smem:$0x3FAC]  }
0x2a: {  	p0 =	seq.s32 s5, $0x0;
	s5 =	sld [smem:$0x3FAD]  }
0x2b: {  	s6 =	sld [smem:$0x3FAE]  }
0x2c: {  	s7 =	sld [smem:$0x3FAF]  }
0x2d: {  	s3 =	simm.s32 $0x108;
	s8 =	sld [smem:$0x3FB0]  }
0x2e: {  	s3 =	simm.s32 @!p0 $0x1082;
	s9 =	sld [smem:$0x3FB1]  }
0x2f: {  	lr =	sadd.s32 s0, s3;
	s0 =	sld [smem:$0x3FA8]  }
0x30: {  	s3 =	sld [smem:$0x3FAB]  }
0x31: {  	[smem:$0x3FB4] =	sst s10  }
0x32: {  	s10 =	sld [smem:$0x3FB2];
	_ =	sdelay $0x3  }
0x33: {  	p0 =	seq.s32 s10, $0x1;
	s10 =	sld [smem:$0x3FB4];
	_ =	sdelay $0x3  }
0x34: {  	[smem:$0x3FB4] =	sst s10  }
0x35: {  	s10 =	sld [smem:$0x3FB3];
	_ =	sdelay $0x3  }
0x36: {  	p1 =	seq.s32 s10, $0x1;
	s10 =	sld [smem:$0x3FB4];
	_ =	sdelay $0x3  }
0x37: {  	[smem:$0x3FB4] =	sst s10  }
0x38: {  	s10 =	sld [smem:$0x3FB5]  }
0x39: {  	_ = 	snop;
	(pc) =	sbr.ind lr, $3  }
0x3a: {  	_ = 	snop  }
0x3b: {  	_ = 	snop  }
0x3c: {  	p2 =	seq.s32 s10, $0x1;
	s10 =	sld [smem:$0x3FB4]  }
0x3d: {  	_ =	shalt  }
0x3e: {  	_ =	shalt  }
0x3f: {  	_ =	shalt  }
0x40: {  	_ =	shalt  }
0x41: {  	_ =	shalt  }
0x42: {  	_ =	shalt  }
0x43: {  	_ =	shalt  }
0x44: {  	_ =	shalt  }
0x45: {  	_ =	shalt  }
0x46: {  	_ =	shalt  }
0x47: {  	_ =	shalt  }
0x48: {  	_ =	shalt  }
0x49: {  	_ =	shalt  }
0x4a: {  	_ =	shalt  }
0x4b: {  	_ =	shalt  }
0x4c: {  	_ =	shalt  }
0x4d: {  	_ =	shalt  }
0x4e: {  	_ =	shalt  }
0x4f: {  	_ =	shalt  }
0x50: {  	_ =	shalt  }
0x51: {  	_ =	shalt  }
0x52: {  	_ =	shalt  }
0x53: {  	_ =	shalt  }
0x54: {  	_ =	shalt  }
0x55: {  	_ =	shalt  }
0x56: {  	_ =	shalt  }
0x57: {  	_ =	shalt  }
0x58: {  	_ =	shalt  }
0x59: {  	_ =	shalt  }
0x5a: {  	_ =	shalt  }
0x5b: {  	_ =	shalt  }
0x5c: {  	_ =	shalt  }
0x5d: {  	_ =	shalt  }
0x5e: {  	_ =	shalt  }
0x5f: {  	_ =	shalt  }
0x60: {  	_ =	shalt  }
0x61: {  	_ =	shalt  }
0x62: {  	_ =	shalt  }
0x63: {  	_ =	shalt  }
0x64: {  	_ =	shalt  }
0x65: {  	_ =	shalt  }
0x66: {  	_ =	shalt  }
0x67: {  	_ =	shalt  }
0x68: {  	_ =	shalt  }
0x69: {  	_ =	shalt  }
0x6a: {  	_ =	shalt  }
0x6b: {  	_ =	shalt  }
0x6c: {  	_ =	shalt  }
0x6d: {  	_ =	shalt  }
0x6e: {  	_ =	shalt  }
0x6f: {  	_ =	shalt  }
0x70: {  	_ =	shalt  }
0x71: {  	_ =	shalt  }
0x72: {  	_ =	shalt  }
0x73: {  	_ =	shalt  }
0x74: {  	_ =	shalt  }
0x75: {  	_ =	shalt  }
0x76: {  	_ =	shalt  }
0x77: {  	_ =	shalt  }
0x78: {  	_ =	shalt  }
0x79: {  	_ =	shalt  }
0x7a: {  	_ =	shalt  }
0x7b: {  	_ =	shalt  }
0x7c: {  	_ =	shalt  }
0x7d: {  	_ =	shalt  }
0x7e: {  	_ =	shalt  }
0x7f: {  	_ =	shalt  }
0x80: {  	_ =	shalt  }
0x81: {  	_ =	shalt  }
0x82: {  	_ =	shalt  }
0x83: {  	_ =	shalt  }
0x84: {  	_ =	shalt  }
0x85: {  	_ =	shalt  }
0x86: {  	_ =	shalt  }
0x87: {  	_ =	shalt  }
.Lfunc_end0:
.L_simem_size_0:
called_computation.3_lowered:
.L_overlay_start_0:
0x88: {  	s2 =	sld [smem:$0x3FD9]  }
0x89: {  	s3 =	sld [smem:$0x3FFE];
	_ =	sdelay $0x1  }
0x8a: {  	s1 =	srdreg.scid  }
0x8b: {  	s0 =	sand.u32 $0x1, s1  }
0x8c: {  	s17 =	sshll.u32 s0, $0xA;
	s2 =	sadd.s32 s3, s2  }
0x8d: {  	s2 =	sadd.s32 s2, s17  }
0x8e: {  	[smem:$0x3FC0] =	sst s2  }
0x8f: {  	_ = 	snop  }
0x90: {  	(tm) =	ssettm $0x1  }
0x91: {  	s18 =	sld [smem:$0x3FFB];
	_ =	sdelay $0x3  }
0x92: {  	_ =	strace s18  }
0x93: {  	s2 =	sld [smem:$0x3FFC];
	_ =	sdelay $0x3  }
0x94: {  	_ =	strace s2  }
0x95: {  	s2 =	sld [smem:$0x3FFD];
	_ =	sdelay $0x3  }
0x96: {  	_ =	strace s2  }
0x97: {  	_ =	strace $0x8FFFFFFF  }
0x98: {  	s19 =	sld [smem:$0x3FDB];
	_ =	sdelay $0x1  }
0x99: {  	s20 =	simm.s32 $_scs_section_size  }
0x9a: {  	s4 =	simm.s32 $_size__tile_overlayer_lowered;
	s5 =	simm.s32 $_tile_overlayer_lowered  }
0x9b: {  	s6 =	simm.s32 $0x1BFF;
	s21 =	sshll.u32 s5, $0x1;
	s3 =	sadd.s32 s20, s19  }
0x9c: {  	s22 =	simm.s32 $0x0;
	s4 =	sshll.u32 s4, $0x1;
	s5 =	sadd.s32 s21, s3  }
0x9d: {  	[timem:s22], [sflag:s6] =	dma.local [hbm:s5], s4  }
0x9e: {  	_ =	swait.ge [sflag:s6], s4  }
0x9f: {  	s4 =	ssub.s32 $0x0, s4;
	[sflag:s6] =	ssyncset.done $0x0  }
0xa0: {  	[sflag:s6] =	ssyncadd.s32 s4;
	_ =	sdelay $0x1  }
0xa1: {  	s23 =	simm.s32 $0x1B8B  }
0xa2: {  	_ =	swait.ge [sflag:s23], $0x1  }
0xa3: {  	[sflag:s23] =	ssyncset.done $0x0  }
0xa4: {  	[sflag:s23] =	ssyncadd.s32 $0xFFFFFFFF  }
0xa5: {  	s4 =	sld [smem:$0x0]  }
0xa6: {  	s5 =	sand.u32 $0xFFFFFFFE, s1  }
0xa7: {  	p0 =	sne.s32 s1, s5  }
0xa8: {  	s5 =	sshll.u32 @p0 s5, $0xE  }
0xa9: {  	s5 =	sadd.s32 @p0 $0x11B8D, s5;
	s6 =	sshll.u32 @p0 s4, $0x11  }
0xaa: {  	s5 =	sor.u32 @p0 s6, s5  }
0xab: {  	[sflag:s5] =	ssyncadd.remote.s32 @p0 $0x1;
	_ =	sdelay $0x1  }
0xac: {  	s5 =	simm.s32 @p0 $0x1B8D  }
0xad: {  	_ =	swait.eq @p0 [sflag:s5], $0x1  }
0xae: {  	[sflag:s5] =	ssyncadd.s32 @p0 $0xFFFFFFFF  }
0xaf: {  	s6 =	sshll.u32 @!p0 s1, $0xE  }
0xb0: {  	s6 =	sor.u32 @!p0 $0x4000, s6;
	s5 =	simm.s32 @!p0 $0x1B8D  }
0xb1: {  	s4 =	sshll.u32 @!p0 s4, $0x11;
	s6 =	sadd.s32 @!p0 $0x11B8D, s6;
	_ =	swait.eq @!p0 [sflag:s5], $0x1  }
0xb2: {  	s4 =	sor.u32 @!p0 s4, s6;
	[sflag:s5] =	ssyncadd.s32 @!p0 $0xFFFFFFFF  }
0xb3: {  	s25 =	simm.s32 $0x1B8E;
	s24 =	sld [smem:$0x3FFE];
	[sflag:s4] =	ssyncadd.remote.s32 @!p0 $0x1  }
0xb4: {  	s26 =	simm.s32 $execute0_lowered;
	[smem:$0x3FD2] =	sst s25  }
0xb5: {  	s5 =	sshll.u32 s26, $0x1;
	_ =	strace $0x8000004F;
	[dreg:$0x1] =	wrdreg $0xFFFFFFFF  }
0xb6: {  	s28 =	simm.s32 $_size_execute0_lowered;
	s3 =	sadd.s32 s3, s5;
	[dreg:$0x0] =	wrdreg $0x0  }
0xb7: {  	s5 =	sshll.u32 s28, $0x1;
	[dreg:$0x2] =	wrdreg s3  }
0xb8: {  	[dreg:$0x3] =	wrdreg s5  }
0xb9: {  	[dreg:$0x4] =	wrdreg $0xC0  }
0xba: {  	_ =	task [dreg:s22], $0x5FFFF  }
0xbb: {  	[dreg:$0x1] =	wrdreg $0xFFFFFFFF  }
0xbc: {  	[dreg:$0x0] =	wrdreg $0x60  }
0xbd: {  	[dreg:$0x2] =	wrdreg s24  }
0xbe: {  	[dreg:$0x3] =	wrdreg $0x5AA00  }
0xbf: {  	[dreg:$0x4] =	wrdreg $0xA  }
0xc0: {  	_ =	task.clear_ibuf [dreg:s22], $0x5FFFF;
	_ =	strace $0x9000004F  }
0xc1: {  	s29 =	simm.s32 $0xA;
	_ =	strace $0x80000051  }
0xc2: {  	_ =	swait.ge [sflag:s29], $0x1  }
0xc3: {  	[sflag:s29] =	ssyncadd.s32 $0xFFFFFFFF  }
0xc4: {  	_ =	strace $0x90000051  }
0xc5: {  	_ =	sfence  }
0xc6: {  	s30 =	sld [smem:$0x0];
	_ =	sdelay $0x2  }
0xc7: {  	s31 =	sshll.u32 s1, $0xD;
	s1 =	sshrl.u32 s1, $0x2  }
0xc8: {  	s4 =	sand.u32 $0x4000, s31;
	s1 =	sadd.s32 s1, s30  }
0xc9: {  	s0 =	sor.u32 s4, s0;
	s1 =	sshll.u32 s1, $0x11  }
0xca: {  	s0 =	sor.u32 s1, s0  }
0xcb: {  	s0 =	sadd.s32 $0x8F2B, s0  }
0xcc: {  	[sflag:s0] =	ssyncadd.remote.s32 $0x1  }
0xcd: {  	_ =	sfence.sel $0xFFFF  }
0xce: {  	[dreg:$0x0] =	wrdreg $0xFFFFFFFF;
	(pc) =	sbr.abs _section_cstart, $3  }
0xcf: {  	[dreg:$0x1] =	wrdreg $0xFFFFFFFF  }
0xd0: {  	_ =	task.clear_ibuf [dreg:s22], $0x2FFFF;
	_ =	strace $0x9FFFFFFF  }
0xd1: {  	(tm) =	ssettm $0x7FFFFFFF  }
tec
execute0_lowered:
.L_overlay_start_1:
0x0: {  	(tag) =	ssettag $0x1  }
0x1: {  	s0 =	srdreg.scid  }
0x2: {  	s30 =	stileid.u32;
	s6 =	rddreg [dreg:$0x0]  }
0x3: {  	s2 =	rddreg [dreg:$0x1];
	s3 =	simm.s32 $0x0;
	s17 =	simm.s32 $0x3  }
0x4: {  	s18 =	simm.s32 $0x1450;
	s19 =	simm.s32 $0x28A0;
	s20 =	simm.s32 $0x64  }
0x5: {  	s21 =	simm.s32 $0x41A0;
	s22 =	simm.s32 $0x1;
	s23 =	simm.s32 $0x2  }
0x6: {  	s24 =	simm.s32 $0x13E8;
	s25 =	simm.s32 $0x27D0;
	s26 =	simm.s32 $0x2838  }
0x7: {  	s28 =	simm.s32 $0x0;
	s5 =	sand.u32 $0x1, s0;
	s8 =	smul.u32 $0xA000, s30  }
0x8: {  	[smem:$0x7FF] =	sst s3;
	s4 =	sadd.s32 $0xCA00, s6;
	s10 =	smul.u32 $0x28000, s30  }
0x9: {  	s1 =	sshll.u32 s5, $0x4;
	s9 =	smul.u32 $0xA0000, s5;
	s5 =	ssub.s32 $0x2, s5  }
0xa: {  	_ =	strace $0x80000050;
	s1 =	sor.u32 s30, s1;
	s11 =	sshrl.u32 s5, $0x1  }
0xb: {  	s31 =	sshrl.u32 s10, $0x2;
	s7 =	smul.u32 $0x1450, s1;
	s9 =	sadd.s32 s8, s9  }
0xc: {  	s16 =	ssub.s32 s5, s11;
	s14 =	sadd.s32 s31, s2;
	s9 =	sshrl.u32 s9, $0x3  }
0xd: {  	s10 =	sadd.s32 $0x3C00, s14;
	s11 =	sadd.s32 $0x5000, s14;
	s12 =	sadd.s32 $0x6400, s14  }
0xe: {  	s13 =	sadd.s32 $0x7800, s14;
	s16 =	smax.u32 s16, $0x1;
	s7 =	sshrl.u32 s7, $0x3  }
0xf: {  	s15 =	sadd.s32 s9, s6;
	s9 =	sadd.s32 $0x2800, s14;
	s7 =	sadd.s32 s7, s6  }
0x10: {  	s15 =	sadd.s32 $0x20A00, s15;
	s5 =	sadd.s32 $0x2000, s7;
	s6 =	sadd.s32 $0x7140, s7  }
0x11: {  	v0 =	vimm.f32 $0.0e+00;
	s7 =	sadd.s32 s8, s2;
	s8 =	sadd.s32 $0x1400, s14;
	s14 =	sadd.s32 $0x8C00, s14  }
.LBB2_1:
0x12: {  	[tilespmem:s3], [sflag:$0x3] =	stream.linear.gather [hbm4b:s5+s3], $0x1450, $0x38;
	[tilespmem:$0xFAA0] =	vst v63  }
0x13: {  	_ =	swait.ge [sflag:s17], $0x1450  }
0x14: {  	[sflag:s17] =	ssyncset.done $0x0  }
0x15: {  	[sflag:s17] =	ssyncadd.s32 $0xFFFFEBB0  }
0x16: {  	[tilespmem:s18], [sflag:$0x3] =	stream.linear.gather [hbm4b:s6+s3], $0x1450, $0x38;
	[tilespmem:$0xFAA0] =	vst v63  }
0x17: {  	_ =	swait.ge [sflag:s17], $0x1450  }
0x18: {  	[sflag:s17] =	ssyncset.done $0x0  }
0x19: {  	s30 =	simm.s32 $0x100;
	s29 =	simm.s32 $0x0;
	[sflag:s17] =	ssyncadd.s32 $0xFFFFEBB0  }
.LBB2_2:
0x1a: {  	p0 =	sne.s32 s30, $0x4F00;
	[tilespmem:s29+$0x28D0] =	vst v0;
	s31 =	smov.u32 s30;
	s30 =	sadd.s32 $0x100, s30  }
.Ltmp0:
0x1b: {  	[tilespmem:s29+$0x28C0] =	vst v0;
	(pc) =	sbr.rel @p0 .LBB2_2-.Ltmp0, $3  }
0x1c: {  	[tilespmem:s29+$0x28A0] =	vst v0  }
0x1d: {  	[tilespmem:s29+$0x28B0] =	vst v0;
	_ =	sdelay $0x1  }
0x1e: {  	s29 =	sshra.s32 s31, $0x2  }
0x1f: {  	[tilespmem:s29+$0x28D0] =	vst v0  }
0x20: {  	[tilespmem:s29+$0x28C0] =	vst v0  }
0x21: {  	[tilespmem:s29+$0x28A0] =	vst v0  }
0x22: {  	[tilespmem:s29+$0x28B0] =	vst v0  }
0x23: {  	[spmem:s7] =	stream.linear.scatter [tilespmem:s19], [sflag:$0x3], $0x1400, $0x38;
	[tilespmem:$0xFAA0] =	vst v63  }
0x24: {  	_ =	swait.ge [sflag:s17], $0x1400  }
0x25: {  	[sflag:s17] =	ssyncset.done $0x0  }
0x26: {  	[sflag:s17] =	ssyncadd.s32 $0xFFFFEC00  }
0x27: {  	[spmem:s8] =	stream.linear.scatter [tilespmem:s19], [sflag:$0x3], $0x1400, $0x38;
	[tilespmem:$0xFAA0] =	vst v63  }
0x28: {  	_ =	swait.ge [sflag:s17], $0x1400  }
0x29: {  	[sflag:s17] =	ssyncset.done $0x0  }
0x2a: {  	[sflag:s17] =	ssyncadd.s32 $0xFFFFEC00  }
0x2b: {  	[spmem:s9] =	stream.linear.scatter [tilespmem:s19], [sflag:$0x3], $0x1400, $0x38;
	[tilespmem:$0xFAA0] =	vst v63  }
0x2c: {  	_ =	swait.ge [sflag:s17], $0x1400  }
0x2d: {  	[sflag:s17] =	ssyncset.done $0x0  }
0x2e: {  	[sflag:s17] =	ssyncadd.s32 $0xFFFFEC00  }
0x2f: {  	[spmem:s10] =	stream.linear.scatter [tilespmem:s19], [sflag:$0x3], $0x1400, $0x38;
	[tilespmem:$0xFAA0] =	vst v63  }
0x30: {  	_ =	swait.ge [sflag:s17], $0x1400  }
0x31: {  	[sflag:s17] =	ssyncset.done $0x0  }
0x32: {  	[sflag:s17] =	ssyncadd.s32 $0xFFFFEC00  }
0x33: {  	[spmem:s11] =	stream.linear.scatter [tilespmem:s19], [sflag:$0x3], $0x1400, $0x38;
	[tilespmem:$0xFAA0] =	vst v63  }
0x34: {  	_ =	swait.ge [sflag:s17], $0x1400  }
0x35: {  	[sflag:s17] =	ssyncset.done $0x0  }
0x36: {  	[sflag:s17] =	ssyncadd.s32 $0xFFFFEC00  }
0x37: {  	[spmem:s12] =	stream.linear.scatter [tilespmem:s19], [sflag:$0x3], $0x1400, $0x38;
	[tilespmem:$0xFAA0] =	vst v63  }
0x38: {  	_ =	swait.ge [sflag:s17], $0x1400  }
0x39: {  	[sflag:s17] =	ssyncset.done $0x0  }
0x3a: {  	[sflag:s17] =	ssyncadd.s32 $0xFFFFEC00  }
0x3b: {  	[spmem:s13] =	stream.linear.scatter [tilespmem:s19], [sflag:$0x3], $0x1400, $0x38;
	[tilespmem:$0xFAA0] =	vst v63  }
0x3c: {  	_ =	swait.ge [sflag:s17], $0x1400  }
0x3d: {  	[sflag:s17] =	ssyncset.done $0x0  }
0x3e: {  	[sflag:s17] =	ssyncadd.s32 $0xFFFFEC00  }
0x3f: {  	[spmem:s14] =	stream.linear.scatter [tilespmem:s19], [sflag:$0x3], $0x1400, $0x38;
	[tilespmem:$0xFAA0] =	vst v63  }
0x40: {  	_ =	swait.ge [sflag:s17], $0x1400  }
0x41: {  	[sflag:s17] =	ssyncset.done $0x0  }
0x42: {  	[sflag:s17] =	ssyncadd.s32 $0xFFFFEC00  }
0x43: {  	s29 =	simm.s32 $0x0;
	[bflag:$0x0] =	sbarrier.arrive $0xFFFF  }
0x44: {  	[tilespmem:s19], [sflag:$0x1] =	stream.indirect.gather [hbm4b:s4+s20], $0x40, s29, s20, $0xb8;
	[tilespmem:$0xFAA0] =	vst v63  }
0x45: {  	s29 =	simm.s32 $0x68  }
0x46: {  	[tilespmem:s21], [sflag:$0x2] =	stream.indirect.gather [hbm4b:s4+s20], $0x40, s29, s20, $0xb8;
	[tilespmem:$0xFAA0] =	vst v63  }
0x47: {  	_ =	swait.ge [sflag:s22], $0x1900  }
0x48: {  	[sflag:s22] =	ssyncset.done $0x0  }
0x49: {  	s29 =	simm.s32 $0x1450;
	[sflag:s22] =	ssyncadd.s32 $0xFFFFE700  }
0x4a: {  	[spmem:s2] =	stream.indirect.scatter.add.f32 [tilespmem:s19], [sflag:$0x3], $0x40, s29, s20, $0xb8;
	[tilespmem:$0xFAA0] =	vst v63  }
0x4b: {  	_ =	swait.ge [sflag:s17], $0x1900  }
0x4c: {  	[sflag:s17] =	ssyncset.done $0x0  }
0x4d: {  	s29 =	simm.s32 $0xD0;
	[sflag:s17] =	ssyncadd.s32 $0xFFFFE700  }
0x4e: {  	[tilespmem:s19], [sflag:$0x1] =	stream.indirect.gather [hbm4b:s4+s20], $0x40, s29, s20, $0xb8;
	[tilespmem:$0xFAA0] =	vst v63  }
0x4f: {  	_ =	swait.ge [sflag:s23], $0x1900  }
0x50: {  	[sflag:s23] =	ssyncset.done $0x0  }
0x51: {  	s29 =	simm.s32 $0x14B8;
	[sflag:s23] =	ssyncadd.s32 $0xFFFFE700  }
0x52: {  	[spmem:s2] =	stream.indirect.scatter.add.f32 [tilespmem:s21], [sflag:$0x3], $0x40, s29, s20, $0xb8;
	[tilespmem:$0xFAA0] =	vst v63  }
0x53: {  	_ =	swait.ge [sflag:s17], $0x1900  }
0x54: {  	s30 =	simm.s32 $0x680;
	s29 =	simm.s32 $0xD0;
	[sflag:s17] =	ssyncset.done $0x0  }
.LBB2_4:
0x55: {  	s31 =	sadd.s32 $0x68, s29  }
0x56: {  	[sflag:s17] =	ssyncadd.s32 $0xFFFFE700;
	s1 =	smov.u32 s30;
	s0 =	sadd.s32 $0x340, s30  }
0x57: {  	[tilespmem:s21], [sflag:$0x2] =	stream.indirect.gather [hbm4b:s4+s20], $0x40, s31, s20, $0xb8;
	[tilespmem:$0xFAA0] =	vst v63  }
0x58: {  	p0 =	sne.s32 s30, $0x4AC0;
	_ =	swait.ge [sflag:s22], $0x1900  }
0x59: {  	[sflag:s22] =	ssyncset.done $0x0  }
0x5a: {  	s30 =	sadd.s32 $0x1450, s29;
	[sflag:s22] =	ssyncadd.s32 $0xFFFFE700  }
0x5b: {  	[spmem:s2] =	stream.indirect.scatter.add.f32 [tilespmem:s19], [sflag:$0x3], $0x40, s30, s20, $0xb8;
	[tilespmem:$0xFAA0] =	vst v63  }
0x5c: {  	_ =	swait.ge [sflag:s17], $0x1900  }
0x5d: {  	[sflag:s17] =	ssyncset.done $0x0  }
0x5e: {  	s30 =	sadd.s32 $0xD0, s29;
	[sflag:s17] =	ssyncadd.s32 $0xFFFFE700  }
0x5f: {  	[tilespmem:s19], [sflag:$0x1] =	stream.indirect.gather [hbm4b:s4+s20], $0x40, s30, s20, $0xb8;
	[tilespmem:$0xFAA0] =	vst v63  }
0x60: {  	_ =	swait.ge [sflag:s23], $0x1900  }
.Ltmp1:
0x61: {  	[sflag:s23] =	ssyncset.done $0x0;
	(pc) =	sbr.rel @p0 .LBB2_4-.Ltmp1, $4  }
0x62: {  	s29 =	sadd.s32 $0x14B8, s29;
	[sflag:s23] =	ssyncadd.s32 $0xFFFFE700  }
0x63: {  	[spmem:s2] =	stream.indirect.scatter.add.f32 [tilespmem:s21], [sflag:$0x3], $0x40, s29, s20, $0xb8;
	[tilespmem:$0xFAA0] =	vst v63  }
0x64: {  	_ =	swait.ge [sflag:s17], $0x1900  }
0x65: {  	s30 =	smov.u32 s0;
	s29 =	sshra.s32 s1, $0x2;
	[sflag:s17] =	ssyncset.done $0x0  }
0x66: {  	s0 =	sadd.s32 $0x68, s29;
	[sflag:s17] =	ssyncadd.s32 $0xFFFFE700  }
0x67: {  	[tilespmem:s21], [sflag:$0x2] =	stream.indirect.gather [hbm4b:s4+s20], $0x40, s0, s20, $0xb8;
	[tilespmem:$0xFAA0] =	vst v63  }
0x68: {  	_ =	swait.ge [sflag:s22], $0x1900  }
0x69: {  	[sflag:s22] =	ssyncset.done $0x0  }
0x6a: {  	s31 =	sadd.s32 $0x1450, s29;
	[sflag:s22] =	ssyncadd.s32 $0xFFFFE700  }
0x6b: {  	[spmem:s2] =	stream.indirect.scatter.add.f32 [tilespmem:s19], [sflag:$0x3], $0x40, s31, s20, $0xb8;
	[tilespmem:$0xFAA0] =	vst v63  }
0x6c: {  	_ =	swait.ge [sflag:s17], $0x1900  }
0x6d: {  	[sflag:s17] =	ssyncset.done $0x0  }
0x6e: {  	s1 =	sadd.s32 $0xD0, s29;
	[sflag:s17] =	ssyncadd.s32 $0xFFFFE700  }
0x6f: {  	[tilespmem:s19], [sflag:$0x1] =	stream.indirect.gather [hbm4b:s4+s20], $0x40, s1, s20, $0xb8;
	[tilespmem:$0xFAA0] =	vst v63  }
0x70: {  	_ =	swait.ge [sflag:s23], $0x1900  }
0x71: {  	[sflag:s23] =	ssyncset.done $0x0  }
0x72: {  	s30 =	sadd.s32 $0x14B8, s29;
	[sflag:s23] =	ssyncadd.s32 $0xFFFFE700  }
0x73: {  	[spmem:s2] =	stream.indirect.scatter.add.f32 [tilespmem:s21], [sflag:$0x3], $0x40, s30, s20, $0xb8;
	[tilespmem:$0xFAA0] =	vst v63  }
0x74: {  	_ =	swait.ge [sflag:s17], $0x1900  }
0x75: {  	[sflag:s17] =	ssyncset.done $0x0  }
0x76: {  	[sflag:s17] =	ssyncadd.s32 $0xFFFFE700  }
0x77: {  	[tilespmem:s21], [sflag:$0x2] =	stream.indirect.gather [hbm4b:s4+s20], $0x40, s24, s20, $0xb8;
	[tilespmem:$0xFAA0] =	vst v63  }
0x78: {  	_ =	swait.ge [sflag:s22], $0x1900  }
0x79: {  	[sflag:s22] =	ssyncset.done $0x0  }
0x7a: {  	[sflag:s22] =	ssyncadd.s32 $0xFFFFE700  }
0x7b: {  	[spmem:s2] =	stream.indirect.scatter.add.f32 [tilespmem:s19], [sflag:$0x3], $0x40, s25, s20, $0xb8;
	[tilespmem:$0xFAA0] =	vst v63  }
0x7c: {  	_ =	swait.ge [sflag:s17], $0x1900  }
0x7d: {  	[sflag:s17] =	ssyncset.done $0x0  }
0x7e: {  	[sflag:s17] =	ssyncadd.s32 $0xFFFFE700  }
0x7f: {  	_ =	swait.ge [sflag:s23], $0x1900  }
0x80: {  	[sflag:s23] =	ssyncset.done $0x0  }
0x81: {  	[sflag:s23] =	ssyncadd.s32 $0xFFFFE700  }
0x82: {  	[spmem:s2] =	stream.indirect.scatter.add.f32 [tilespmem:s21], [sflag:$0x3], $0x40, s26, s20, $0xb8;
	[tilespmem:$0xFAA0] =	vst v63  }
0x83: {  	s31 =	stileid.u32;
	_ =	swait.ge [sflag:s17], $0x1900  }
0x84: {  	s28 =	sadd.s32 $0x1, s28;
	s0 =	sshll.u32 s31, $0x6;
	[sflag:s17] =	ssyncset.done $0x0  }
0x85: {  	p0 =	sne.s32 s28, s16;
	s0 =	sor.u32 $0x1C03, s0;
	[sflag:s17] =	ssyncadd.s32 $0xFFFFE700  }
.Ltmp2:
0x86: {  	s1 =	sshrl.u32 s7, $0x3;
	[bflag:$0x0] =	sbarrier.arrive $0xFFFF;
	(pc) =	sbr.rel @p0 .LBB2_1-.Ltmp2, $4  }
0x87: {  	[hbm:s15], [sflag:s0] =	dma.local [spmem:s1], $0x1400  }
0x88: {  	_ =	swait.ge [sflag:s17], $0x1400  }
0x89: {  	[sflag:s17] =	ssyncset.done $0x0  }
0x8a: {  	[sflag:s17] =	ssyncadd.s32 $0xFFFFEC00  }
0x8b: {  	_ =	sfence.sel $0x180000  }
0x8c: {  	[bflag:$0x0] =	sbarrier.arrive $0xFFFF  }
0x8d: {  	_ =	strace $0x90000050  }
0x8e: {  	s0 =	stileid.u32;
	[bflag:$0x2] =	sbarrier.arrive $0xFFFF  }
0x8f: {  	p0 =	sne.s32 s0, $0x0;
	s0 =	rddreg [dreg:$0x2]  }
0x90: {  	s0 =	sadd.s32 @!p0 $0x100000, s0  }
0x91: {  	[sflag:s0] =	ssyncadd.tile.s32 @!p0 $0x1;
	_ =	shalt  }
.Lfunc_end2:
_tile_overlayer_lowered:
.L_overlay_start_2:
0x92: {  	(tag) =	ssettag $0x2  }
0x93: {  	s0 =	rddreg [dreg:$0x0];
	s2 =	stileid.u32  }
0x94: {  	s1 =	rddreg [dreg:$0x1];
	p0 =	sne.s32 s2, $0x0  }
0x95: {  	s3 =	rddreg [dreg:$0x2];
	[bflag:$0x3] =	sbarrier.arrive $0xFFFF;
	s2 =	simm.s32 @!p0 $0x1C03  }
0x96: {  	[timem:s3], [sflag:s2] =	dma.local @!p0 [hbm:s0], s1  }
0x97: {  	s0 =	simm.s32 @!p0 $0x3  }
0x98: {  	_ =	swait.ge @!p0 [sflag:s0], s1  }
0x99: {  	s1 =	ssub.s32 @!p0 $0x0, s1;
	[sflag:s0] =	ssyncset.done @!p0 $0x0  }
0x9a: {  	[sflag:s0] =	ssyncadd.s32 @!p0 s1  }
0x9b: {  	[bflag:$0x3] =	sbarrier.arrive $0xFFFF  }
0x9c: {  	_ =	shalt  }

// kernel: kernel.9.cloned.1.call-start
scs
__scs_entry_jumppad:
0x0: {  	(pc) =	sbr.rel $0x88, $3  }
0x1: {  	(tag) =	ssettag $0x0;
	lr =	simm.s32 $0x1  }
0x2: {  	[smem:$0x3F99] =	sst lr;
	_ =	strace $0xD0000000  }
0x3: {  	_ = 	snop  }
0x4: {  	_ = 	snop  }
0x5: {  	_ = 	snop  }
0x6: {  	_ = 	snop  }
0x7: {  	_ = 	snop  }
__scs_overlays_trampoline_lowered:
0x8: {  	[smem:$0x3FA8] =	sst s0  }
0x9: {  	[smem:$0x3FA9] =	sst s1  }
0xa: {  	[smem:$0x3FAA] =	sst s2  }
0xb: {  	[smem:$0x3FAB] =	sst s3  }
0xc: {  	[smem:$0x3FAC] =	sst s4  }
0xd: {  	[smem:$0x3FAD] =	sst s5  }
0xe: {  	[smem:$0x3FAE] =	sst s6  }
0xf: {  	[smem:$0x3FAF] =	sst s7  }
0x10: {  	[smem:$0x3FB0] =	sst s8  }
0x11: {  	[smem:$0x3FB1] =	sst s9;
	s0 =	simm.s32 @!p0 $0x0  }
0x12: {  	s1 =	sld [smem:$0x3F97];
	s0 =	simm.s32 @p0 $0x1  }
0x13: {  	[smem:$0x3FB2] =	sst s0;
	s0 =	simm.s32 @!p1 $0x0  }
0x14: {  	s2 =	sld [smem:$0x3F96];
	s0 =	simm.s32 @p1 $0x1  }
0x15: {  	[smem:$0x3FB3] =	sst s0;
	s0 =	simm.s32 @!p2 $0x0  }
0x16: {  	s3 =	sld [smem:$0x3FDB];
	s0 =	simm.s32 @p2 $0x1  }
0x17: {  	s4 =	simm.s32 $0x1BF5;
	[smem:$0x3FB5] =	sst s0  }
0x18: {  	s0 =	sld [smem:$0x3F98];
	_ =	swait.ge [sflag:s4], $0x0  }
0x19: {  	s7 =	sld [smem:$0x3F99]  }
0x1a: {  	s8 =	sadd.s32 $0xFFFFE003, lr  }
0x1b: {  	s9 =	sadd.s32 $0xFFFFFEF7, lr;
	s5 =	simm.s32 $0xFFFFFFFF;
	p2 =	slt.u32 s8, $0xFFFFF086  }
0x1c: {  	p1 =	slt.u32 s9, $0xF7A;
	s5 =	simm.s32 @!p2 $0x0  }
0x1d: {  	s5 =	simm.s32 @p1 $0x1;
	p0 =	seq.s32 s7, s2  }
0x1e: {  	s7 =	smul.u32 @!p0 $0xF7A, s2;
	p2 =	seq.s32 @!p0 s5, $0x0  }
0x1f: {  	s9 =	smul.u32 $0xF7A, s1;
	s8 =	simm.s32 @!p0 $0x1BF5;
	p2 =	por !p2, p0  }
0x20: {  	[sflag:s8] =	ssyncset.s32 @!p0 $0xFFFFF086;
	s6 =	sadd.s32 @!p0 s3, s7;
	s7 =	simm.s32 @!p0 $0x108  }
0x21: {  	s3 =	sadd.s32 s3, s9;
	s6 =	sadd.s32 @!p0 $0x88, s6;
	s7 =	simm.s32 @p2 $0x1082  }
0x22: {  	[simem:s7], [sflag:s8] =	dma.local @!p0 [hbm:s6], $0xF7A  }
0x23: {  	s9 =	sor.u32 $0xD0000000, s2;
	s6 =	simm.s32 $0x108;
	_ =	swait.ge @!p0 [sflag:s8], $0x0  }
0x24: {  	s3 =	sadd.s32 $0x88, s3;
	s6 =	simm.s32 @!p1 $0x1082;
	[sflag:s4] =	ssyncset.s32 $0xFFFFF086  }
0x25: {  	[simem:s6], [sflag:s4] =	dma.local [hbm:s3], $0xF7A  }
0x26: {  	[smem:$0x3F99] =	sst s1;
	(tag) =	ssettag s2;
	_ =	strace s9  }
0x27: {  	s1 =	sld [smem:$0x3FA9]  }
0x28: {  	s2 =	sld [smem:$0x3FAA]  }
0x29: {  	s4 =	sld [smem:$0x3FAC]  }
0x2a: {  	p0 =	seq.s32 s5, $0x0;
	s5 =	sld [smem:$0x3FAD]  }
0x2b: {  	s6 =	sld [smem:$0x3FAE]  }
0x2c: {  	s7 =	sld [smem:$0x3FAF]  }
0x2d: {  	s3 =	simm.s32 $0x108;
	s8 =	sld [smem:$0x3FB0]  }
0x2e: {  	s3 =	simm.s32 @!p0 $0x1082;
	s9 =	sld [smem:$0x3FB1]  }
0x2f: {  	lr =	sadd.s32 s0, s3;
	s0 =	sld [smem:$0x3FA8]  }
0x30: {  	s3 =	sld [smem:$0x3FAB]  }
0x31: {  	[smem:$0x3FB4] =	sst s10  }
0x32: {  	s10 =	sld [smem:$0x3FB2];
	_ =	sdelay $0x3  }
0x33: {  	p0 =	seq.s32 s10, $0x1;
	s10 =	sld [smem:$0x3FB4];
	_ =	sdelay $0x3  }
0x34: {  	[smem:$0x3FB4] =	sst s10  }
0x35: {  	s10 =	sld [smem:$0x3FB3];
	_ =	sdelay $0x3  }
0x36: {  	p1 =	seq.s32 s10, $0x1;
	s10 =	sld [smem:$0x3FB4];
	_ =	sdelay $0x3  }
0x37: {  	[smem:$0x3FB4] =	sst s10  }
0x38: {  	s10 =	sld [smem:$0x3FB5]  }
0x39: {  	_ = 	snop;
	(pc) =	sbr.ind lr, $3  }
0x3a: {  	_ = 	snop  }
0x3b: {  	_ = 	snop  }
0x3c: {  	p2 =	seq.s32 s10, $0x1;
	s10 =	sld [smem:$0x3FB4]  }
0x3d: {  	_ =	shalt  }
0x3e: {  	_ =	shalt  }
0x3f: {  	_ =	shalt  }
0x40: {  	_ =	shalt  }
0x41: {  	_ =	shalt  }
0x42: {  	_ =	shalt  }
0x43: {  	_ =	shalt  }
0x44: {  	_ =	shalt  }
0x45: {  	_ =	shalt  }
0x46: {  	_ =	shalt  }
0x47: {  	_ =	shalt  }
0x48: {  	_ =	shalt  }
0x49: {  	_ =	shalt  }
0x4a: {  	_ =	shalt  }
0x4b: {  	_ =	shalt  }
0x4c: {  	_ =	shalt  }
0x4d: {  	_ =	shalt  }
0x4e: {  	_ =	shalt  }
0x4f: {  	_ =	shalt  }
0x50: {  	_ =	shalt  }
0x51: {  	_ =	shalt  }
0x52: {  	_ =	shalt  }
0x53: {  	_ =	shalt  }
0x54: {  	_ =	shalt  }
0x55: {  	_ =	shalt  }
0x56: {  	_ =	shalt  }
0x57: {  	_ =	shalt  }
0x58: {  	_ =	shalt  }
0x59: {  	_ =	shalt  }
0x5a: {  	_ =	shalt  }
0x5b: {  	_ =	shalt  }
0x5c: {  	_ =	shalt  }
0x5d: {  	_ =	shalt  }
0x5e: {  	_ =	shalt  }
0x5f: {  	_ =	shalt  }
0x60: {  	_ =	shalt  }
0x61: {  	_ =	shalt  }
0x62: {  	_ =	shalt  }
0x63: {  	_ =	shalt  }
0x64: {  	_ =	shalt  }
0x65: {  	_ =	shalt  }
0x66: {  	_ =	shalt  }
0x67: {  	_ =	shalt  }
0x68: {  	_ =	shalt  }
0x69: {  	_ =	shalt  }
0x6a: {  	_ =	shalt  }
0x6b: {  	_ =	shalt  }
0x6c: {  	_ =	shalt  }
0x6d: {  	_ =	shalt  }
0x6e: {  	_ =	shalt  }
0x6f: {  	_ =	shalt  }
0x70: {  	_ =	shalt  }
0x71: {  	_ =	shalt  }
0x72: {  	_ =	shalt  }
0x73: {  	_ =	shalt  }
0x74: {  	_ =	shalt  }
0x75: {  	_ =	shalt  }
0x76: {  	_ =	shalt  }
0x77: {  	_ =	shalt  }
0x78: {  	_ =	shalt  }
0x79: {  	_ =	shalt  }
0x7a: {  	_ =	shalt  }
0x7b: {  	_ =	shalt  }
0x7c: {  	_ =	shalt  }
0x7d: {  	_ =	shalt  }
0x7e: {  	_ =	shalt  }
0x7f: {  	_ =	shalt  }
0x80: {  	_ =	shalt  }
0x81: {  	_ =	shalt  }
0x82: {  	_ =	shalt  }
0x83: {  	_ =	shalt  }
0x84: {  	_ =	shalt  }
0x85: {  	_ =	shalt  }
0x86: {  	_ =	shalt  }
0x87: {  	_ =	shalt  }
.Lfunc_end0:
.L_simem_size_0:
called_computation_lowered:
.L_overlay_start_0:
0x88: {  	s2 =	sld [smem:$0x3FD9]  }
0x89: {  	s3 =	sld [smem:$0x3FFE];
	_ =	sdelay $0x1  }
0x8a: {  	s1 =	srdreg.scid  }
0x8b: {  	s0 =	sand.u32 $0x1, s1  }
0x8c: {  	s16 =	sshll.u32 s0, $0xA;
	s2 =	sadd.s32 s3, s2  }
0x8d: {  	s2 =	sadd.s32 s2, s16  }
0x8e: {  	[smem:$0x3FC0] =	sst s2  }
0x8f: {  	_ = 	snop  }
0x90: {  	(tm) =	ssettm $0x1  }
0x91: {  	s17 =	sld [smem:$0x3FFB];
	_ =	sdelay $0x3  }
0x92: {  	_ =	strace s17  }
0x93: {  	s2 =	sld [smem:$0x3FFC];
	_ =	sdelay $0x3  }
0x94: {  	_ =	strace s2  }
0x95: {  	s2 =	sld [smem:$0x3FFD];
	_ =	sdelay $0x3  }
0x96: {  	_ =	strace s2  }
0x97: {  	_ =	strace $0x8FFFFFFF  }
0x98: {  	s18 =	sld [smem:$0x3FDB];
	_ =	sdelay $0x1  }
0x99: {  	s19 =	simm.s32 $_scs_section_size  }
0x9a: {  	s4 =	simm.s32 $_size__tile_overlayer_lowered;
	s5 =	simm.s32 $_tile_overlayer_lowered  }
0x9b: {  	s22 =	simm.s32 $0x1BFF;
	s21 =	sshll.u32 s5, $0x1;
	s2 =	sadd.s32 s19, s18  }
0x9c: {  	s6 =	simm.s32 $0x0;
	s20 =	sshll.u32 s4, $0x1;
	s4 =	sadd.s32 s21, s2  }
0x9d: {  	[timem:s6], [sflag:s22] =	dma.local [hbm:s4], s20  }
0x9e: {  	_ =	swait.ge [sflag:s22], s20  }
0x9f: {  	s3 =	ssub.s32 $0x0, s20;
	[sflag:s22] =	ssyncset.done $0x0  }
0xa0: {  	[sflag:s22] =	ssyncadd.s32 s3;
	_ =	sdelay $0x1  }
0xa1: {  	s23 =	simm.s32 $0x1B8B  }
0xa2: {  	_ =	swait.ge [sflag:s23], $0x1  }
0xa3: {  	[sflag:s23] =	ssyncset.done $0x0  }
0xa4: {  	s25 =	simm.s32 $0x1B8E;
	s24 =	sld [smem:$0x3FFE];
	[sflag:s23] =	ssyncadd.s32 $0xFFFFFFFF  }
0xa5: {  	s26 =	simm.s32 $execute0_lowered;
	[smem:$0x3FD2] =	sst s25  }
0xa6: {  	s4 =	sshll.u32 s26, $0x1;
	_ =	strace $0x80000046;
	[dreg:$0x1] =	wrdreg $0xFFFFFFFF  }
0xa7: {  	s28 =	simm.s32 $_size_execute0_lowered;
	s2 =	sadd.s32 s2, s4;
	[dreg:$0x0] =	wrdreg $0x0  }
0xa8: {  	s4 =	sshll.u32 s28, $0x1;
	[dreg:$0x2] =	wrdreg s2  }
0xa9: {  	[dreg:$0x3] =	wrdreg s4  }
0xaa: {  	[dreg:$0x4] =	wrdreg $0xC0  }
0xab: {  	_ =	task [dreg:s6], $0x5FFFF  }
0xac: {  	[dreg:$0x1] =	wrdreg $0xFFFFFFFF  }
0xad: {  	[dreg:$0x0] =	wrdreg $0x60  }
0xae: {  	[dreg:$0x2] =	wrdreg s24  }
0xaf: {  	[dreg:$0x3] =	wrdreg $0x3C500  }
0xb0: {  	[dreg:$0x4] =	wrdreg $0x9  }
0xb1: {  	_ =	task.clear_ibuf [dreg:s6], $0x5FFFF;
	_ =	strace $0x90000046  }
0xb2: {  	s29 =	simm.s32 $0x9;
	_ =	strace $0x80000048  }
0xb3: {  	_ =	swait.ge [sflag:s29], $0x1  }
0xb4: {  	[sflag:s29] =	ssyncadd.s32 $0xFFFFFFFF  }
0xb5: {  	_ =	strace $0x90000048  }
0xb6: {  	_ =	sfence  }
0xb7: {  	s30 =	sld [smem:$0x0];
	_ =	sdelay $0x2  }
0xb8: {  	s31 =	sshll.u32 s1, $0xD;
	s1 =	sshrl.u32 s1, $0x2  }
0xb9: {  	s3 =	sand.u32 $0x4000, s31;
	s1 =	sadd.s32 s1, s30  }
0xba: {  	s0 =	sor.u32 s3, s0;
	s1 =	sshll.u32 s1, $0x11  }
0xbb: {  	s0 =	sor.u32 s1, s0  }
0xbc: {  	s0 =	sadd.s32 $0x8F2B, s0  }
0xbd: {  	[sflag:s0] =	ssyncadd.remote.s32 $0x1  }
0xbe: {  	_ =	sfence.sel $0xFFFF  }
0xbf: {  	[dreg:$0x0] =	wrdreg $0xFFFFFFFF;
	(pc) =	sbr.abs _section_cstart, $3  }
0xc0: {  	[dreg:$0x1] =	wrdreg $0xFFFFFFFF  }
0xc1: {  	_ =	task.clear_ibuf [dreg:s6], $0x2FFFF;
	_ =	strace $0x9FFFFFFF  }
0xc2: {  	(tm) =	ssettm $0x7FFFFFFF  }
0xc3: {  	_ =	shalt  }
tec
execute0_lowered:
.L_overlay_start_1:
0x0: {  	(tag) =	ssettag $0x1  }
0x1: {  	s1 =	srdreg.scid;
	s3 =	rddreg [dreg:$0x0]  }
0x2: {  	s0 =	stileid.u32;
	s6 =	rddreg [dreg:$0x1];
	s2 =	simm.s32 $0x0  }
0x3: {  	s11 =	simm.s32 $0x6450;
	s12 =	simm.s32 $0x8C50;
	s5 =	smul.u32 $0x280, s0  }
0x4: {  	s4 =	sand.u32 $0x1, s1;
	s1 =	rddreg [dreg:$0x2];
	s9 =	smul.u32 $0xA000, s0  }
0x5: {  	s13 =	simm.s32 $0x0;
	[smem:$0x7FF] =	sst s2;
	s7 =	smul.u32 $0x2800, s4  }
0x6: {  	s8 =	sshll.u32 s4, $0x4;
	_ =	strace $0x80000047;
	s4 =	ssub.s32 $0x2, s4  }
0x7: {  	s8 =	sor.u32 s0, s8;
	s10 =	sshrl.u32 s4, $0x1;
	s30 =	sshrl.u32 s9, $0x2  }
0x8: {  	s9 =	simm.s32 $0x1;
	s7 =	sadd.s32 s5, s7;
	s8 =	smul.u32 $0x1450, s8  }
0x9: {  	s31 =	ssub.s32 s4, s10;
	s4 =	sadd.s32 s30, s6;
	s7 =	sshrl.u32 s7, $0x3  }
0xa: {  	s5 =	sadd.s32 s5, s6;
	s7 =	sadd.s32 s7, s3;
	s8 =	sshrl.u32 s8, $0x3  }
0xb: {  	s10 =	simm.s32 $0x280;
	s3 =	sadd.s32 s3, s8;
	s6 =	sadd.s32 $0xC400, s7  }
0xc: {  	v0 =	vimm.f32 $0.0e+00;
	v1 =	vimm.f32 $1.000000000e+00;
	vm0 =	vcmask $0x3F30;
	s7 =	smax.u32 s31, $0x1;
	s8 =	simm.s32 $0x2800;
	s3 =	sadd.s32 $0x7140, s3  }
.LBB2_1:
0xd: {  	[tilespmem:s8], [sflag:$0x1] =	stream.linear.gather [hbm4b:s3+s2], $0x1450, $0x38;
	[tilespmem:$0x8ED0] =	vst v63  }
0xe: {  	_ =	swait.ge [sflag:s9], $0x1450  }
0xf: {  	[sflag:s9] =	ssyncset.done $0x0  }
0x10: {  	s14 =	simm.s32 $0x0;
	[sflag:s9] =	ssyncadd.s32 $0xFFFFEBB0  }
.LBB2_2:
0x11: {  	p0 =	sne.s32 s14, $0x9FC0  }
.Ltmp0:
0x12: {  	_ = 	snop;
	(pc) =	sbr.rel @p0 .LBB2_2-.Ltmp0, $3  }
0x13: {  	_ =	sdelay $0x1  }
0x14: {  	s15 =	sshra.s32 s14, $0x2  }
0x15: {  	s14 =	sadd.s32 $0x40, s14;
	[tilespmem:s15+$0x0] =	vst v0  }
0x16: {  	s14 =	simm.s32 $0x0  }
.LBB2_4:
0x17: {  	s15 =	sshra.s32 s14, $0x2  }
0x18: {  	v2 =	vld [tilespmem:s15+$0x2800];
	_ =	sdelay $0x7  }
0x19: {  	[tilespmem:v2+s2+$0x0] =	vst.idx.add.f32.msk $0xffff, v1  }
0x1a: {  	v2 =	vld [tilespmem:s15+$0x2810];
	_ =	sdelay $0x7  }
0x1b: {  	[tilespmem:v2+s2+$0x0] =	vst.idx.add.f32.msk $0xffff, v1  }
0x1c: {  	v2 =	vld [tilespmem:s15+$0x2820];
	_ =	sdelay $0x7  }
0x1d: {  	[tilespmem:v2+s2+$0x0] =	vst.idx.add.f32.msk $0xffff, v1  }
0x1e: {  	v2 =	vld [tilespmem:s15+$0x2830];
	_ =	sdelay $0x7  }
0x1f: {  	[tilespmem:v2+s2+$0x0] =	vst.idx.add.f32.msk $0xffff, v1  }
0x20: {  	v2 =	vld [tilespmem:s15+$0x2840];
	_ =	sdelay $0x7  }
0x21: {  	[tilespmem:v2+s2+$0x0] =	vst.idx.add.f32.msk $0xffff, v1  }
0x22: {  	v2 =	vld [tilespmem:s15+$0x2850];
	_ =	sdelay $0x7  }
0x23: {  	[tilespmem:v2+s2+$0x0] =	vst.idx.add.f32.msk $0xffff, v1  }
0x24: {  	v2 =	vld [tilespmem:s15+$0x2854];
	_ =	sdelay $0x2  }
0x25: {  	p0 =	sne.s32 s14, $0x4FA0  }
.Ltmp1:
0x26: {  	_ = 	snop;
	(pc) =	sbr.rel @p0 .LBB2_4-.Ltmp1, $2  }
0x27: {  	_ =	sdelay $0x2  }
0x28: {  	s14 =	sadd.s32 $0x1A0, s14;
	[tilespmem:v2+s2+$0x0] =	vst.idx.add.f32.msk vm0, v1  }
0x29: {  	s14 =	simm.s32 $0x0  }
0x2a: {  	[spmem:s4] =	stream.linear.scatter [tilespmem:s14], [sflag:$0x1], $0x2800, $0x38;
	[tilespmem:$0x8ED0] =	vst v63  }
0x2b: {  	_ =	swait.ge [sflag:s9], $0x2800  }
0x2c: {  	[sflag:s9] =	ssyncset.done $0x0  }
0x2d: {  	[sflag:s9] =	ssyncadd.s32 $0xFFFFD800  }
0x2e: {  	[bflag:$0x0] =	sbarrier.arrive $0xFFFF  }
0x2f: {  	[tilespmem:s11], [sflag:$0x1] =	stream.strided.gather [spmem:s5], $0x2800, s8, s10, $0x38;
	[tilespmem:$0x8ED0] =	vst v63  }
0x30: {  	_ =	swait.ge [sflag:s9], $0x2800  }
0x31: {  	[sflag:s9] =	ssyncset.done $0x0  }
0x32: {  	s15 =	simm.s32 $0x0;
	[sflag:s9] =	ssyncadd.s32 $0xFFFFD800  }
0x33: {  	v2 =	vld [tilespmem:s15+$0x6450]  }
0x34: {  	v3 =	vld [tilespmem:s15+$0x66D0];
	_ =	sdelay $0x1  }
0x35: {  	v4 =	vld [tilespmem:s15+$0x6950];
	_ =	sdelay $0x1  }
0x36: {  	v5 =	vld [tilespmem:s15+$0x6BD0]  }
0x37: {  	v2 =	vadd.f32 v3, v2  }
0x38: {  	v3 =	vld [tilespmem:s15+$0x6E50]  }
0x39: {  	v2 =	vadd.f32 v4, v2  }
0x3a: {  	v4 =	vld [tilespmem:s15+$0x70D0]  }
0x3b: {  	v2 =	vadd.f32 v5, v2  }
0x3c: {  	v5 =	vld [tilespmem:s15+$0x7350]  }
0x3d: {  	v2 =	vadd.f32 v3, v2  }
0x3e: {  	v3 =	vld [tilespmem:s15+$0x75D0]  }
0x3f: {  	s14 =	simm.s32 $0x10;
	v6 =	vld [tilespmem:s15+$0x7850];
	v2 =	vadd.f32 v4, v2  }
0x40: {  	v7 =	vld [tilespmem:s14+$0x6450]  }
0x41: {  	v4 =	vld [tilespmem:s15+$0x7AD0];
	v2 =	vadd.f32 v5, v2  }
0x42: {  	v5 =	vld [tilespmem:s14+$0x66D0]  }
0x43: {  	v8 =	vld [tilespmem:s14+$0x6950];
	v2 =	vadd.f32 v3, v2  }
0x44: {  	v3 =	vld [tilespmem:s15+$0x7D50]  }
0x45: {  	v9 =	vld [tilespmem:s14+$0x6BD0];
	v2 =	vadd.f32 v6, v2  }
0x46: {  	v6 =	vld [tilespmem:s15+$0x7FD0]  }
0x47: {  	v5 =	vadd.f32 v5, v7;
	v7 =	vld [tilespmem:s14+$0x6E50];
	v2 =	vadd.f32 v4, v2  }
0x48: {  	v4 =	vld [tilespmem:s15+$0x8250]  }
0x49: {  	v5 =	vadd.f32 v8, v5;
	v8 =	vld [tilespmem:s14+$0x70D0];
	v2 =	vadd.f32 v3, v2  }
0x4a: {  	v3 =	vld [tilespmem:s15+$0x84D0]  }
0x4b: {  	v10 =	vld [tilespmem:s14+$0x7350];
	v5 =	vadd.f32 v9, v5;
	v2 =	vadd.f32 v6, v2  }
0x4c: {  	v9 =	vld [tilespmem:s15+$0x8750]  }
0x4d: {  	v6 =	vadd.f32 v7, v5;
	v5 =	vld [tilespmem:s14+$0x75D0];
	v7 =	vadd.f32 v4, v2  }
0x4e: {  	v4 =	vld [tilespmem:s15+$0x89D0]  }
0x4f: {  	v2 =	vld [tilespmem:s14+$0x7AD0];
	v8 =	vadd.f32 v8, v6;
	v11 =	vadd.f32 v3, v7  }
0x50: {  	s16 =	simm.s32 $0x20;
	v6 =	vld [tilespmem:s14+$0x7850]  }
0x51: {  	s17 =	simm.s32 $0xC0;
	v3 =	vld [tilespmem:s16+$0x6450];
	v7 =	vadd.f32 v10, v8;
	v8 =	vadd.f32 v9, v11  }
.LBB2_6:
0x52: {  	p0 =	sne.s32 s17, $0x9C0;
	v9 =	vld [tilespmem:s16+$0x66D0]  }
0x53: {  	v5 =	vadd.f32 v5, v7;
	v7 =	vld [tilespmem:s14+$0x7D50];
	v4 =	vadd.f32 v4, v8  }
0x54: {  	v8 =	vld [tilespmem:s16+$0x6950]  }
0x55: {  	v5 =	vadd.f32 v6, v5;
	v6 =	vld [tilespmem:s14+$0x7FD0];
	[tilespmem:s15+$0x8C50] =	vst v4;
	s15 =	smov.u32 s14;
	s14 =	smov.u32 s16  }
0x56: {  	v4 =	vld [tilespmem:s14+$0x6BD0]  }
0x57: {  	v3 =	vadd.f32 v9, v3;
	v2 =	vadd.f32 v2, v5;
	v5 =	vld [tilespmem:s15+$0x8250]  }
0x58: {  	v9 =	vld [tilespmem:s14+$0x6E50]  }
0x59: {  	v3 =	vadd.f32 v8, v3;
	v2 =	vadd.f32 v7, v2;
	v7 =	vld [tilespmem:s15+$0x84D0]  }
0x5a: {  	v8 =	vld [tilespmem:s14+$0x70D0]  }
0x5b: {  	v3 =	vadd.f32 v4, v3;
	v2 =	vadd.f32 v6, v2;
	v10 =	vld [tilespmem:s15+$0x8750]  }
0x5c: {  	v11 =	vld [tilespmem:s14+$0x7350]  }
.Ltmp2:
0x5d: {  	v3 =	vadd.f32 v9, v3;
	v6 =	vadd.f32 v5, v2;
	v4 =	vld [tilespmem:s15+$0x89D0];
	(pc) =	sbr.rel @p0 .LBB2_6-.Ltmp2, $4  }
0x5e: {  	v5 =	vld [tilespmem:s14+$0x75D0]  }
0x5f: {  	v8 =	vadd.f32 v8, v3;
	v2 =	vld [tilespmem:s14+$0x7AD0];
	v9 =	vadd.f32 v7, v6  }
0x60: {  	s16 =	sshra.s32 s17, $0x2;
	v6 =	vld [tilespmem:s14+$0x7850]  }
0x61: {  	s17 =	sadd.s32 $0x40, s17;
	v3 =	vld [tilespmem:s16+$0x6450];
	v7 =	vadd.f32 v11, v8;
	v8 =	vadd.f32 v10, v9  }
0x62: {  	v9 =	vld [tilespmem:s16+$0x66D0]  }
0x63: {  	v10 =	vld [tilespmem:s14+$0x7D50];
	v4 =	vadd.f32 v4, v8  }
0x64: {  	v49 =	vld [tilespmem:s16+$0x6950]  }
0x65: {  	v11 =	vld [tilespmem:s14+$0x7FD0];
	v5 =	vadd.f32 v5, v7;
	[tilespmem:s15+$0x8C50] =	vst v4  }
0x66: {  	v4 =	vld [tilespmem:s16+$0x6BD0]  }
0x67: {  	v5 =	vadd.f32 v6, v5;
	v3 =	vadd.f32 v9, v3  }
0x68: {  	v50 =	vld [tilespmem:s16+$0x6E50]  }
0x69: {  	v51 =	vld [tilespmem:s14+$0x8250];
	v2 =	vadd.f32 v2, v5;
	v3 =	vadd.f32 v49, v3  }
0x6a: {  	v52 =	vld [tilespmem:s16+$0x70D0]  }
0x6b: {  	v53 =	vld [tilespmem:s14+$0x84D0];
	v2 =	vadd.f32 v10, v2;
	v3 =	vadd.f32 v4, v3  }
0x6c: {  	v54 =	vld [tilespmem:s16+$0x7350]  }
0x6d: {  	v55 =	vld [tilespmem:s14+$0x8750];
	v2 =	vadd.f32 v11, v2;
	v3 =	vadd.f32 v50, v3  }
0x6e: {  	v56 =	vld [tilespmem:s16+$0x75D0]  }
0x6f: {  	v57 =	vld [tilespmem:s14+$0x89D0];
	v2 =	vadd.f32 v51, v2;
	v3 =	vadd.f32 v52, v3  }
0x70: {  	v58 =	vld [tilespmem:s16+$0x7850]  }
0x71: {  	v2 =	vadd.f32 v53, v2;
	v3 =	vadd.f32 v54, v3  }
0x72: {  	v59 =	vld [tilespmem:s16+$0x7AD0]  }
0x73: {  	v2 =	vadd.f32 v55, v2;
	v3 =	vadd.f32 v56, v3  }
0x74: {  	v60 =	vld [tilespmem:s16+$0x7D50]  }
0x75: {  	v2 =	vadd.f32 v57, v2;
	v3 =	vadd.f32 v58, v3  }
0x76: {  	v61 =	vld [tilespmem:s16+$0x7FD0]  }
0x77: {  	[tilespmem:s14+$0x8C50] =	vst v2;
	v2 =	vadd.f32 v59, v3  }
0x78: {  	v3 =	vld [tilespmem:s16+$0x8250]  }
0x79: {  	v2 =	vadd.f32 v60, v2  }
0x7a: {  	v62 =	vld [tilespmem:s16+$0x84D0]  }
0x7b: {  	v2 =	vadd.f32 v61, v2  }
0x7c: {  	v63 =	vld [tilespmem:s16+$0x8750]  }
0x7d: {  	v2 =	vadd.f32 v3, v2  }
0x7e: {  	v3 =	vld [tilespmem:s16+$0x89D0]  }
0x7f: {  	v2 =	vadd.f32 v62, v2;
	_ =	sdelay $0x1  }
0x80: {  	v2 =	vadd.f32 v63, v2;
	_ =	sdelay $0x1  }
0x81: {  	s13 =	sadd.s32 $0x1, s13;
	v2 =	vadd.f32 v3, v2  }
0x82: {  	p0 =	sne.s32 s13, s7  }
.Ltmp3:
0x83: {  	[tilespmem:s16+$0x8C50] =	vst v2;
	(pc) =	sbr.rel @p0 .LBB2_1-.Ltmp3, $4  }
0x84: {  	[hbm4b:s6+s2] =	stream.linear.scatter [tilespmem:s12], [sflag:$0x1], $0x280, $0x38;
	[tilespmem:$0x8ED0] =	vst v63  }
0x85: {  	_ =	swait.ge [sflag:s9], $0x280  }
0x86: {  	[sflag:s9] =	ssyncset.done $0x0  }
0x87: {  	[sflag:s9] =	ssyncadd.s32 $0xFFFFFD80  }
0x88: {  	_ =	sfence.sel $0x180000  }
0x89: {  	[bflag:$0x0] =	sbarrier.arrive $0xFFFF  }
0x8a: {  	p0 =	sne.s32 s0, $0x0;
	_ =	strace $0x90000047  }
0x8b: {  	s0 =	sadd.s32 @!p0 $0x100000, s1;
	[bflag:$0x2] =	sbarrier.arrive $0xFFFF  }
0x8c: {  	[sflag:s0] =	ssyncadd.tile.s32 @!p0 $0x1;
	_ =	shalt  }
.Lfunc_end2:
_tile_overlayer_lowered:
.L_overlay_start_2:
0x8d: {  	(tag) =	ssettag $0x2  }
0x8e: {  	s0 =	rddreg [dreg:$0x0];
	s2 =	stileid.u32  }
0x8f: {  	s1 =	rddreg [dreg:$0x1];
	p0 =	sne.s32 s2, $0x0  }
0x90: {  	s3 =	rddreg [dreg:$0x2];
	[bflag:$0x3] =	sbarrier.arrive $0xFFFF;
	s2 =	simm.s32 @!p0 $0x1C01  }
0x91: {  	[timem:s3], [sflag:s2] =	dma.local @!p0 [hbm:s0], s1  }
0x92: {  	s0 =	simm.s32 @!p0 $0x1  }
0x93: {  	_ =	swait.ge @!p0 [sflag:s0], s1  }
0x94: {  	s1 =	ssub.s32 @!p0 $0x0, s1;
	[sflag:s0] =	ssyncset.done @!p0 $0x0  }
0x95: {  	[sflag:s0] =	ssyncadd.s32 @!p0 s1  }
0x96: {  	[bflag:$0x3] =	sbarrier.arrive $0xFFFF  }
0x97: {  	_ =	shalt  }

</sc_bundles>
